<compile_context>
chip_gen: v7x
topology: tpu7x:2x2x1
jax: 0.10.2.dev20260603
libtpu: 0.0.44.dev20260713+nightly
codegen_flags: <defaults>
</compile_context>

<pallas_src>
import jax
import jax.numpy as jnp
from jax import lax
from jax.experimental import pallas as pl
from jax.experimental.pallas import tpu as pltpu
from jax.experimental.pallas import tpu_sc as plsc

_NUM_UNITS = 64
_MAX_REL = 128
_LQ = 2048
_LK = 2048

_NC = 2
_NS = 16
_NW = _NC * _NS

_NCLS = 128
_M = _LQ // _NCLS
_CPW = _NCLS // _NW
_TR = _NUM_UNITS // 8
_TRH = 4
_NTC = _LK // 128
_STC = _NTC + _M - 1
_VLO = 14
_VHI = 17


def _band_expand(vt_hbm, out_hbm, stage, sem_g, sem_s):
  wid = lax.axis_index("s") * _NC + lax.axis_index("c")
  jit8 = pl.multiple_of(8 * wid, 8)

  def drain_g(n):
    def body(t, carry):
      pltpu.make_async_copy(
          out_hbm.at[0, pl.ds(0, _TRH), 0], stage.at[:, 0], sem_g
      ).wait()
      return carry

    lax.fori_loop(0, n, body, 0)

  for h in range(2):
    trb = h * _TRH

    def fill_lo(t, carry):
      pltpu.async_copy(
          vt_hbm.at[pl.ds(trb, _TRH), :, pl.ds(jit8 + 112 * t, 128)],
          stage.at[:, t],
          sem_g,
      )
      return carry

    def fill_hi(t, carry):
      pltpu.async_copy(
          vt_hbm.at[pl.ds(trb, _TRH), :, pl.ds(2176 + jit8 + 112 * (t - _VHI), 128)],
          stage.at[:, t],
          sem_g,
      )
      return carry

    lax.fori_loop(0, _VLO, fill_lo, 0)
    lax.fori_loop(_VHI, _STC, fill_hi, 0)
    drain_g(_VLO + (_STC - _VHI))

    for ci in range(_CPW):
      c = wid + _NW * ci
      base = (_NCLS - 1) - c
      p = lax.rem(base, 8)
      aligned = pl.multiple_of(base - p, 8)

      def fire_var(t, carry):
        pltpu.async_copy(
            vt_hbm.at[pl.ds(p * 8 + trb, _TRH), :, pl.ds(aligned + 128 * t, 128)],
            stage.at[:, t],
            sem_g,
        )
        return carry

      lax.fori_loop(_VLO, _VHI, fire_var, 0)
      drain_g(_VHI - _VLO)

      def fire_planes(m, carry):
        q = c + _NCLS * m
        tcx0 = (_M - 1) - m
        pltpu.async_copy(
            stage.at[:, pl.ds(tcx0, _NTC)],
            out_hbm.at[q, pl.ds(trb, _TRH)],
            sem_s,
        )
        return carry

      lax.fori_loop(0, _M, fire_planes, 0)

      def drain_planes(m, carry):
        pltpu.make_async_copy(
            out_hbm.at[0, pl.ds(0, _TRH)], stage.at[:, pl.ds(0, _NTC)], sem_s
        ).wait()
        return carry

      lax.fori_loop(0, _M, drain_planes, 0)


def kernel(length_q, length_k, embeddings_table):
  tt = embeddings_table.astype(jnp.float32).T
  vt = jnp.concatenate(
      [
          jnp.broadcast_to(tt[:, :1], (_NUM_UNITS, _LK - 1 - _MAX_REL)),
          tt,
          jnp.broadcast_to(tt[:, -1:], (_NUM_UNITS, _LQ - _MAX_REL)),
      ],
      axis=1,
  )
  vtp = jnp.concatenate(
      [vt, jnp.broadcast_to(vt[:, -1:], (_NUM_UNITS, 7))], axis=1
  )
  vt8 = jnp.stack([vtp[:, p : p + _LQ + _LK] for p in range(8)])
  vt8 = vt8.reshape(8 * _TR, 8, _LQ + _LK)

  mesh = plsc.VectorSubcoreMesh(
      core_axis_name="c", subcore_axis_name="s", num_cores=_NC, num_subcores=_NS
  )
  out5 = pl.kernel(
      _band_expand,
      out_type=jax.ShapeDtypeStruct((_LQ, _TR, _NTC, 8, 128), jnp.float32),
      mesh=mesh,
      scratch_types=[
          pltpu.VMEM((_TRH, _STC, 8, 128), jnp.float32),
          pltpu.SemaphoreType.DMA,
          pltpu.SemaphoreType.DMA,
      ],
      compiler_params=pltpu.CompilerParams(use_tc_tiling_on_sc=False),
  )(vt8)
  return jnp.transpose(out5, (0, 2, 4, 1, 3)).reshape(_LQ, _LK, _NUM_UNITS)

# --- scband reference (transcript-rebuilt; emitter-appended) ---
"""Pipeline reference for scband-relative-position-180388627048 (READ-ONLY COPY).

The authoritative reference and input builder live on the scoring server;
editing this copy changes nothing except your own understanding.
"""

import jax, jax.numpy as jnp
import numpy as np

NUM_UNITS = 64
MAX_REL = 128
LENGTH_Q = 2048
LENGTH_K = 2048

def setup_inputs(seed: int = 0) -> dict:
    key = jax.random.key(seed)
    # xavier_uniform init for embeddings_table of shape (2*MAX_REL+1, NUM_UNITS)
    fan_in, fan_out = 2 * MAX_REL + 1, NUM_UNITS
    limit = float(np.sqrt(6.0 / (fan_in + fan_out)))
    embeddings_table = jax.random.uniform(key, (2 * MAX_REL + 1, NUM_UNITS), dtype=jnp.float32, minval=-limit, maxval=limit)
    return {"length_q": LENGTH_Q, "length_k": LENGTH_K, "embeddings_table": embeddings_table}

def reference(length_q, length_k, embeddings_table):
    range_vec_q = jnp.arange(LENGTH_Q)
    range_vec_k = jnp.arange(LENGTH_K)
    distance_mat = range_vec_k[None, :] - range_vec_q[:, None]
    distance_mat_clipped = jnp.clip(distance_mat, -MAX_REL, MAX_REL)
    final_mat = (distance_mat_clipped + MAX_REL + 0 * length_q + 0 * length_k).astype(jnp.int32)
    embeddings = jnp.take(embeddings_table, final_mat, axis=0)
    return embeddings

if __name__ == "__main__":
    import jax
    _d = setup_inputs()
    print(jax.jit(kernel)(*tuple(_d.values())))

</pallas_src>

<mosaic_0001>
#map = affine_map<(d0, d1) -> (0, 0, 0)>
#map1 = affine_map<(d0, d1) -> (0, 0, 0, 0, 0)>
module attributes {stable_mosaic.version = 14 : i64} {
  func.func @_band_expand(%arg0: i32, %arg1: i32, %arg2: memref<64x8x4096xf32, #tpu.memory_space<hbm>>, %arg3: memref<2048x8x16x8x128xf32, #tpu.memory_space<hbm>>, %arg4: memref<4x31x8x128xf32, #tpu.memory_space<vmem>>, %arg5: memref<!tpu.dma_semaphore, #tpu.memory_space<semaphore_mem>>, %arg6: memref<!tpu.dma_semaphore, #tpu.memory_space<semaphore_mem>>) attributes {dimension_semantics = [#tpu.dimension_semantics<core_parallel>, #tpu.dimension_semantics<subcore_parallel>], iteration_bounds = array<i64: 2, 16>, scalar_prefetch = 0 : i64, scratch_operands = 3 : i64, tpu.core_type = #tpu.core_type<sc_vector_subcore>, window_params = [{transform_indices = #map}, {transform_indices = #map1}]} {
    %mul3A = arith.constant 2 : i32
    %mul3A_0 = arith.muli %arg1, %mul3A : i32
    %add3A = arith.addi %mul3A_0, %arg0 : i32
    %mul3A_1 = arith.constant 8 : i32
    %mul3A_2 = arith.muli %mul3A_1, %add3A : i32
    %multiple_of3A = tpu.assume_multiple %mul3A_2, 8 : i32
    %scan3A = arith.constant 0 : i32
    %scan3A_3 = arith.constant 0 : i32
    %scan3A_4 = arith.constant 14 : i32
    %scan3A_5 = arith.addi %scan3A_3, %scan3A_4 : i32
    %scan3A_6 = arith.constant 1 : i32
    scf.for %scan3A_292 = %scan3A_3 to %scan3A_5 step %scan3A_6  : i32 {
      %mul3A_293 = arith.constant 112 : i32
      %mul3A_294 = arith.muli %mul3A_293, %scan3A_292 : i32
      %add3A_295 = arith.addi %multiple_of3A, %mul3A_294 : i32
      %dma_start3A = arith.constant 0 : i32
      %dma_start3A_296 = arith.constant 0 : i32
      %dma_start3A_297 = arith.constant 0 : i32
      %dma_start3A_298 = tpu.memref_slice %arg4[%dma_start3A, %scan3A_292, %dma_start3A_296, %dma_start3A_297] : memref<4x31x8x128xf32, #tpu.memory_space<vmem>> -> memref<4x1x8x128xf32, #tpu.memory_space<vmem>>
      %dma_start3A_299 = tpu.memref_squeeze %dma_start3A_298 : memref<4x1x8x128xf32, #tpu.memory_space<vmem>> -> memref<4x8x128xf32, #tpu.memory_space<vmem>>
      %dma_start3A_300 = arith.constant 0 : i32
      %dma_start3A_301 = arith.constant 0 : i32
      %dma_start3A_302 = tpu.memref_slice %arg2[%dma_start3A_300, %dma_start3A_301, %add3A_295] : memref<64x8x4096xf32, #tpu.memory_space<hbm>> -> memref<4x8x128xf32, #tpu.memory_space<hbm>>
      %dma_start3A_303 = arith.constant 0 : i32
      %dma_start3A_304 = arith.constant 0 : i32
      %dma_start3A_305 = arith.constant 0 : i32
      %dma_start3A_306 = tpu.memref_slice %arg4[%dma_start3A_303, %scan3A_292, %dma_start3A_304, %dma_start3A_305] : memref<4x31x8x128xf32, #tpu.memory_space<vmem>> -> memref<4x1x8x128xf32, #tpu.memory_space<vmem>>
      %dma_start3A_307 = tpu.memref_squeeze %dma_start3A_306 : memref<4x1x8x128xf32, #tpu.memory_space<vmem>> -> memref<4x8x128xf32, #tpu.memory_space<vmem>>
      %dma_start3A_308 = arith.constant 0 : i32
      %dma_start3A_309 = arith.constant 0 : i32
      %dma_start3A_310 = tpu.memref_slice %arg2[%dma_start3A_308, %dma_start3A_309, %add3A_295] : memref<64x8x4096xf32, #tpu.memory_space<hbm>> -> memref<4x8x128xf32, #tpu.memory_space<hbm>>
      tpu.enqueue_dma source(%dma_start3A_310 : memref<4x8x128xf32, #tpu.memory_space<hbm>>) target(%dma_start3A_307 : memref<4x8x128xf32, #tpu.memory_space<vmem>>) target_semaphore(%arg5 : memref<!tpu.dma_semaphore, #tpu.memory_space<semaphore_mem>>)
    }
    %scan3A_7 = arith.constant 14 : i32
    %scan3A_8 = arith.constant 0 : i32
    %scan3A_9 = arith.constant 17 : i32
    %scan3A_10 = arith.constant 14 : i32
    %scan3A_11 = arith.addi %scan3A_9, %scan3A_10 : i32
    %scan3A_12 = arith.constant 1 : i32
    scf.for %scan3A_292 = %scan3A_9 to %scan3A_11 step %scan3A_12  : i32 {
      %add3A_293 = arith.constant 2176 : i32
      %add3A_294 = arith.addi %add3A_293, %multiple_of3A : i32
      %sub3A_295 = arith.constant 17 : i32
      %sub3A_296 = arith.subi %scan3A_292, %sub3A_295 : i32
      %mul3A_297 = arith.constant 112 : i32
      %mul3A_298 = arith.muli %mul3A_297, %sub3A_296 : i32
      %add3A_299 = arith.addi %add3A_294, %mul3A_298 : i32
      %dma_start3A = arith.constant 0 : i32
      %dma_start3A_300 = arith.constant 0 : i32
      %dma_start3A_301 = arith.constant 0 : i32
      %dma_start3A_302 = tpu.memref_slice %arg4[%dma_start3A, %scan3A_292, %dma_start3A_300, %dma_start3A_301] : memref<4x31x8x128xf32, #tpu.memory_space<vmem>> -> memref<4x1x8x128xf32, #tpu.memory_space<vmem>>
      %dma_start3A_303 = tpu.memref_squeeze %dma_start3A_302 : memref<4x1x8x128xf32, #tpu.memory_space<vmem>> -> memref<4x8x128xf32, #tpu.memory_space<vmem>>
      %dma_start3A_304 = arith.constant 0 : i32
      %dma_start3A_305 = arith.constant 0 : i32
      %dma_start3A_306 = tpu.memref_slice %arg2[%dma_start3A_304, %dma_start3A_305, %add3A_299] : memref<64x8x4096xf32, #tpu.memory_space<hbm>> -> memref<4x8x128xf32, #tpu.memory_space<hbm>>
      %dma_start3A_307 = arith.constant 0 : i32
      %dma_start3A_308 = arith.constant 0 : i32
      %dma_start3A_309 = arith.constant 0 : i32
      %dma_start3A_310 = tpu.memref_slice %arg4[%dma_start3A_307, %scan3A_292, %dma_start3A_308, %dma_start3A_309] : memref<4x31x8x128xf32, #tpu.memory_space<vmem>> -> memref<4x1x8x128xf32, #tpu.memory_space<vmem>>
      %dma_start3A_311 = tpu.memref_squeeze %dma_start3A_310 : memref<4x1x8x128xf32, #tpu.memory_space<vmem>> -> memref<4x8x128xf32, #tpu.memory_space<vmem>>
      %dma_start3A_312 = arith.constant 0 : i32
      %dma_start3A_313 = arith.constant 0 : i32
      %dma_start3A_314 = tpu.memref_slice %arg2[%dma_start3A_312, %dma_start3A_313, %add3A_299] : memref<64x8x4096xf32, #tpu.memory_space<hbm>> -> memref<4x8x128xf32, #tpu.memory_space<hbm>>
      tpu.enqueue_dma source(%dma_start3A_314 : memref<4x8x128xf32, #tpu.memory_space<hbm>>) target(%dma_start3A_311 : memref<4x8x128xf32, #tpu.memory_space<vmem>>) target_semaphore(%arg5 : memref<!tpu.dma_semaphore, #tpu.memory_space<semaphore_mem>>)
    }
    %scan3A_13 = arith.constant 14 : i32
    %scan3A_14 = arith.constant 0 : i32
    %scan3A_15 = arith.constant 0 : i32
    %scan3A_16 = arith.constant 28 : i32
    %scan3A_17 = arith.addi %scan3A_15, %scan3A_16 : i32
    %scan3A_18 = arith.constant 1 : i32
    scf.for %scan3A_292 = %scan3A_15 to %scan3A_17 step %scan3A_18  : i32 {
      %dma_wait3A = arith.constant 0 : i32
      %dma_wait3A_293 = arith.constant 0 : i32
      %dma_wait3A_294 = arith.constant 0 : i32
      %dma_wait3A_295 = arith.constant 0 : i32
      %dma_wait3A_296 = arith.constant 0 : i32
      %dma_wait3A_297 = arith.constant 0 : i32
      %dma_wait3A_298 = tpu.memref_slice %arg4[%dma_wait3A_295, %dma_wait3A_294, %dma_wait3A_296, %dma_wait3A_297] : memref<4x31x8x128xf32, #tpu.memory_space<vmem>> -> memref<4x1x8x128xf32, #tpu.memory_space<vmem>>
      %dma_wait3A_299 = tpu.memref_squeeze %dma_wait3A_298 : memref<4x1x8x128xf32, #tpu.memory_space<vmem>> -> memref<4x8x128xf32, #tpu.memory_space<vmem>>
      %dma_wait3A_300 = arith.constant 0 : i32
      %dma_wait3A_301 = arith.constant 0 : i32
      %dma_wait3A_302 = arith.constant 0 : i32
      %dma_wait3A_303 = tpu.memref_slice %arg3[%dma_wait3A, %dma_wait3A_300, %dma_wait3A_293, %dma_wait3A_301, %dma_wait3A_302] : memref<2048x8x16x8x128xf32, #tpu.memory_space<hbm>> -> memref<1x4x1x8x128xf32, #tpu.memory_space<hbm>>
      %dma_wait3A_304 = tpu.memref_squeeze %dma_wait3A_303 : memref<1x4x1x8x128xf32, #tpu.memory_space<hbm>> -> memref<4x8x128xf32, #tpu.memory_space<hbm>>
      %dma_wait3A_305 = arith.constant 0 : i32
      %dma_wait3A_306 = arith.constant 0 : i32
      %dma_wait3A_307 = arith.constant 0 : i32
      %dma_wait3A_308 = tpu.memref_slice %arg4[%dma_wait3A_305, %dma_wait3A_294, %dma_wait3A_306, %dma_wait3A_307] : memref<4x31x8x128xf32, #tpu.memory_space<vmem>> -> memref<4x1x8x128xf32, #tpu.memory_space<vmem>>
      %dma_wait3A_309 = tpu.memref_squeeze %dma_wait3A_308 : memref<4x1x8x128xf32, #tpu.memory_space<vmem>> -> memref<4x8x128xf32, #tpu.memory_space<vmem>>
      %dma_wait3A_310 = arith.constant 0 : i32
      %dma_wait3A_311 = arith.constant 0 : i32
      %dma_wait3A_312 = arith.constant 0 : i32
      %dma_wait3A_313 = tpu.memref_slice %arg3[%dma_wait3A, %dma_wait3A_310, %dma_wait3A_293, %dma_wait3A_311, %dma_wait3A_312] : memref<2048x8x16x8x128xf32, #tpu.memory_space<hbm>> -> memref<1x4x1x8x128xf32, #tpu.memory_space<hbm>>
      %dma_wait3A_314 = tpu.memref_squeeze %dma_wait3A_313 : memref<1x4x1x8x128xf32, #tpu.memory_space<hbm>> -> memref<4x8x128xf32, #tpu.memory_space<hbm>>
      tpu.wait_dma2 semaphore(%arg5 : memref<!tpu.dma_semaphore, #tpu.memory_space<semaphore_mem>>) src(%dma_wait3A_314 : memref<4x8x128xf32, #tpu.memory_space<hbm>>) dst(%dma_wait3A_309 : memref<4x8x128xf32, #tpu.memory_space<vmem>>)
    }
    %scan3A_19 = arith.constant 28 : i32
    %add3A_20 = arith.constant 0 : i32
    %add3A_21 = arith.addi %add3A, %add3A_20 : i32
    %sub3A = arith.constant 127 : i32
    %sub3A_22 = arith.subi %sub3A, %add3A_21 : i32
    %rem3A = arith.constant 8 : i32
    %rem3A_23 = arith.remsi %sub3A_22, %rem3A : i32
    %sub3A_24 = arith.subi %sub3A_22, %rem3A_23 : i32
    %multiple_of3A_25 = tpu.assume_multiple %sub3A_24, 8 : i32
    %scan3A_26 = arith.constant 0 : i32
    %scan3A_27 = arith.constant 14 : i32
    %scan3A_28 = arith.constant 3 : i32
    %scan3A_29 = arith.addi %scan3A_27, %scan3A_28 : i32
    %scan3A_30 = arith.constant 1 : i32
    scf.for %scan3A_292 = %scan3A_27 to %scan3A_29 step %scan3A_30  : i32 {
      %mul3A_293 = arith.constant 8 : i32
      %mul3A_294 = arith.muli %rem3A_23, %mul3A_293 : i32
      %add3A_295 = arith.constant 0 : i32
      %add3A_296 = arith.addi %mul3A_294, %add3A_295 : i32
      %mul3A_297 = arith.constant 128 : i32
      %mul3A_298 = arith.muli %mul3A_297, %scan3A_292 : i32
      %add3A_299 = arith.addi %multiple_of3A_25, %mul3A_298 : i32
      %dma_start3A = arith.constant 0 : i32
      %dma_start3A_300 = arith.constant 0 : i32
      %dma_start3A_301 = arith.constant 0 : i32
      %dma_start3A_302 = tpu.memref_slice %arg4[%dma_start3A, %scan3A_292, %dma_start3A_300, %dma_start3A_301] : memref<4x31x8x128xf32, #tpu.memory_space<vmem>> -> memref<4x1x8x128xf32, #tpu.memory_space<vmem>>
      %dma_start3A_303 = tpu.memref_squeeze %dma_start3A_302 : memref<4x1x8x128xf32, #tpu.memory_space<vmem>> -> memref<4x8x128xf32, #tpu.memory_space<vmem>>
      %dma_start3A_304 = arith.constant 0 : i32
      %dma_start3A_305 = tpu.memref_slice %arg2[%add3A_296, %dma_start3A_304, %add3A_299] : memref<64x8x4096xf32, #tpu.memory_space<hbm>> -> memref<4x8x128xf32, #tpu.memory_space<hbm>>
      %dma_start3A_306 = arith.constant 0 : i32
      %dma_start3A_307 = arith.constant 0 : i32
      %dma_start3A_308 = arith.constant 0 : i32
      %dma_start3A_309 = tpu.memref_slice %arg4[%dma_start3A_306, %scan3A_292, %dma_start3A_307, %dma_start3A_308] : memref<4x31x8x128xf32, #tpu.memory_space<vmem>> -> memref<4x1x8x128xf32, #tpu.memory_space<vmem>>
      %dma_start3A_310 = tpu.memref_squeeze %dma_start3A_309 : memref<4x1x8x128xf32, #tpu.memory_space<vmem>> -> memref<4x8x128xf32, #tpu.memory_space<vmem>>
      %dma_start3A_311 = arith.constant 0 : i32
      %dma_start3A_312 = tpu.memref_slice %arg2[%add3A_296, %dma_start3A_311, %add3A_299] : memref<64x8x4096xf32, #tpu.memory_space<hbm>> -> memref<4x8x128xf32, #tpu.memory_space<hbm>>
      tpu.enqueue_dma source(%dma_start3A_312 : memref<4x8x128xf32, #tpu.memory_space<hbm>>) target(%dma_start3A_310 : memref<4x8x128xf32, #tpu.memory_space<vmem>>) target_semaphore(%arg5 : memref<!tpu.dma_semaphore, #tpu.memory_space<semaphore_mem>>)
    }
    %scan3A_31 = arith.constant 3 : i32
    %scan3A_32 = arith.constant 0 : i32
    %scan3A_33 = arith.constant 0 : i32
    %scan3A_34 = arith.constant 3 : i32
    %scan3A_35 = arith.addi %scan3A_33, %scan3A_34 : i32
    %scan3A_36 = arith.constant 1 : i32
    scf.for %scan3A_292 = %scan3A_33 to %scan3A_35 step %scan3A_36  : i32 {
      %dma_wait3A = arith.constant 0 : i32
      %dma_wait3A_293 = arith.constant 0 : i32
      %dma_wait3A_294 = arith.constant 0 : i32
      %dma_wait3A_295 = arith.constant 0 : i32
      %dma_wait3A_296 = arith.constant 0 : i32
      %dma_wait3A_297 = arith.constant 0 : i32
      %dma_wait3A_298 = tpu.memref_slice %arg4[%dma_wait3A_295, %dma_wait3A_294, %dma_wait3A_296, %dma_wait3A_297] : memref<4x31x8x128xf32, #tpu.memory_space<vmem>> -> memref<4x1x8x128xf32, #tpu.memory_space<vmem>>
      %dma_wait3A_299 = tpu.memref_squeeze %dma_wait3A_298 : memref<4x1x8x128xf32, #tpu.memory_space<vmem>> -> memref<4x8x128xf32, #tpu.memory_space<vmem>>
      %dma_wait3A_300 = arith.constant 0 : i32
      %dma_wait3A_301 = arith.constant 0 : i32
      %dma_wait3A_302 = arith.constant 0 : i32
      %dma_wait3A_303 = tpu.memref_slice %arg3[%dma_wait3A, %dma_wait3A_300, %dma_wait3A_293, %dma_wait3A_301, %dma_wait3A_302] : memref<2048x8x16x8x128xf32, #tpu.memory_space<hbm>> -> memref<1x4x1x8x128xf32, #tpu.memory_space<hbm>>
      %dma_wait3A_304 = tpu.memref_squeeze %dma_wait3A_303 : memref<1x4x1x8x128xf32, #tpu.memory_space<hbm>> -> memref<4x8x128xf32, #tpu.memory_space<hbm>>
      %dma_wait3A_305 = arith.constant 0 : i32
      %dma_wait3A_306 = arith.constant 0 : i32
      %dma_wait3A_307 = arith.constant 0 : i32
      %dma_wait3A_308 = tpu.memref_slice %arg4[%dma_wait3A_305, %dma_wait3A_294, %dma_wait3A_306, %dma_wait3A_307] : memref<4x31x8x128xf32, #tpu.memory_space<vmem>> -> memref<4x1x8x128xf32, #tpu.memory_space<vmem>>
      %dma_wait3A_309 = tpu.memref_squeeze %dma_wait3A_308 : memref<4x1x8x128xf32, #tpu.memory_space<vmem>> -> memref<4x8x128xf32, #tpu.memory_space<vmem>>
      %dma_wait3A_310 = arith.constant 0 : i32
      %dma_wait3A_311 = arith.constant 0 : i32
      %dma_wait3A_312 = arith.constant 0 : i32
      %dma_wait3A_313 = tpu.memref_slice %arg3[%dma_wait3A, %dma_wait3A_310, %dma_wait3A_293, %dma_wait3A_311, %dma_wait3A_312] : memref<2048x8x16x8x128xf32, #tpu.memory_space<hbm>> -> memref<1x4x1x8x128xf32, #tpu.memory_space<hbm>>
      %dma_wait3A_314 = tpu.memref_squeeze %dma_wait3A_313 : memref<1x4x1x8x128xf32, #tpu.memory_space<hbm>> -> memref<4x8x128xf32, #tpu.memory_space<hbm>>
      tpu.wait_dma2 semaphore(%arg5 : memref<!tpu.dma_semaphore, #tpu.memory_space<semaphore_mem>>) src(%dma_wait3A_314 : memref<4x8x128xf32, #tpu.memory_space<hbm>>) dst(%dma_wait3A_309 : memref<4x8x128xf32, #tpu.memory_space<vmem>>)
    }
    %scan3A_37 = arith.constant 3 : i32
    %scan3A_38 = arith.constant 0 : i32
    %scan3A_39 = arith.constant 0 : i32
    %scan3A_40 = arith.constant 16 : i32
    %scan3A_41 = arith.addi %scan3A_39, %scan3A_40 : i32
    %scan3A_42 = arith.constant 1 : i32
    scf.for %scan3A_292 = %scan3A_39 to %scan3A_41 step %scan3A_42  : i32 {
      %mul3A_293 = arith.constant 128 : i32
      %mul3A_294 = arith.muli %mul3A_293, %scan3A_292 : i32
      %add3A_295 = arith.addi %add3A_21, %mul3A_294 : i32
      %sub3A_296 = arith.constant 15 : i32
      %sub3A_297 = arith.subi %sub3A_296, %scan3A_292 : i32
      %dma_start3A = arith.constant 0 : i32
      %dma_start3A_298 = arith.constant 0 : i32
      %dma_start3A_299 = arith.constant 0 : i32
      %dma_start3A_300 = tpu.memref_slice %arg4[%dma_start3A, %sub3A_297, %dma_start3A_298, %dma_start3A_299] : memref<4x31x8x128xf32, #tpu.memory_space<vmem>> -> memref<4x16x8x128xf32, #tpu.memory_space<vmem>>
      %dma_start3A_301 = arith.constant 0 : i32
      %dma_start3A_302 = arith.constant 0 : i32
      %dma_start3A_303 = arith.constant 0 : i32
      %dma_start3A_304 = arith.constant 0 : i32
      %dma_start3A_305 = tpu.memref_slice %arg3[%add3A_295, %dma_start3A_301, %dma_start3A_302, %dma_start3A_303, %dma_start3A_304] : memref<2048x8x16x8x128xf32, #tpu.memory_space<hbm>> -> memref<1x4x16x8x128xf32, #tpu.memory_space<hbm>>
      %dma_start3A_306 = tpu.memref_squeeze %dma_start3A_305 : memref<1x4x16x8x128xf32, #tpu.memory_space<hbm>> -> memref<4x16x8x128xf32, #tpu.memory_space<hbm>>
      %dma_start3A_307 = arith.constant 0 : i32
      %dma_start3A_308 = arith.constant 0 : i32
      %dma_start3A_309 = arith.constant 0 : i32
      %dma_start3A_310 = arith.constant 0 : i32
      %dma_start3A_311 = tpu.memref_slice %arg3[%add3A_295, %dma_start3A_307, %dma_start3A_308, %dma_start3A_309, %dma_start3A_310] : memref<2048x8x16x8x128xf32, #tpu.memory_space<hbm>> -> memref<1x4x16x8x128xf32, #tpu.memory_space<hbm>>
      %dma_start3A_312 = tpu.memref_squeeze %dma_start3A_311 : memref<1x4x16x8x128xf32, #tpu.memory_space<hbm>> -> memref<4x16x8x128xf32, #tpu.memory_space<hbm>>
      %dma_start3A_313 = arith.constant 0 : i32
      %dma_start3A_314 = arith.constant 0 : i32
      %dma_start3A_315 = arith.constant 0 : i32
      %dma_start3A_316 = tpu.memref_slice %arg4[%dma_start3A_313, %sub3A_297, %dma_start3A_314, %dma_start3A_315] : memref<4x31x8x128xf32, #tpu.memory_space<vmem>> -> memref<4x16x8x128xf32, #tpu.memory_space<vmem>>
      tpu.enqueue_dma source(%dma_start3A_316 : memref<4x16x8x128xf32, #tpu.memory_space<vmem>>) target(%dma_start3A_312 : memref<4x16x8x128xf32, #tpu.memory_space<hbm>>) target_semaphore(%arg6 : memref<!tpu.dma_semaphore, #tpu.memory_space<semaphore_mem>>)
    }
    %scan3A_43 = arith.constant 16 : i32
    %scan3A_44 = arith.constant 0 : i32
    %scan3A_45 = arith.constant 0 : i32
    %scan3A_46 = arith.constant 16 : i32
    %scan3A_47 = arith.addi %scan3A_45, %scan3A_46 : i32
    %scan3A_48 = arith.constant 1 : i32
    scf.for %scan3A_292 = %scan3A_45 to %scan3A_47 step %scan3A_48  : i32 {
      %dma_wait3A = arith.constant 0 : i32
      %dma_wait3A_293 = arith.constant 0 : i32
      %dma_wait3A_294 = arith.constant 0 : i32
      %dma_wait3A_295 = arith.constant 0 : i32
      %dma_wait3A_296 = arith.constant 0 : i32
      %dma_wait3A_297 = tpu.memref_slice %arg4[%dma_wait3A_293, %dma_wait3A_294, %dma_wait3A_295, %dma_wait3A_296] : memref<4x31x8x128xf32, #tpu.memory_space<vmem>> -> memref<4x16x8x128xf32, #tpu.memory_space<vmem>>
      %dma_wait3A_298 = arith.constant 0 : i32
      %dma_wait3A_299 = arith.constant 0 : i32
      %dma_wait3A_300 = arith.constant 0 : i32
      %dma_wait3A_301 = arith.constant 0 : i32
      %dma_wait3A_302 = tpu.memref_slice %arg3[%dma_wait3A, %dma_wait3A_298, %dma_wait3A_299, %dma_wait3A_300, %dma_wait3A_301] : memref<2048x8x16x8x128xf32, #tpu.memory_space<hbm>> -> memref<1x4x16x8x128xf32, #tpu.memory_space<hbm>>
      %dma_wait3A_303 = tpu.memref_squeeze %dma_wait3A_302 : memref<1x4x16x8x128xf32, #tpu.memory_space<hbm>> -> memref<4x16x8x128xf32, #tpu.memory_space<hbm>>
      %dma_wait3A_304 = arith.constant 0 : i32
      %dma_wait3A_305 = arith.constant 0 : i32
      %dma_wait3A_306 = arith.constant 0 : i32
      %dma_wait3A_307 = arith.constant 0 : i32
      %dma_wait3A_308 = tpu.memref_slice %arg4[%dma_wait3A_304, %dma_wait3A_305, %dma_wait3A_306, %dma_wait3A_307] : memref<4x31x8x128xf32, #tpu.memory_space<vmem>> -> memref<4x16x8x128xf32, #tpu.memory_space<vmem>>
      %dma_wait3A_309 = arith.constant 0 : i32
      %dma_wait3A_310 = arith.constant 0 : i32
      %dma_wait3A_311 = arith.constant 0 : i32
      %dma_wait3A_312 = arith.constant 0 : i32
      %dma_wait3A_313 = tpu.memref_slice %arg3[%dma_wait3A, %dma_wait3A_309, %dma_wait3A_310, %dma_wait3A_311, %dma_wait3A_312] : memref<2048x8x16x8x128xf32, #tpu.memory_space<hbm>> -> memref<1x4x16x8x128xf32, #tpu.memory_space<hbm>>
      %dma_wait3A_314 = tpu.memref_squeeze %dma_wait3A_313 : memref<1x4x16x8x128xf32, #tpu.memory_space<hbm>> -> memref<4x16x8x128xf32, #tpu.memory_space<hbm>>
      tpu.wait_dma2 semaphore(%arg6 : memref<!tpu.dma_semaphore, #tpu.memory_space<semaphore_mem>>) src(%dma_wait3A_314 : memref<4x16x8x128xf32, #tpu.memory_space<hbm>>) dst(%dma_wait3A_308 : memref<4x16x8x128xf32, #tpu.memory_space<vmem>>)
    }
    %scan3A_49 = arith.constant 16 : i32
    %add3A_50 = arith.constant 32 : i32
    %add3A_51 = arith.addi %add3A, %add3A_50 : i32
    %sub3A_52 = arith.constant 127 : i32
    %sub3A_53 = arith.subi %sub3A_52, %add3A_51 : i32
    %rem3A_54 = arith.constant 8 : i32
    %rem3A_55 = arith.remsi %sub3A_53, %rem3A_54 : i32
    %sub3A_56 = arith.subi %sub3A_53, %rem3A_55 : i32
    %multiple_of3A_57 = tpu.assume_multiple %sub3A_56, 8 : i32
    %scan3A_58 = arith.constant 0 : i32
    %scan3A_59 = arith.constant 14 : i32
    %scan3A_60 = arith.constant 3 : i32
    %scan3A_61 = arith.addi %scan3A_59, %scan3A_60 : i32
    %scan3A_62 = arith.constant 1 : i32
    scf.for %scan3A_292 = %scan3A_59 to %scan3A_61 step %scan3A_62  : i32 {
      %mul3A_293 = arith.constant 8 : i32
      %mul3A_294 = arith.muli %rem3A_55, %mul3A_293 : i32
      %add3A_295 = arith.constant 0 : i32
      %add3A_296 = arith.addi %mul3A_294, %add3A_295 : i32
      %mul3A_297 = arith.constant 128 : i32
      %mul3A_298 = arith.muli %mul3A_297, %scan3A_292 : i32
      %add3A_299 = arith.addi %multiple_of3A_57, %mul3A_298 : i32
      %dma_start3A = arith.constant 0 : i32
      %dma_start3A_300 = arith.constant 0 : i32
      %dma_start3A_301 = arith.constant 0 : i32
      %dma_start3A_302 = tpu.memref_slice %arg4[%dma_start3A, %scan3A_292, %dma_start3A_300, %dma_start3A_301] : memref<4x31x8x128xf32, #tpu.memory_space<vmem>> -> memref<4x1x8x128xf32, #tpu.memory_space<vmem>>
      %dma_start3A_303 = tpu.memref_squeeze %dma_start3A_302 : memref<4x1x8x128xf32, #tpu.memory_space<vmem>> -> memref<4x8x128xf32, #tpu.memory_space<vmem>>
      %dma_start3A_304 = arith.constant 0 : i32
      %dma_start3A_305 = tpu.memref_slice %arg2[%add3A_296, %dma_start3A_304, %add3A_299] : memref<64x8x4096xf32, #tpu.memory_space<hbm>> -> memref<4x8x128xf32, #tpu.memory_space<hbm>>
      %dma_start3A_306 = arith.constant 0 : i32
      %dma_start3A_307 = arith.constant 0 : i32
      %dma_start3A_308 = arith.constant 0 : i32
      %dma_start3A_309 = tpu.memref_slice %arg4[%dma_start3A_306, %scan3A_292, %dma_start3A_307, %dma_start3A_308] : memref<4x31x8x128xf32, #tpu.memory_space<vmem>> -> memref<4x1x8x128xf32, #tpu.memory_space<vmem>>
      %dma_start3A_310 = tpu.memref_squeeze %dma_start3A_309 : memref<4x1x8x128xf32, #tpu.memory_space<vmem>> -> memref<4x8x128xf32, #tpu.memory_space<vmem>>
      %dma_start3A_311 = arith.constant 0 : i32
      %dma_start3A_312 = tpu.memref_slice %arg2[%add3A_296, %dma_start3A_311, %add3A_299] : memref<64x8x4096xf32, #tpu.memory_space<hbm>> -> memref<4x8x128xf32, #tpu.memory_space<hbm>>
      tpu.enqueue_dma source(%dma_start3A_312 : memref<4x8x128xf32, #tpu.memory_space<hbm>>) target(%dma_start3A_310 : memref<4x8x128xf32, #tpu.memory_space<vmem>>) target_semaphore(%arg5 : memref<!tpu.dma_semaphore, #tpu.memory_space<semaphore_mem>>)
    }
    %scan3A_63 = arith.constant 3 : i32
    %scan3A_64 = arith.constant 0 : i32
    %scan3A_65 = arith.constant 0 : i32
    %scan3A_66 = arith.constant 3 : i32
    %scan3A_67 = arith.addi %scan3A_65, %scan3A_66 : i32
    %scan3A_68 = arith.constant 1 : i32
    scf.for %scan3A_292 = %scan3A_65 to %scan3A_67 step %scan3A_68  : i32 {
      %dma_wait3A = arith.constant 0 : i32
      %dma_wait3A_293 = arith.constant 0 : i32
      %dma_wait3A_294 = arith.constant 0 : i32
      %dma_wait3A_295 = arith.constant 0 : i32
      %dma_wait3A_296 = arith.constant 0 : i32
      %dma_wait3A_297 = arith.constant 0 : i32
      %dma_wait3A_298 = tpu.memref_slice %arg4[%dma_wait3A_295, %dma_wait3A_294, %dma_wait3A_296, %dma_wait3A_297] : memref<4x31x8x128xf32, #tpu.memory_space<vmem>> -> memref<4x1x8x128xf32, #tpu.memory_space<vmem>>
      %dma_wait3A_299 = tpu.memref_squeeze %dma_wait3A_298 : memref<4x1x8x128xf32, #tpu.memory_space<vmem>> -> memref<4x8x128xf32, #tpu.memory_space<vmem>>
      %dma_wait3A_300 = arith.constant 0 : i32
      %dma_wait3A_301 = arith.constant 0 : i32
      %dma_wait3A_302 = arith.constant 0 : i32
      %dma_wait3A_303 = tpu.memref_slice %arg3[%dma_wait3A, %dma_wait3A_300, %dma_wait3A_293, %dma_wait3A_301, %dma_wait3A_302] : memref<2048x8x16x8x128xf32, #tpu.memory_space<hbm>> -> memref<1x4x1x8x128xf32, #tpu.memory_space<hbm>>
      %dma_wait3A_304 = tpu.memref_squeeze %dma_wait3A_303 : memref<1x4x1x8x128xf32, #tpu.memory_space<hbm>> -> memref<4x8x128xf32, #tpu.memory_space<hbm>>
      %dma_wait3A_305 = arith.constant 0 : i32
      %dma_wait3A_306 = arith.constant 0 : i32
      %dma_wait3A_307 = arith.constant 0 : i32
      %dma_wait3A_308 = tpu.memref_slice %arg4[%dma_wait3A_305, %dma_wait3A_294, %dma_wait3A_306, %dma_wait3A_307] : memref<4x31x8x128xf32, #tpu.memory_space<vmem>> -> memref<4x1x8x128xf32, #tpu.memory_space<vmem>>
      %dma_wait3A_309 = tpu.memref_squeeze %dma_wait3A_308 : memref<4x1x8x128xf32, #tpu.memory_space<vmem>> -> memref<4x8x128xf32, #tpu.memory_space<vmem>>
      %dma_wait3A_310 = arith.constant 0 : i32
      %dma_wait3A_311 = arith.constant 0 : i32
      %dma_wait3A_312 = arith.constant 0 : i32
      %dma_wait3A_313 = tpu.memref_slice %arg3[%dma_wait3A, %dma_wait3A_310, %dma_wait3A_293, %dma_wait3A_311, %dma_wait3A_312] : memref<2048x8x16x8x128xf32, #tpu.memory_space<hbm>> -> memref<1x4x1x8x128xf32, #tpu.memory_space<hbm>>
      %dma_wait3A_314 = tpu.memref_squeeze %dma_wait3A_313 : memref<1x4x1x8x128xf32, #tpu.memory_space<hbm>> -> memref<4x8x128xf32, #tpu.memory_space<hbm>>
      tpu.wait_dma2 semaphore(%arg5 : memref<!tpu.dma_semaphore, #tpu.memory_space<semaphore_mem>>) src(%dma_wait3A_314 : memref<4x8x128xf32, #tpu.memory_space<hbm>>) dst(%dma_wait3A_309 : memref<4x8x128xf32, #tpu.memory_space<vmem>>)
    }
    %scan3A_69 = arith.constant 3 : i32
    %scan3A_70 = arith.constant 0 : i32
    %scan3A_71 = arith.constant 0 : i32
    %scan3A_72 = arith.constant 16 : i32
    %scan3A_73 = arith.addi %scan3A_71, %scan3A_72 : i32
    %scan3A_74 = arith.constant 1 : i32
    scf.for %scan3A_292 = %scan3A_71 to %scan3A_73 step %scan3A_74  : i32 {
      %mul3A_293 = arith.constant 128 : i32
      %mul3A_294 = arith.muli %mul3A_293, %scan3A_292 : i32
      %add3A_295 = arith.addi %add3A_51, %mul3A_294 : i32
      %sub3A_296 = arith.constant 15 : i32
      %sub3A_297 = arith.subi %sub3A_296, %scan3A_292 : i32
      %dma_start3A = arith.constant 0 : i32
      %dma_start3A_298 = arith.constant 0 : i32
      %dma_start3A_299 = arith.constant 0 : i32
      %dma_start3A_300 = tpu.memref_slice %arg4[%dma_start3A, %sub3A_297, %dma_start3A_298, %dma_start3A_299] : memref<4x31x8x128xf32, #tpu.memory_space<vmem>> -> memref<4x16x8x128xf32, #tpu.memory_space<vmem>>
      %dma_start3A_301 = arith.constant 0 : i32
      %dma_start3A_302 = arith.constant 0 : i32
      %dma_start3A_303 = arith.constant 0 : i32
      %dma_start3A_304 = arith.constant 0 : i32
      %dma_start3A_305 = tpu.memref_slice %arg3[%add3A_295, %dma_start3A_301, %dma_start3A_302, %dma_start3A_303, %dma_start3A_304] : memref<2048x8x16x8x128xf32, #tpu.memory_space<hbm>> -> memref<1x4x16x8x128xf32, #tpu.memory_space<hbm>>
      %dma_start3A_306 = tpu.memref_squeeze %dma_start3A_305 : memref<1x4x16x8x128xf32, #tpu.memory_space<hbm>> -> memref<4x16x8x128xf32, #tpu.memory_space<hbm>>
      %dma_start3A_307 = arith.constant 0 : i32
      %dma_start3A_308 = arith.constant 0 : i32
      %dma_start3A_309 = arith.constant 0 : i32
      %dma_start3A_310 = arith.constant 0 : i32
      %dma_start3A_311 = tpu.memref_slice %arg3[%add3A_295, %dma_start3A_307, %dma_start3A_308, %dma_start3A_309, %dma_start3A_310] : memref<2048x8x16x8x128xf32, #tpu.memory_space<hbm>> -> memref<1x4x16x8x128xf32, #tpu.memory_space<hbm>>
      %dma_start3A_312 = tpu.memref_squeeze %dma_start3A_311 : memref<1x4x16x8x128xf32, #tpu.memory_space<hbm>> -> memref<4x16x8x128xf32, #tpu.memory_space<hbm>>
      %dma_start3A_313 = arith.constant 0 : i32
      %dma_start3A_314 = arith.constant 0 : i32
      %dma_start3A_315 = arith.constant 0 : i32
      %dma_start3A_316 = tpu.memref_slice %arg4[%dma_start3A_313, %sub3A_297, %dma_start3A_314, %dma_start3A_315] : memref<4x31x8x128xf32, #tpu.memory_space<vmem>> -> memref<4x16x8x128xf32, #tpu.memory_space<vmem>>
      tpu.enqueue_dma source(%dma_start3A_316 : memref<4x16x8x128xf32, #tpu.memory_space<vmem>>) target(%dma_start3A_312 : memref<4x16x8x128xf32, #tpu.memory_space<hbm>>) target_semaphore(%arg6 : memref<!tpu.dma_semaphore, #tpu.memory_space<semaphore_mem>>)
    }
    %scan3A_75 = arith.constant 16 : i32
    %scan3A_76 = arith.constant 0 : i32
    %scan3A_77 = arith.constant 0 : i32
    %scan3A_78 = arith.constant 16 : i32
    %scan3A_79 = arith.addi %scan3A_77, %scan3A_78 : i32
    %scan3A_80 = arith.constant 1 : i32
    scf.for %scan3A_292 = %scan3A_77 to %scan3A_79 step %scan3A_80  : i32 {
      %dma_wait3A = arith.constant 0 : i32
      %dma_wait3A_293 = arith.constant 0 : i32
      %dma_wait3A_294 = arith.constant 0 : i32
      %dma_wait3A_295 = arith.constant 0 : i32
      %dma_wait3A_296 = arith.constant 0 : i32
      %dma_wait3A_297 = tpu.memref_slice %arg4[%dma_wait3A_293, %dma_wait3A_294, %dma_wait3A_295, %dma_wait3A_296] : memref<4x31x8x128xf32, #tpu.memory_space<vmem>> -> memref<4x16x8x128xf32, #tpu.memory_space<vmem>>
      %dma_wait3A_298 = arith.constant 0 : i32
      %dma_wait3A_299 = arith.constant 0 : i32
      %dma_wait3A_300 = arith.constant 0 : i32
      %dma_wait3A_301 = arith.constant 0 : i32
      %dma_wait3A_302 = tpu.memref_slice %arg3[%dma_wait3A, %dma_wait3A_298, %dma_wait3A_299, %dma_wait3A_300, %dma_wait3A_301] : memref<2048x8x16x8x128xf32, #tpu.memory_space<hbm>> -> memref<1x4x16x8x128xf32, #tpu.memory_space<hbm>>
      %dma_wait3A_303 = tpu.memref_squeeze %dma_wait3A_302 : memref<1x4x16x8x128xf32, #tpu.memory_space<hbm>> -> memref<4x16x8x128xf32, #tpu.memory_space<hbm>>
      %dma_wait3A_304 = arith.constant 0 : i32
      %dma_wait3A_305 = arith.constant 0 : i32
      %dma_wait3A_306 = arith.constant 0 : i32
      %dma_wait3A_307 = arith.constant 0 : i32
      %dma_wait3A_308 = tpu.memref_slice %arg4[%dma_wait3A_304, %dma_wait3A_305, %dma_wait3A_306, %dma_wait3A_307] : memref<4x31x8x128xf32, #tpu.memory_space<vmem>> -> memref<4x16x8x128xf32, #tpu.memory_space<vmem>>
      %dma_wait3A_309 = arith.constant 0 : i32
      %dma_wait3A_310 = arith.constant 0 : i32
      %dma_wait3A_311 = arith.constant 0 : i32
      %dma_wait3A_312 = arith.constant 0 : i32
      %dma_wait3A_313 = tpu.memref_slice %arg3[%dma_wait3A, %dma_wait3A_309, %dma_wait3A_310, %dma_wait3A_311, %dma_wait3A_312] : memref<2048x8x16x8x128xf32, #tpu.memory_space<hbm>> -> memref<1x4x16x8x128xf32, #tpu.memory_space<hbm>>
      %dma_wait3A_314 = tpu.memref_squeeze %dma_wait3A_313 : memref<1x4x16x8x128xf32, #tpu.memory_space<hbm>> -> memref<4x16x8x128xf32, #tpu.memory_space<hbm>>
      tpu.wait_dma2 semaphore(%arg6 : memref<!tpu.dma_semaphore, #tpu.memory_space<semaphore_mem>>) src(%dma_wait3A_314 : memref<4x16x8x128xf32, #tpu.memory_space<hbm>>) dst(%dma_wait3A_308 : memref<4x16x8x128xf32, #tpu.memory_space<vmem>>)
    }
    %scan3A_81 = arith.constant 16 : i32
    %add3A_82 = arith.constant 64 : i32
    %add3A_83 = arith.addi %add3A, %add3A_82 : i32
    %sub3A_84 = arith.constant 127 : i32
    %sub3A_85 = arith.subi %sub3A_84, %add3A_83 : i32
    %rem3A_86 = arith.constant 8 : i32
    %rem3A_87 = arith.remsi %sub3A_85, %rem3A_86 : i32
    %sub3A_88 = arith.subi %sub3A_85, %rem3A_87 : i32
    %multiple_of3A_89 = tpu.assume_multiple %sub3A_88, 8 : i32
    %scan3A_90 = arith.constant 0 : i32
    %scan3A_91 = arith.constant 14 : i32
    %scan3A_92 = arith.constant 3 : i32
    %scan3A_93 = arith.addi %scan3A_91, %scan3A_92 : i32
    %scan3A_94 = arith.constant 1 : i32
    scf.for %scan3A_292 = %scan3A_91 to %scan3A_93 step %scan3A_94  : i32 {
      %mul3A_293 = arith.constant 8 : i32
      %mul3A_294 = arith.muli %rem3A_87, %mul3A_293 : i32
      %add3A_295 = arith.constant 0 : i32
      %add3A_296 = arith.addi %mul3A_294, %add3A_295 : i32
      %mul3A_297 = arith.constant 128 : i32
      %mul3A_298 = arith.muli %mul3A_297, %scan3A_292 : i32
      %add3A_299 = arith.addi %multiple_of3A_89, %mul3A_298 : i32
      %dma_start3A = arith.constant 0 : i32
      %dma_start3A_300 = arith.constant 0 : i32
      %dma_start3A_301 = arith.constant 0 : i32
      %dma_start3A_302 = tpu.memref_slice %arg4[%dma_start3A, %scan3A_292, %dma_start3A_300, %dma_start3A_301] : memref<4x31x8x128xf32, #tpu.memory_space<vmem>> -> memref<4x1x8x128xf32, #tpu.memory_space<vmem>>
      %dma_start3A_303 = tpu.memref_squeeze %dma_start3A_302 : memref<4x1x8x128xf32, #tpu.memory_space<vmem>> -> memref<4x8x128xf32, #tpu.memory_space<vmem>>
      %dma_start3A_304 = arith.constant 0 : i32
      %dma_start3A_305 = tpu.memref_slice %arg2[%add3A_296, %dma_start3A_304, %add3A_299] : memref<64x8x4096xf32, #tpu.memory_space<hbm>> -> memref<4x8x128xf32, #tpu.memory_space<hbm>>
      %dma_start3A_306 = arith.constant 0 : i32
      %dma_start3A_307 = arith.constant 0 : i32
      %dma_start3A_308 = arith.constant 0 : i32
      %dma_start3A_309 = tpu.memref_slice %arg4[%dma_start3A_306, %scan3A_292, %dma_start3A_307, %dma_start3A_308] : memref<4x31x8x128xf32, #tpu.memory_space<vmem>> -> memref<4x1x8x128xf32, #tpu.memory_space<vmem>>
      %dma_start3A_310 = tpu.memref_squeeze %dma_start3A_309 : memref<4x1x8x128xf32, #tpu.memory_space<vmem>> -> memref<4x8x128xf32, #tpu.memory_space<vmem>>
      %dma_start3A_311 = arith.constant 0 : i32
      %dma_start3A_312 = tpu.memref_slice %arg2[%add3A_296, %dma_start3A_311, %add3A_299] : memref<64x8x4096xf32, #tpu.memory_space<hbm>> -> memref<4x8x128xf32, #tpu.memory_space<hbm>>
      tpu.enqueue_dma source(%dma_start3A_312 : memref<4x8x128xf32, #tpu.memory_space<hbm>>) target(%dma_start3A_310 : memref<4x8x128xf32, #tpu.memory_space<vmem>>) target_semaphore(%arg5 : memref<!tpu.dma_semaphore, #tpu.memory_space<semaphore_mem>>)
    }
    %scan3A_95 = arith.constant 3 : i32
    %scan3A_96 = arith.constant 0 : i32
    %scan3A_97 = arith.constant 0 : i32
    %scan3A_98 = arith.constant 3 : i32
    %scan3A_99 = arith.addi %scan3A_97, %scan3A_98 : i32
    %scan3A_100 = arith.constant 1 : i32
    scf.for %scan3A_292 = %scan3A_97 to %scan3A_99 step %scan3A_100  : i32 {
      %dma_wait3A = arith.constant 0 : i32
      %dma_wait3A_293 = arith.constant 0 : i32
      %dma_wait3A_294 = arith.constant 0 : i32
      %dma_wait3A_295 = arith.constant 0 : i32
      %dma_wait3A_296 = arith.constant 0 : i32
      %dma_wait3A_297 = arith.constant 0 : i32
      %dma_wait3A_298 = tpu.memref_slice %arg4[%dma_wait3A_295, %dma_wait3A_294, %dma_wait3A_296, %dma_wait3A_297] : memref<4x31x8x128xf32, #tpu.memory_space<vmem>> -> memref<4x1x8x128xf32, #tpu.memory_space<vmem>>
      %dma_wait3A_299 = tpu.memref_squeeze %dma_wait3A_298 : memref<4x1x8x128xf32, #tpu.memory_space<vmem>> -> memref<4x8x128xf32, #tpu.memory_space<vmem>>
      %dma_wait3A_300 = arith.constant 0 : i32
      %dma_wait3A_301 = arith.constant 0 : i32
      %dma_wait3A_302 = arith.constant 0 : i32
      %dma_wait3A_303 = tpu.memref_slice %arg3[%dma_wait3A, %dma_wait3A_300, %dma_wait3A_293, %dma_wait3A_301, %dma_wait3A_302] : memref<2048x8x16x8x128xf32, #tpu.memory_space<hbm>> -> memref<1x4x1x8x128xf32, #tpu.memory_space<hbm>>
      %dma_wait3A_304 = tpu.memref_squeeze %dma_wait3A_303 : memref<1x4x1x8x128xf32, #tpu.memory_space<hbm>> -> memref<4x8x128xf32, #tpu.memory_space<hbm>>
      %dma_wait3A_305 = arith.constant 0 : i32
      %dma_wait3A_306 = arith.constant 0 : i32
      %dma_wait3A_307 = arith.constant 0 : i32
      %dma_wait3A_308 = tpu.memref_slice %arg4[%dma_wait3A_305, %dma_wait3A_294, %dma_wait3A_306, %dma_wait3A_307] : memref<4x31x8x128xf32, #tpu.memory_space<vmem>> -> memref<4x1x8x128xf32, #tpu.memory_space<vmem>>
      %dma_wait3A_309 = tpu.memref_squeeze %dma_wait3A_308 : memref<4x1x8x128xf32, #tpu.memory_space<vmem>> -> memref<4x8x128xf32, #tpu.memory_space<vmem>>
      %dma_wait3A_310 = arith.constant 0 : i32
      %dma_wait3A_311 = arith.constant 0 : i32
      %dma_wait3A_312 = arith.constant 0 : i32
      %dma_wait3A_313 = tpu.memref_slice %arg3[%dma_wait3A, %dma_wait3A_310, %dma_wait3A_293, %dma_wait3A_311, %dma_wait3A_312] : memref<2048x8x16x8x128xf32, #tpu.memory_space<hbm>> -> memref<1x4x1x8x128xf32, #tpu.memory_space<hbm>>
      %dma_wait3A_314 = tpu.memref_squeeze %dma_wait3A_313 : memref<1x4x1x8x128xf32, #tpu.memory_space<hbm>> -> memref<4x8x128xf32, #tpu.memory_space<hbm>>
      tpu.wait_dma2 semaphore(%arg5 : memref<!tpu.dma_semaphore, #tpu.memory_space<semaphore_mem>>) src(%dma_wait3A_314 : memref<4x8x128xf32, #tpu.memory_space<hbm>>) dst(%dma_wait3A_309 : memref<4x8x128xf32, #tpu.memory_space<vmem>>)
    }
    %scan3A_101 = arith.constant 3 : i32
    %scan3A_102 = arith.constant 0 : i32
    %scan3A_103 = arith.constant 0 : i32
    %scan3A_104 = arith.constant 16 : i32
    %scan3A_105 = arith.addi %scan3A_103, %scan3A_104 : i32
    %scan3A_106 = arith.constant 1 : i32
    scf.for %scan3A_292 = %scan3A_103 to %scan3A_105 step %scan3A_106  : i32 {
      %mul3A_293 = arith.constant 128 : i32
      %mul3A_294 = arith.muli %mul3A_293, %scan3A_292 : i32
      %add3A_295 = arith.addi %add3A_83, %mul3A_294 : i32
      %sub3A_296 = arith.constant 15 : i32
      %sub3A_297 = arith.subi %sub3A_296, %scan3A_292 : i32
      %dma_start3A = arith.constant 0 : i32
      %dma_start3A_298 = arith.constant 0 : i32
      %dma_start3A_299 = arith.constant 0 : i32
      %dma_start3A_300 = tpu.memref_slice %arg4[%dma_start3A, %sub3A_297, %dma_start3A_298, %dma_start3A_299] : memref<4x31x8x128xf32, #tpu.memory_space<vmem>> -> memref<4x16x8x128xf32, #tpu.memory_space<vmem>>
      %dma_start3A_301 = arith.constant 0 : i32
      %dma_start3A_302 = arith.constant 0 : i32
      %dma_start3A_303 = arith.constant 0 : i32
      %dma_start3A_304 = arith.constant 0 : i32
      %dma_start3A_305 = tpu.memref_slice %arg3[%add3A_295, %dma_start3A_301, %dma_start3A_302, %dma_start3A_303, %dma_start3A_304] : memref<2048x8x16x8x128xf32, #tpu.memory_space<hbm>> -> memref<1x4x16x8x128xf32, #tpu.memory_space<hbm>>
      %dma_start3A_306 = tpu.memref_squeeze %dma_start3A_305 : memref<1x4x16x8x128xf32, #tpu.memory_space<hbm>> -> memref<4x16x8x128xf32, #tpu.memory_space<hbm>>
      %dma_start3A_307 = arith.constant 0 : i32
      %dma_start3A_308 = arith.constant 0 : i32
      %dma_start3A_309 = arith.constant 0 : i32
      %dma_start3A_310 = arith.constant 0 : i32
      %dma_start3A_311 = tpu.memref_slice %arg3[%add3A_295, %dma_start3A_307, %dma_start3A_308, %dma_start3A_309, %dma_start3A_310] : memref<2048x8x16x8x128xf32, #tpu.memory_space<hbm>> -> memref<1x4x16x8x128xf32, #tpu.memory_space<hbm>>
      %dma_start3A_312 = tpu.memref_squeeze %dma_start3A_311 : memref<1x4x16x8x128xf32, #tpu.memory_space<hbm>> -> memref<4x16x8x128xf32, #tpu.memory_space<hbm>>
      %dma_start3A_313 = arith.constant 0 : i32
      %dma_start3A_314 = arith.constant 0 : i32
      %dma_start3A_315 = arith.constant 0 : i32
      %dma_start3A_316 = tpu.memref_slice %arg4[%dma_start3A_313, %sub3A_297, %dma_start3A_314, %dma_start3A_315] : memref<4x31x8x128xf32, #tpu.memory_space<vmem>> -> memref<4x16x8x128xf32, #tpu.memory_space<vmem>>
      tpu.enqueue_dma source(%dma_start3A_316 : memref<4x16x8x128xf32, #tpu.memory_space<vmem>>) target(%dma_start3A_312 : memref<4x16x8x128xf32, #tpu.memory_space<hbm>>) target_semaphore(%arg6 : memref<!tpu.dma_semaphore, #tpu.memory_space<semaphore_mem>>)
    }
    %scan3A_107 = arith.constant 16 : i32
    %scan3A_108 = arith.constant 0 : i32
    %scan3A_109 = arith.constant 0 : i32
    %scan3A_110 = arith.constant 16 : i32
    %scan3A_111 = arith.addi %scan3A_109, %scan3A_110 : i32
    %scan3A_112 = arith.constant 1 : i32
    scf.for %scan3A_292 = %scan3A_109 to %scan3A_111 step %scan3A_112  : i32 {
      %dma_wait3A = arith.constant 0 : i32
      %dma_wait3A_293 = arith.constant 0 : i32
      %dma_wait3A_294 = arith.constant 0 : i32
      %dma_wait3A_295 = arith.constant 0 : i32
      %dma_wait3A_296 = arith.constant 0 : i32
      %dma_wait3A_297 = tpu.memref_slice %arg4[%dma_wait3A_293, %dma_wait3A_294, %dma_wait3A_295, %dma_wait3A_296] : memref<4x31x8x128xf32, #tpu.memory_space<vmem>> -> memref<4x16x8x128xf32, #tpu.memory_space<vmem>>
      %dma_wait3A_298 = arith.constant 0 : i32
      %dma_wait3A_299 = arith.constant 0 : i32
      %dma_wait3A_300 = arith.constant 0 : i32
      %dma_wait3A_301 = arith.constant 0 : i32
      %dma_wait3A_302 = tpu.memref_slice %arg3[%dma_wait3A, %dma_wait3A_298, %dma_wait3A_299, %dma_wait3A_300, %dma_wait3A_301] : memref<2048x8x16x8x128xf32, #tpu.memory_space<hbm>> -> memref<1x4x16x8x128xf32, #tpu.memory_space<hbm>>
      %dma_wait3A_303 = tpu.memref_squeeze %dma_wait3A_302 : memref<1x4x16x8x128xf32, #tpu.memory_space<hbm>> -> memref<4x16x8x128xf32, #tpu.memory_space<hbm>>
      %dma_wait3A_304 = arith.constant 0 : i32
      %dma_wait3A_305 = arith.constant 0 : i32
      %dma_wait3A_306 = arith.constant 0 : i32
      %dma_wait3A_307 = arith.constant 0 : i32
      %dma_wait3A_308 = tpu.memref_slice %arg4[%dma_wait3A_304, %dma_wait3A_305, %dma_wait3A_306, %dma_wait3A_307] : memref<4x31x8x128xf32, #tpu.memory_space<vmem>> -> memref<4x16x8x128xf32, #tpu.memory_space<vmem>>
      %dma_wait3A_309 = arith.constant 0 : i32
      %dma_wait3A_310 = arith.constant 0 : i32
      %dma_wait3A_311 = arith.constant 0 : i32
      %dma_wait3A_312 = arith.constant 0 : i32
      %dma_wait3A_313 = tpu.memref_slice %arg3[%dma_wait3A, %dma_wait3A_309, %dma_wait3A_310, %dma_wait3A_311, %dma_wait3A_312] : memref<2048x8x16x8x128xf32, #tpu.memory_space<hbm>> -> memref<1x4x16x8x128xf32, #tpu.memory_space<hbm>>
      %dma_wait3A_314 = tpu.memref_squeeze %dma_wait3A_313 : memref<1x4x16x8x128xf32, #tpu.memory_space<hbm>> -> memref<4x16x8x128xf32, #tpu.memory_space<hbm>>
      tpu.wait_dma2 semaphore(%arg6 : memref<!tpu.dma_semaphore, #tpu.memory_space<semaphore_mem>>) src(%dma_wait3A_314 : memref<4x16x8x128xf32, #tpu.memory_space<hbm>>) dst(%dma_wait3A_308 : memref<4x16x8x128xf32, #tpu.memory_space<vmem>>)
    }
    %scan3A_113 = arith.constant 16 : i32
    %add3A_114 = arith.constant 96 : i32
    %add3A_115 = arith.addi %add3A, %add3A_114 : i32
    %sub3A_116 = arith.constant 127 : i32
    %sub3A_117 = arith.subi %sub3A_116, %add3A_115 : i32
    %rem3A_118 = arith.constant 8 : i32
    %rem3A_119 = arith.remsi %sub3A_117, %rem3A_118 : i32
    %sub3A_120 = arith.subi %sub3A_117, %rem3A_119 : i32
    %multiple_of3A_121 = tpu.assume_multiple %sub3A_120, 8 : i32
    %scan3A_122 = arith.constant 0 : i32
    %scan3A_123 = arith.constant 14 : i32
    %scan3A_124 = arith.constant 3 : i32
    %scan3A_125 = arith.addi %scan3A_123, %scan3A_124 : i32
    %scan3A_126 = arith.constant 1 : i32
    scf.for %scan3A_292 = %scan3A_123 to %scan3A_125 step %scan3A_126  : i32 {
      %mul3A_293 = arith.constant 8 : i32
      %mul3A_294 = arith.muli %rem3A_119, %mul3A_293 : i32
      %add3A_295 = arith.constant 0 : i32
      %add3A_296 = arith.addi %mul3A_294, %add3A_295 : i32
      %mul3A_297 = arith.constant 128 : i32
      %mul3A_298 = arith.muli %mul3A_297, %scan3A_292 : i32
      %add3A_299 = arith.addi %multiple_of3A_121, %mul3A_298 : i32
      %dma_start3A = arith.constant 0 : i32
      %dma_start3A_300 = arith.constant 0 : i32
      %dma_start3A_301 = arith.constant 0 : i32
      %dma_start3A_302 = tpu.memref_slice %arg4[%dma_start3A, %scan3A_292, %dma_start3A_300, %dma_start3A_301] : memref<4x31x8x128xf32, #tpu.memory_space<vmem>> -> memref<4x1x8x128xf32, #tpu.memory_space<vmem>>
      %dma_start3A_303 = tpu.memref_squeeze %dma_start3A_302 : memref<4x1x8x128xf32, #tpu.memory_space<vmem>> -> memref<4x8x128xf32, #tpu.memory_space<vmem>>
      %dma_start3A_304 = arith.constant 0 : i32
      %dma_start3A_305 = tpu.memref_slice %arg2[%add3A_296, %dma_start3A_304, %add3A_299] : memref<64x8x4096xf32, #tpu.memory_space<hbm>> -> memref<4x8x128xf32, #tpu.memory_space<hbm>>
      %dma_start3A_306 = arith.constant 0 : i32
      %dma_start3A_307 = arith.constant 0 : i32
      %dma_start3A_308 = arith.constant 0 : i32
      %dma_start3A_309 = tpu.memref_slice %arg4[%dma_start3A_306, %scan3A_292, %dma_start3A_307, %dma_start3A_308] : memref<4x31x8x128xf32, #tpu.memory_space<vmem>> -> memref<4x1x8x128xf32, #tpu.memory_space<vmem>>
      %dma_start3A_310 = tpu.memref_squeeze %dma_start3A_309 : memref<4x1x8x128xf32, #tpu.memory_space<vmem>> -> memref<4x8x128xf32, #tpu.memory_space<vmem>>
      %dma_start3A_311 = arith.constant 0 : i32
      %dma_start3A_312 = tpu.memref_slice %arg2[%add3A_296, %dma_start3A_311, %add3A_299] : memref<64x8x4096xf32, #tpu.memory_space<hbm>> -> memref<4x8x128xf32, #tpu.memory_space<hbm>>
      tpu.enqueue_dma source(%dma_start3A_312 : memref<4x8x128xf32, #tpu.memory_space<hbm>>) target(%dma_start3A_310 : memref<4x8x128xf32, #tpu.memory_space<vmem>>) target_semaphore(%arg5 : memref<!tpu.dma_semaphore, #tpu.memory_space<semaphore_mem>>)
    }
    %scan3A_127 = arith.constant 3 : i32
    %scan3A_128 = arith.constant 0 : i32
    %scan3A_129 = arith.constant 0 : i32
    %scan3A_130 = arith.constant 3 : i32
    %scan3A_131 = arith.addi %scan3A_129, %scan3A_130 : i32
    %scan3A_132 = arith.constant 1 : i32
    scf.for %scan3A_292 = %scan3A_129 to %scan3A_131 step %scan3A_132  : i32 {
      %dma_wait3A = arith.constant 0 : i32
      %dma_wait3A_293 = arith.constant 0 : i32
      %dma_wait3A_294 = arith.constant 0 : i32
      %dma_wait3A_295 = arith.constant 0 : i32
      %dma_wait3A_296 = arith.constant 0 : i32
      %dma_wait3A_297 = arith.constant 0 : i32
      %dma_wait3A_298 = tpu.memref_slice %arg4[%dma_wait3A_295, %dma_wait3A_294, %dma_wait3A_296, %dma_wait3A_297] : memref<4x31x8x128xf32, #tpu.memory_space<vmem>> -> memref<4x1x8x128xf32, #tpu.memory_space<vmem>>
      %dma_wait3A_299 = tpu.memref_squeeze %dma_wait3A_298 : memref<4x1x8x128xf32, #tpu.memory_space<vmem>> -> memref<4x8x128xf32, #tpu.memory_space<vmem>>
      %dma_wait3A_300 = arith.constant 0 : i32
      %dma_wait3A_301 = arith.constant 0 : i32
      %dma_wait3A_302 = arith.constant 0 : i32
      %dma_wait3A_303 = tpu.memref_slice %arg3[%dma_wait3A, %dma_wait3A_300, %dma_wait3A_293, %dma_wait3A_301, %dma_wait3A_302] : memref<2048x8x16x8x128xf32, #tpu.memory_space<hbm>> -> memref<1x4x1x8x128xf32, #tpu.memory_space<hbm>>
      %dma_wait3A_304 = tpu.memref_squeeze %dma_wait3A_303 : memref<1x4x1x8x128xf32, #tpu.memory_space<hbm>> -> memref<4x8x128xf32, #tpu.memory_space<hbm>>
      %dma_wait3A_305 = arith.constant 0 : i32
      %dma_wait3A_306 = arith.constant 0 : i32
      %dma_wait3A_307 = arith.constant 0 : i32
      %dma_wait3A_308 = tpu.memref_slice %arg4[%dma_wait3A_305, %dma_wait3A_294, %dma_wait3A_306, %dma_wait3A_307] : memref<4x31x8x128xf32, #tpu.memory_space<vmem>> -> memref<4x1x8x128xf32, #tpu.memory_space<vmem>>
      %dma_wait3A_309 = tpu.memref_squeeze %dma_wait3A_308 : memref<4x1x8x128xf32, #tpu.memory_space<vmem>> -> memref<4x8x128xf32, #tpu.memory_space<vmem>>
      %dma_wait3A_310 = arith.constant 0 : i32
      %dma_wait3A_311 = arith.constant 0 : i32
      %dma_wait3A_312 = arith.constant 0 : i32
      %dma_wait3A_313 = tpu.memref_slice %arg3[%dma_wait3A, %dma_wait3A_310, %dma_wait3A_293, %dma_wait3A_311, %dma_wait3A_312] : memref<2048x8x16x8x128xf32, #tpu.memory_space<hbm>> -> memref<1x4x1x8x128xf32, #tpu.memory_space<hbm>>
      %dma_wait3A_314 = tpu.memref_squeeze %dma_wait3A_313 : memref<1x4x1x8x128xf32, #tpu.memory_space<hbm>> -> memref<4x8x128xf32, #tpu.memory_space<hbm>>
      tpu.wait_dma2 semaphore(%arg5 : memref<!tpu.dma_semaphore, #tpu.memory_space<semaphore_mem>>) src(%dma_wait3A_314 : memref<4x8x128xf32, #tpu.memory_space<hbm>>) dst(%dma_wait3A_309 : memref<4x8x128xf32, #tpu.memory_space<vmem>>)
    }
    %scan3A_133 = arith.constant 3 : i32
    %scan3A_134 = arith.constant 0 : i32
    %scan3A_135 = arith.constant 0 : i32
    %scan3A_136 = arith.constant 16 : i32
    %scan3A_137 = arith.addi %scan3A_135, %scan3A_136 : i32
    %scan3A_138 = arith.constant 1 : i32
    scf.for %scan3A_292 = %scan3A_135 to %scan3A_137 step %scan3A_138  : i32 {
      %mul3A_293 = arith.constant 128 : i32
      %mul3A_294 = arith.muli %mul3A_293, %scan3A_292 : i32
      %add3A_295 = arith.addi %add3A_115, %mul3A_294 : i32
      %sub3A_296 = arith.constant 15 : i32
      %sub3A_297 = arith.subi %sub3A_296, %scan3A_292 : i32
      %dma_start3A = arith.constant 0 : i32
      %dma_start3A_298 = arith.constant 0 : i32
      %dma_start3A_299 = arith.constant 0 : i32
      %dma_start3A_300 = tpu.memref_slice %arg4[%dma_start3A, %sub3A_297, %dma_start3A_298, %dma_start3A_299] : memref<4x31x8x128xf32, #tpu.memory_space<vmem>> -> memref<4x16x8x128xf32, #tpu.memory_space<vmem>>
      %dma_start3A_301 = arith.constant 0 : i32
      %dma_start3A_302 = arith.constant 0 : i32
      %dma_start3A_303 = arith.constant 0 : i32
      %dma_start3A_304 = arith.constant 0 : i32
      %dma_start3A_305 = tpu.memref_slice %arg3[%add3A_295, %dma_start3A_301, %dma_start3A_302, %dma_start3A_303, %dma_start3A_304] : memref<2048x8x16x8x128xf32, #tpu.memory_space<hbm>> -> memref<1x4x16x8x128xf32, #tpu.memory_space<hbm>>
      %dma_start3A_306 = tpu.memref_squeeze %dma_start3A_305 : memref<1x4x16x8x128xf32, #tpu.memory_space<hbm>> -> memref<4x16x8x128xf32, #tpu.memory_space<hbm>>
      %dma_start3A_307 = arith.constant 0 : i32
      %dma_start3A_308 = arith.constant 0 : i32
      %dma_start3A_309 = arith.constant 0 : i32
      %dma_start3A_310 = arith.constant 0 : i32
      %dma_start3A_311 = tpu.memref_slice %arg3[%add3A_295, %dma_start3A_307, %dma_start3A_308, %dma_start3A_309, %dma_start3A_310] : memref<2048x8x16x8x128xf32, #tpu.memory_space<hbm>> -> memref<1x4x16x8x128xf32, #tpu.memory_space<hbm>>
      %dma_start3A_312 = tpu.memref_squeeze %dma_start3A_311 : memref<1x4x16x8x128xf32, #tpu.memory_space<hbm>> -> memref<4x16x8x128xf32, #tpu.memory_space<hbm>>
      %dma_start3A_313 = arith.constant 0 : i32
      %dma_start3A_314 = arith.constant 0 : i32
      %dma_start3A_315 = arith.constant 0 : i32
      %dma_start3A_316 = tpu.memref_slice %arg4[%dma_start3A_313, %sub3A_297, %dma_start3A_314, %dma_start3A_315] : memref<4x31x8x128xf32, #tpu.memory_space<vmem>> -> memref<4x16x8x128xf32, #tpu.memory_space<vmem>>
      tpu.enqueue_dma source(%dma_start3A_316 : memref<4x16x8x128xf32, #tpu.memory_space<vmem>>) target(%dma_start3A_312 : memref<4x16x8x128xf32, #tpu.memory_space<hbm>>) target_semaphore(%arg6 : memref<!tpu.dma_semaphore, #tpu.memory_space<semaphore_mem>>)
    }
    %scan3A_139 = arith.constant 16 : i32
    %scan3A_140 = arith.constant 0 : i32
    %scan3A_141 = arith.constant 0 : i32
    %scan3A_142 = arith.constant 16 : i32
    %scan3A_143 = arith.addi %scan3A_141, %scan3A_142 : i32
    %scan3A_144 = arith.constant 1 : i32
    scf.for %scan3A_292 = %scan3A_141 to %scan3A_143 step %scan3A_144  : i32 {
      %dma_wait3A = arith.constant 0 : i32
      %dma_wait3A_293 = arith.constant 0 : i32
      %dma_wait3A_294 = arith.constant 0 : i32
      %dma_wait3A_295 = arith.constant 0 : i32
      %dma_wait3A_296 = arith.constant 0 : i32
      %dma_wait3A_297 = tpu.memref_slice %arg4[%dma_wait3A_293, %dma_wait3A_294, %dma_wait3A_295, %dma_wait3A_296] : memref<4x31x8x128xf32, #tpu.memory_space<vmem>> -> memref<4x16x8x128xf32, #tpu.memory_space<vmem>>
      %dma_wait3A_298 = arith.constant 0 : i32
      %dma_wait3A_299 = arith.constant 0 : i32
      %dma_wait3A_300 = arith.constant 0 : i32
      %dma_wait3A_301 = arith.constant 0 : i32
      %dma_wait3A_302 = tpu.memref_slice %arg3[%dma_wait3A, %dma_wait3A_298, %dma_wait3A_299, %dma_wait3A_300, %dma_wait3A_301] : memref<2048x8x16x8x128xf32, #tpu.memory_space<hbm>> -> memref<1x4x16x8x128xf32, #tpu.memory_space<hbm>>
      %dma_wait3A_303 = tpu.memref_squeeze %dma_wait3A_302 : memref<1x4x16x8x128xf32, #tpu.memory_space<hbm>> -> memref<4x16x8x128xf32, #tpu.memory_space<hbm>>
      %dma_wait3A_304 = arith.constant 0 : i32
      %dma_wait3A_305 = arith.constant 0 : i32
      %dma_wait3A_306 = arith.constant 0 : i32
      %dma_wait3A_307 = arith.constant 0 : i32
      %dma_wait3A_308 = tpu.memref_slice %arg4[%dma_wait3A_304, %dma_wait3A_305, %dma_wait3A_306, %dma_wait3A_307] : memref<4x31x8x128xf32, #tpu.memory_space<vmem>> -> memref<4x16x8x128xf32, #tpu.memory_space<vmem>>
      %dma_wait3A_309 = arith.constant 0 : i32
      %dma_wait3A_310 = arith.constant 0 : i32
      %dma_wait3A_311 = arith.constant 0 : i32
      %dma_wait3A_312 = arith.constant 0 : i32
      %dma_wait3A_313 = tpu.memref_slice %arg3[%dma_wait3A, %dma_wait3A_309, %dma_wait3A_310, %dma_wait3A_311, %dma_wait3A_312] : memref<2048x8x16x8x128xf32, #tpu.memory_space<hbm>> -> memref<1x4x16x8x128xf32, #tpu.memory_space<hbm>>
      %dma_wait3A_314 = tpu.memref_squeeze %dma_wait3A_313 : memref<1x4x16x8x128xf32, #tpu.memory_space<hbm>> -> memref<4x16x8x128xf32, #tpu.memory_space<hbm>>
      tpu.wait_dma2 semaphore(%arg6 : memref<!tpu.dma_semaphore, #tpu.memory_space<semaphore_mem>>) src(%dma_wait3A_314 : memref<4x16x8x128xf32, #tpu.memory_space<hbm>>) dst(%dma_wait3A_308 : memref<4x16x8x128xf32, #tpu.memory_space<vmem>>)
    }
    %scan3A_145 = arith.constant 16 : i32
    %scan3A_146 = arith.constant 0 : i32
    %scan3A_147 = arith.constant 0 : i32
    %scan3A_148 = arith.constant 14 : i32
    %scan3A_149 = arith.addi %scan3A_147, %scan3A_148 : i32
    %scan3A_150 = arith.constant 1 : i32
    scf.for %scan3A_292 = %scan3A_147 to %scan3A_149 step %scan3A_150  : i32 {
      %mul3A_293 = arith.constant 112 : i32
      %mul3A_294 = arith.muli %mul3A_293, %scan3A_292 : i32
      %add3A_295 = arith.addi %multiple_of3A, %mul3A_294 : i32
      %dma_start3A = arith.constant 0 : i32
      %dma_start3A_296 = arith.constant 0 : i32
      %dma_start3A_297 = arith.constant 0 : i32
      %dma_start3A_298 = tpu.memref_slice %arg4[%dma_start3A, %scan3A_292, %dma_start3A_296, %dma_start3A_297] : memref<4x31x8x128xf32, #tpu.memory_space<vmem>> -> memref<4x1x8x128xf32, #tpu.memory_space<vmem>>
      %dma_start3A_299 = tpu.memref_squeeze %dma_start3A_298 : memref<4x1x8x128xf32, #tpu.memory_space<vmem>> -> memref<4x8x128xf32, #tpu.memory_space<vmem>>
      %dma_start3A_300 = arith.constant 4 : i32
      %dma_start3A_301 = arith.constant 0 : i32
      %dma_start3A_302 = tpu.memref_slice %arg2[%dma_start3A_300, %dma_start3A_301, %add3A_295] : memref<64x8x4096xf32, #tpu.memory_space<hbm>> -> memref<4x8x128xf32, #tpu.memory_space<hbm>>
      %dma_start3A_303 = arith.constant 0 : i32
      %dma_start3A_304 = arith.constant 0 : i32
      %dma_start3A_305 = arith.constant 0 : i32
      %dma_start3A_306 = tpu.memref_slice %arg4[%dma_start3A_303, %scan3A_292, %dma_start3A_304, %dma_start3A_305] : memref<4x31x8x128xf32, #tpu.memory_space<vmem>> -> memref<4x1x8x128xf32, #tpu.memory_space<vmem>>
      %dma_start3A_307 = tpu.memref_squeeze %dma_start3A_306 : memref<4x1x8x128xf32, #tpu.memory_space<vmem>> -> memref<4x8x128xf32, #tpu.memory_space<vmem>>
      %dma_start3A_308 = arith.constant 4 : i32
      %dma_start3A_309 = arith.constant 0 : i32
      %dma_start3A_310 = tpu.memref_slice %arg2[%dma_start3A_308, %dma_start3A_309, %add3A_295] : memref<64x8x4096xf32, #tpu.memory_space<hbm>> -> memref<4x8x128xf32, #tpu.memory_space<hbm>>
      tpu.enqueue_dma source(%dma_start3A_310 : memref<4x8x128xf32, #tpu.memory_space<hbm>>) target(%dma_start3A_307 : memref<4x8x128xf32, #tpu.memory_space<vmem>>) target_semaphore(%arg5 : memref<!tpu.dma_semaphore, #tpu.memory_space<semaphore_mem>>)
    }
    %scan3A_151 = arith.constant 14 : i32
    %scan3A_152 = arith.constant 0 : i32
    %scan3A_153 = arith.constant 17 : i32
    %scan3A_154 = arith.constant 14 : i32
    %scan3A_155 = arith.addi %scan3A_153, %scan3A_154 : i32
    %scan3A_156 = arith.constant 1 : i32
    scf.for %scan3A_292 = %scan3A_153 to %scan3A_155 step %scan3A_156  : i32 {
      %add3A_293 = arith.constant 2176 : i32
      %add3A_294 = arith.addi %add3A_293, %multiple_of3A : i32
      %sub3A_295 = arith.constant 17 : i32
      %sub3A_296 = arith.subi %scan3A_292, %sub3A_295 : i32
      %mul3A_297 = arith.constant 112 : i32
      %mul3A_298 = arith.muli %mul3A_297, %sub3A_296 : i32
      %add3A_299 = arith.addi %add3A_294, %mul3A_298 : i32
      %dma_start3A = arith.constant 0 : i32
      %dma_start3A_300 = arith.constant 0 : i32
      %dma_start3A_301 = arith.constant 0 : i32
      %dma_start3A_302 = tpu.memref_slice %arg4[%dma_start3A, %scan3A_292, %dma_start3A_300, %dma_start3A_301] : memref<4x31x8x128xf32, #tpu.memory_space<vmem>> -> memref<4x1x8x128xf32, #tpu.memory_space<vmem>>
      %dma_start3A_303 = tpu.memref_squeeze %dma_start3A_302 : memref<4x1x8x128xf32, #tpu.memory_space<vmem>> -> memref<4x8x128xf32, #tpu.memory_space<vmem>>
      %dma_start3A_304 = arith.constant 4 : i32
      %dma_start3A_305 = arith.constant 0 : i32
      %dma_start3A_306 = tpu.memref_slice %arg2[%dma_start3A_304, %dma_start3A_305, %add3A_299] : memref<64x8x4096xf32, #tpu.memory_space<hbm>> -> memref<4x8x128xf32, #tpu.memory_space<hbm>>
      %dma_start3A_307 = arith.constant 0 : i32
      %dma_start3A_308 = arith.constant 0 : i32
      %dma_start3A_309 = arith.constant 0 : i32
      %dma_start3A_310 = tpu.memref_slice %arg4[%dma_start3A_307, %scan3A_292, %dma_start3A_308, %dma_start3A_309] : memref<4x31x8x128xf32, #tpu.memory_space<vmem>> -> memref<4x1x8x128xf32, #tpu.memory_space<vmem>>
      %dma_start3A_311 = tpu.memref_squeeze %dma_start3A_310 : memref<4x1x8x128xf32, #tpu.memory_space<vmem>> -> memref<4x8x128xf32, #tpu.memory_space<vmem>>
      %dma_start3A_312 = arith.constant 4 : i32
      %dma_start3A_313 = arith.constant 0 : i32
      %dma_start3A_314 = tpu.memref_slice %arg2[%dma_start3A_312, %dma_start3A_313, %add3A_299] : memref<64x8x4096xf32, #tpu.memory_space<hbm>> -> memref<4x8x128xf32, #tpu.memory_space<hbm>>
      tpu.enqueue_dma source(%dma_start3A_314 : memref<4x8x128xf32, #tpu.memory_space<hbm>>) target(%dma_start3A_311 : memref<4x8x128xf32, #tpu.memory_space<vmem>>) target_semaphore(%arg5 : memref<!tpu.dma_semaphore, #tpu.memory_space<semaphore_mem>>)
    }
    %scan3A_157 = arith.constant 14 : i32
    %scan3A_158 = arith.constant 0 : i32
    %scan3A_159 = arith.constant 0 : i32
    %scan3A_160 = arith.constant 28 : i32
    %scan3A_161 = arith.addi %scan3A_159, %scan3A_160 : i32
    %scan3A_162 = arith.constant 1 : i32
    scf.for %scan3A_292 = %scan3A_159 to %scan3A_161 step %scan3A_162  : i32 {
      %dma_wait3A = arith.constant 0 : i32
      %dma_wait3A_293 = arith.constant 0 : i32
      %dma_wait3A_294 = arith.constant 0 : i32
      %dma_wait3A_295 = arith.constant 0 : i32
      %dma_wait3A_296 = arith.constant 0 : i32
      %dma_wait3A_297 = arith.constant 0 : i32
      %dma_wait3A_298 = tpu.memref_slice %arg4[%dma_wait3A_295, %dma_wait3A_294, %dma_wait3A_296, %dma_wait3A_297] : memref<4x31x8x128xf32, #tpu.memory_space<vmem>> -> memref<4x1x8x128xf32, #tpu.memory_space<vmem>>
      %dma_wait3A_299 = tpu.memref_squeeze %dma_wait3A_298 : memref<4x1x8x128xf32, #tpu.memory_space<vmem>> -> memref<4x8x128xf32, #tpu.memory_space<vmem>>
      %dma_wait3A_300 = arith.constant 0 : i32
      %dma_wait3A_301 = arith.constant 0 : i32
      %dma_wait3A_302 = arith.constant 0 : i32
      %dma_wait3A_303 = tpu.memref_slice %arg3[%dma_wait3A, %dma_wait3A_300, %dma_wait3A_293, %dma_wait3A_301, %dma_wait3A_302] : memref<2048x8x16x8x128xf32, #tpu.memory_space<hbm>> -> memref<1x4x1x8x128xf32, #tpu.memory_space<hbm>>
      %dma_wait3A_304 = tpu.memref_squeeze %dma_wait3A_303 : memref<1x4x1x8x128xf32, #tpu.memory_space<hbm>> -> memref<4x8x128xf32, #tpu.memory_space<hbm>>
      %dma_wait3A_305 = arith.constant 0 : i32
      %dma_wait3A_306 = arith.constant 0 : i32
      %dma_wait3A_307 = arith.constant 0 : i32
      %dma_wait3A_308 = tpu.memref_slice %arg4[%dma_wait3A_305, %dma_wait3A_294, %dma_wait3A_306, %dma_wait3A_307] : memref<4x31x8x128xf32, #tpu.memory_space<vmem>> -> memref<4x1x8x128xf32, #tpu.memory_space<vmem>>
      %dma_wait3A_309 = tpu.memref_squeeze %dma_wait3A_308 : memref<4x1x8x128xf32, #tpu.memory_space<vmem>> -> memref<4x8x128xf32, #tpu.memory_space<vmem>>
      %dma_wait3A_310 = arith.constant 0 : i32
      %dma_wait3A_311 = arith.constant 0 : i32
      %dma_wait3A_312 = arith.constant 0 : i32
      %dma_wait3A_313 = tpu.memref_slice %arg3[%dma_wait3A, %dma_wait3A_310, %dma_wait3A_293, %dma_wait3A_311, %dma_wait3A_312] : memref<2048x8x16x8x128xf32, #tpu.memory_space<hbm>> -> memref<1x4x1x8x128xf32, #tpu.memory_space<hbm>>
      %dma_wait3A_314 = tpu.memref_squeeze %dma_wait3A_313 : memref<1x4x1x8x128xf32, #tpu.memory_space<hbm>> -> memref<4x8x128xf32, #tpu.memory_space<hbm>>
      tpu.wait_dma2 semaphore(%arg5 : memref<!tpu.dma_semaphore, #tpu.memory_space<semaphore_mem>>) src(%dma_wait3A_314 : memref<4x8x128xf32, #tpu.memory_space<hbm>>) dst(%dma_wait3A_309 : memref<4x8x128xf32, #tpu.memory_space<vmem>>)
    }
    %scan3A_163 = arith.constant 28 : i32
    %add3A_164 = arith.constant 0 : i32
    %add3A_165 = arith.addi %add3A, %add3A_164 : i32
    %sub3A_166 = arith.constant 127 : i32
    %sub3A_167 = arith.subi %sub3A_166, %add3A_165 : i32
    %rem3A_168 = arith.constant 8 : i32
    %rem3A_169 = arith.remsi %sub3A_167, %rem3A_168 : i32
    %sub3A_170 = arith.subi %sub3A_167, %rem3A_169 : i32
    %multiple_of3A_171 = tpu.assume_multiple %sub3A_170, 8 : i32
    %scan3A_172 = arith.constant 0 : i32
    %scan3A_173 = arith.constant 14 : i32
    %scan3A_174 = arith.constant 3 : i32
    %scan3A_175 = arith.addi %scan3A_173, %scan3A_174 : i32
    %scan3A_176 = arith.constant 1 : i32
    scf.for %scan3A_292 = %scan3A_173 to %scan3A_175 step %scan3A_176  : i32 {
      %mul3A_293 = arith.constant 8 : i32
      %mul3A_294 = arith.muli %rem3A_169, %mul3A_293 : i32
      %add3A_295 = arith.constant 4 : i32
      %add3A_296 = arith.addi %mul3A_294, %add3A_295 : i32
      %mul3A_297 = arith.constant 128 : i32
      %mul3A_298 = arith.muli %mul3A_297, %scan3A_292 : i32
      %add3A_299 = arith.addi %multiple_of3A_171, %mul3A_298 : i32
      %dma_start3A = arith.constant 0 : i32
      %dma_start3A_300 = arith.constant 0 : i32
      %dma_start3A_301 = arith.constant 0 : i32
      %dma_start3A_302 = tpu.memref_slice %arg4[%dma_start3A, %scan3A_292, %dma_start3A_300, %dma_start3A_301] : memref<4x31x8x128xf32, #tpu.memory_space<vmem>> -> memref<4x1x8x128xf32, #tpu.memory_space<vmem>>
      %dma_start3A_303 = tpu.memref_squeeze %dma_start3A_302 : memref<4x1x8x128xf32, #tpu.memory_space<vmem>> -> memref<4x8x128xf32, #tpu.memory_space<vmem>>
      %dma_start3A_304 = arith.constant 0 : i32
      %dma_start3A_305 = tpu.memref_slice %arg2[%add3A_296, %dma_start3A_304, %add3A_299] : memref<64x8x4096xf32, #tpu.memory_space<hbm>> -> memref<4x8x128xf32, #tpu.memory_space<hbm>>
      %dma_start3A_306 = arith.constant 0 : i32
      %dma_start3A_307 = arith.constant 0 : i32
      %dma_start3A_308 = arith.constant 0 : i32
      %dma_start3A_309 = tpu.memref_slice %arg4[%dma_start3A_306, %scan3A_292, %dma_start3A_307, %dma_start3A_308] : memref<4x31x8x128xf32, #tpu.memory_space<vmem>> -> memref<4x1x8x128xf32, #tpu.memory_space<vmem>>
      %dma_start3A_310 = tpu.memref_squeeze %dma_start3A_309 : memref<4x1x8x128xf32, #tpu.memory_space<vmem>> -> memref<4x8x128xf32, #tpu.memory_space<vmem>>
      %dma_start3A_311 = arith.constant 0 : i32
      %dma_start3A_312 = tpu.memref_slice %arg2[%add3A_296, %dma_start3A_311, %add3A_299] : memref<64x8x4096xf32, #tpu.memory_space<hbm>> -> memref<4x8x128xf32, #tpu.memory_space<hbm>>
      tpu.enqueue_dma source(%dma_start3A_312 : memref<4x8x128xf32, #tpu.memory_space<hbm>>) target(%dma_start3A_310 : memref<4x8x128xf32, #tpu.memory_space<vmem>>) target_semaphore(%arg5 : memref<!tpu.dma_semaphore, #tpu.memory_space<semaphore_mem>>)
    }
    %scan3A_177 = arith.constant 3 : i32
    %scan3A_178 = arith.constant 0 : i32
    %scan3A_179 = arith.constant 0 : i32
    %scan3A_180 = arith.constant 3 : i32
    %scan3A_181 = arith.addi %scan3A_179, %scan3A_180 : i32
    %scan3A_182 = arith.constant 1 : i32
    scf.for %scan3A_292 = %scan3A_179 to %scan3A_181 step %scan3A_182  : i32 {
      %dma_wait3A = arith.constant 0 : i32
      %dma_wait3A_293 = arith.constant 0 : i32
      %dma_wait3A_294 = arith.constant 0 : i32
      %dma_wait3A_295 = arith.constant 0 : i32
      %dma_wait3A_296 = arith.constant 0 : i32
      %dma_wait3A_297 = arith.constant 0 : i32
      %dma_wait3A_298 = tpu.memref_slice %arg4[%dma_wait3A_295, %dma_wait3A_294, %dma_wait3A_296, %dma_wait3A_297] : memref<4x31x8x128xf32, #tpu.memory_space<vmem>> -> memref<4x1x8x128xf32, #tpu.memory_space<vmem>>
      %dma_wait3A_299 = tpu.memref_squeeze %dma_wait3A_298 : memref<4x1x8x128xf32, #tpu.memory_space<vmem>> -> memref<4x8x128xf32, #tpu.memory_space<vmem>>
      %dma_wait3A_300 = arith.constant 0 : i32
      %dma_wait3A_301 = arith.constant 0 : i32
      %dma_wait3A_302 = arith.constant 0 : i32
      %dma_wait3A_303 = tpu.memref_slice %arg3[%dma_wait3A, %dma_wait3A_300, %dma_wait3A_293, %dma_wait3A_301, %dma_wait3A_302] : memref<2048x8x16x8x128xf32, #tpu.memory_space<hbm>> -> memref<1x4x1x8x128xf32, #tpu.memory_space<hbm>>
      %dma_wait3A_304 = tpu.memref_squeeze %dma_wait3A_303 : memref<1x4x1x8x128xf32, #tpu.memory_space<hbm>> -> memref<4x8x128xf32, #tpu.memory_space<hbm>>
      %dma_wait3A_305 = arith.constant 0 : i32
      %dma_wait3A_306 = arith.constant 0 : i32
      %dma_wait3A_307 = arith.constant 0 : i32
      %dma_wait3A_308 = tpu.memref_slice %arg4[%dma_wait3A_305, %dma_wait3A_294, %dma_wait3A_306, %dma_wait3A_307] : memref<4x31x8x128xf32, #tpu.memory_space<vmem>> -> memref<4x1x8x128xf32, #tpu.memory_space<vmem>>
      %dma_wait3A_309 = tpu.memref_squeeze %dma_wait3A_308 : memref<4x1x8x128xf32, #tpu.memory_space<vmem>> -> memref<4x8x128xf32, #tpu.memory_space<vmem>>
      %dma_wait3A_310 = arith.constant 0 : i32
      %dma_wait3A_311 = arith.constant 0 : i32
      %dma_wait3A_312 = arith.constant 0 : i32
      %dma_wait3A_313 = tpu.memref_slice %arg3[%dma_wait3A, %dma_wait3A_310, %dma_wait3A_293, %dma_wait3A_311, %dma_wait3A_312] : memref<2048x8x16x8x128xf32, #tpu.memory_space<hbm>> -> memref<1x4x1x8x128xf32, #tpu.memory_space<hbm>>
      %dma_wait3A_314 = tpu.memref_squeeze %dma_wait3A_313 : memref<1x4x1x8x128xf32, #tpu.memory_space<hbm>> -> memref<4x8x128xf32, #tpu.memory_space<hbm>>
      tpu.wait_dma2 semaphore(%arg5 : memref<!tpu.dma_semaphore, #tpu.memory_space<semaphore_mem>>) src(%dma_wait3A_314 : memref<4x8x128xf32, #tpu.memory_space<hbm>>) dst(%dma_wait3A_309 : memref<4x8x128xf32, #tpu.memory_space<vmem>>)
    }
    %scan3A_183 = arith.constant 3 : i32
    %scan3A_184 = arith.constant 0 : i32
    %scan3A_185 = arith.constant 0 : i32
    %scan3A_186 = arith.constant 16 : i32
    %scan3A_187 = arith.addi %scan3A_185, %scan3A_186 : i32
    %scan3A_188 = arith.constant 1 : i32
    scf.for %scan3A_292 = %scan3A_185 to %scan3A_187 step %scan3A_188  : i32 {
      %mul3A_293 = arith.constant 128 : i32
      %mul3A_294 = arith.muli %mul3A_293, %scan3A_292 : i32
      %add3A_295 = arith.addi %add3A_165, %mul3A_294 : i32
      %sub3A_296 = arith.constant 15 : i32
      %sub3A_297 = arith.subi %sub3A_296, %scan3A_292 : i32
      %dma_start3A = arith.constant 0 : i32
      %dma_start3A_298 = arith.constant 0 : i32
      %dma_start3A_299 = arith.constant 0 : i32
      %dma_start3A_300 = tpu.memref_slice %arg4[%dma_start3A, %sub3A_297, %dma_start3A_298, %dma_start3A_299] : memref<4x31x8x128xf32, #tpu.memory_space<vmem>> -> memref<4x16x8x128xf32, #tpu.memory_space<vmem>>
      %dma_start3A_301 = arith.constant 4 : i32
      %dma_start3A_302 = arith.constant 0 : i32
      %dma_start3A_303 = arith.constant 0 : i32
      %dma_start3A_304 = arith.constant 0 : i32
      %dma_start3A_305 = tpu.memref_slice %arg3[%add3A_295, %dma_start3A_301, %dma_start3A_302, %dma_start3A_303, %dma_start3A_304] : memref<2048x8x16x8x128xf32, #tpu.memory_space<hbm>> -> memref<1x4x16x8x128xf32, #tpu.memory_space<hbm>>
      %dma_start3A_306 = tpu.memref_squeeze %dma_start3A_305 : memref<1x4x16x8x128xf32, #tpu.memory_space<hbm>> -> memref<4x16x8x128xf32, #tpu.memory_space<hbm>>
      %dma_start3A_307 = arith.constant 4 : i32
      %dma_start3A_308 = arith.constant 0 : i32
      %dma_start3A_309 = arith.constant 0 : i32
      %dma_start3A_310 = arith.constant 0 : i32
      %dma_start3A_311 = tpu.memref_slice %arg3[%add3A_295, %dma_start3A_307, %dma_start3A_308, %dma_start3A_309, %dma_start3A_310] : memref<2048x8x16x8x128xf32, #tpu.memory_space<hbm>> -> memref<1x4x16x8x128xf32, #tpu.memory_space<hbm>>
      %dma_start3A_312 = tpu.memref_squeeze %dma_start3A_311 : memref<1x4x16x8x128xf32, #tpu.memory_space<hbm>> -> memref<4x16x8x128xf32, #tpu.memory_space<hbm>>
      %dma_start3A_313 = arith.constant 0 : i32
      %dma_start3A_314 = arith.constant 0 : i32
      %dma_start3A_315 = arith.constant 0 : i32
      %dma_start3A_316 = tpu.memref_slice %arg4[%dma_start3A_313, %sub3A_297, %dma_start3A_314, %dma_start3A_315] : memref<4x31x8x128xf32, #tpu.memory_space<vmem>> -> memref<4x16x8x128xf32, #tpu.memory_space<vmem>>
      tpu.enqueue_dma source(%dma_start3A_316 : memref<4x16x8x128xf32, #tpu.memory_space<vmem>>) target(%dma_start3A_312 : memref<4x16x8x128xf32, #tpu.memory_space<hbm>>) target_semaphore(%arg6 : memref<!tpu.dma_semaphore, #tpu.memory_space<semaphore_mem>>)
    }
    %scan3A_189 = arith.constant 16 : i32
    %scan3A_190 = arith.constant 0 : i32
    %scan3A_191 = arith.constant 0 : i32
    %scan3A_192 = arith.constant 16 : i32
    %scan3A_193 = arith.addi %scan3A_191, %scan3A_192 : i32
    %scan3A_194 = arith.constant 1 : i32
    scf.for %scan3A_292 = %scan3A_191 to %scan3A_193 step %scan3A_194  : i32 {
      %dma_wait3A = arith.constant 0 : i32
      %dma_wait3A_293 = arith.constant 0 : i32
      %dma_wait3A_294 = arith.constant 0 : i32
      %dma_wait3A_295 = arith.constant 0 : i32
      %dma_wait3A_296 = arith.constant 0 : i32
      %dma_wait3A_297 = tpu.memref_slice %arg4[%dma_wait3A_293, %dma_wait3A_294, %dma_wait3A_295, %dma_wait3A_296] : memref<4x31x8x128xf32, #tpu.memory_space<vmem>> -> memref<4x16x8x128xf32, #tpu.memory_space<vmem>>
      %dma_wait3A_298 = arith.constant 0 : i32
      %dma_wait3A_299 = arith.constant 0 : i32
      %dma_wait3A_300 = arith.constant 0 : i32
      %dma_wait3A_301 = arith.constant 0 : i32
      %dma_wait3A_302 = tpu.memref_slice %arg3[%dma_wait3A, %dma_wait3A_298, %dma_wait3A_299, %dma_wait3A_300, %dma_wait3A_301] : memref<2048x8x16x8x128xf32, #tpu.memory_space<hbm>> -> memref<1x4x16x8x128xf32, #tpu.memory_space<hbm>>
      %dma_wait3A_303 = tpu.memref_squeeze %dma_wait3A_302 : memref<1x4x16x8x128xf32, #tpu.memory_space<hbm>> -> memref<4x16x8x128xf32, #tpu.memory_space<hbm>>
      %dma_wait3A_304 = arith.constant 0 : i32
      %dma_wait3A_305 = arith.constant 0 : i32
      %dma_wait3A_306 = arith.constant 0 : i32
      %dma_wait3A_307 = arith.constant 0 : i32
      %dma_wait3A_308 = tpu.memref_slice %arg4[%dma_wait3A_304, %dma_wait3A_305, %dma_wait3A_306, %dma_wait3A_307] : memref<4x31x8x128xf32, #tpu.memory_space<vmem>> -> memref<4x16x8x128xf32, #tpu.memory_space<vmem>>
      %dma_wait3A_309 = arith.constant 0 : i32
      %dma_wait3A_310 = arith.constant 0 : i32
      %dma_wait3A_311 = arith.constant 0 : i32
      %dma_wait3A_312 = arith.constant 0 : i32
      %dma_wait3A_313 = tpu.memref_slice %arg3[%dma_wait3A, %dma_wait3A_309, %dma_wait3A_310, %dma_wait3A_311, %dma_wait3A_312] : memref<2048x8x16x8x128xf32, #tpu.memory_space<hbm>> -> memref<1x4x16x8x128xf32, #tpu.memory_space<hbm>>
      %dma_wait3A_314 = tpu.memref_squeeze %dma_wait3A_313 : memref<1x4x16x8x128xf32, #tpu.memory_space<hbm>> -> memref<4x16x8x128xf32, #tpu.memory_space<hbm>>
      tpu.wait_dma2 semaphore(%arg6 : memref<!tpu.dma_semaphore, #tpu.memory_space<semaphore_mem>>) src(%dma_wait3A_314 : memref<4x16x8x128xf32, #tpu.memory_space<hbm>>) dst(%dma_wait3A_308 : memref<4x16x8x128xf32, #tpu.memory_space<vmem>>)
    }
    %scan3A_195 = arith.constant 16 : i32
    %add3A_196 = arith.constant 32 : i32
    %add3A_197 = arith.addi %add3A, %add3A_196 : i32
    %sub3A_198 = arith.constant 127 : i32
    %sub3A_199 = arith.subi %sub3A_198, %add3A_197 : i32
    %rem3A_200 = arith.constant 8 : i32
    %rem3A_201 = arith.remsi %sub3A_199, %rem3A_200 : i32
    %sub3A_202 = arith.subi %sub3A_199, %rem3A_201 : i32
    %multiple_of3A_203 = tpu.assume_multiple %sub3A_202, 8 : i32
    %scan3A_204 = arith.constant 0 : i32
    %scan3A_205 = arith.constant 14 : i32
    %scan3A_206 = arith.constant 3 : i32
    %scan3A_207 = arith.addi %scan3A_205, %scan3A_206 : i32
    %scan3A_208 = arith.constant 1 : i32
    scf.for %scan3A_292 = %scan3A_205 to %scan3A_207 step %scan3A_208  : i32 {
      %mul3A_293 = arith.constant 8 : i32
      %mul3A_294 = arith.muli %rem3A_201, %mul3A_293 : i32
      %add3A_295 = arith.constant 4 : i32
      %add3A_296 = arith.addi %mul3A_294, %add3A_295 : i32
      %mul3A_297 = arith.constant 128 : i32
      %mul3A_298 = arith.muli %mul3A_297, %scan3A_292 : i32
      %add3A_299 = arith.addi %multiple_of3A_203, %mul3A_298 : i32
      %dma_start3A = arith.constant 0 : i32
      %dma_start3A_300 = arith.constant 0 : i32
      %dma_start3A_301 = arith.constant 0 : i32
      %dma_start3A_302 = tpu.memref_slice %arg4[%dma_start3A, %scan3A_292, %dma_start3A_300, %dma_start3A_301] : memref<4x31x8x128xf32, #tpu.memory_space<vmem>> -> memref<4x1x8x128xf32, #tpu.memory_space<vmem>>
      %dma_start3A_303 = tpu.memref_squeeze %dma_start3A_302 : memref<4x1x8x128xf32, #tpu.memory_space<vmem>> -> memref<4x8x128xf32, #tpu.memory_space<vmem>>
      %dma_start3A_304 = arith.constant 0 : i32
      %dma_start3A_305 = tpu.memref_slice %arg2[%add3A_296, %dma_start3A_304, %add3A_299] : memref<64x8x4096xf32, #tpu.memory_space<hbm>> -> memref<4x8x128xf32, #tpu.memory_space<hbm>>
      %dma_start3A_306 = arith.constant 0 : i32
      %dma_start3A_307 = arith.constant 0 : i32
      %dma_start3A_308 = arith.constant 0 : i32
      %dma_start3A_309 = tpu.memref_slice %arg4[%dma_start3A_306, %scan3A_292, %dma_start3A_307, %dma_start3A_308] : memref<4x31x8x128xf32, #tpu.memory_space<vmem>> -> memref<4x1x8x128xf32, #tpu.memory_space<vmem>>
      %dma_start3A_310 = tpu.memref_squeeze %dma_start3A_309 : memref<4x1x8x128xf32, #tpu.memory_space<vmem>> -> memref<4x8x128xf32, #tpu.memory_space<vmem>>
      %dma_start3A_311 = arith.constant 0 : i32
      %dma_start3A_312 = tpu.memref_slice %arg2[%add3A_296, %dma_start3A_311, %add3A_299] : memref<64x8x4096xf32, #tpu.memory_space<hbm>> -> memref<4x8x128xf32, #tpu.memory_space<hbm>>
      tpu.enqueue_dma source(%dma_start3A_312 : memref<4x8x128xf32, #tpu.memory_space<hbm>>) target(%dma_start3A_310 : memref<4x8x128xf32, #tpu.memory_space<vmem>>) target_semaphore(%arg5 : memref<!tpu.dma_semaphore, #tpu.memory_space<semaphore_mem>>)
    }
    %scan3A_209 = arith.constant 3 : i32
    %scan3A_210 = arith.constant 0 : i32
    %scan3A_211 = arith.constant 0 : i32
    %scan3A_212 = arith.constant 3 : i32
    %scan3A_213 = arith.addi %scan3A_211, %scan3A_212 : i32
    %scan3A_214 = arith.constant 1 : i32
    scf.for %scan3A_292 = %scan3A_211 to %scan3A_213 step %scan3A_214  : i32 {
      %dma_wait3A = arith.constant 0 : i32
      %dma_wait3A_293 = arith.constant 0 : i32
      %dma_wait3A_294 = arith.constant 0 : i32
      %dma_wait3A_295 = arith.constant 0 : i32
      %dma_wait3A_296 = arith.constant 0 : i32
      %dma_wait3A_297 = arith.constant 0 : i32
      %dma_wait3A_298 = tpu.memref_slice %arg4[%dma_wait3A_295, %dma_wait3A_294, %dma_wait3A_296, %dma_wait3A_297] : memref<4x31x8x128xf32, #tpu.memory_space<vmem>> -> memref<4x1x8x128xf32, #tpu.memory_space<vmem>>
      %dma_wait3A_299 = tpu.memref_squeeze %dma_wait3A_298 : memref<4x1x8x128xf32, #tpu.memory_space<vmem>> -> memref<4x8x128xf32, #tpu.memory_space<vmem>>
      %dma_wait3A_300 = arith.constant 0 : i32
      %dma_wait3A_301 = arith.constant 0 : i32
      %dma_wait3A_302 = arith.constant 0 : i32
      %dma_wait3A_303 = tpu.memref_slice %arg3[%dma_wait3A, %dma_wait3A_300, %dma_wait3A_293, %dma_wait3A_301, %dma_wait3A_302] : memref<2048x8x16x8x128xf32, #tpu.memory_space<hbm>> -> memref<1x4x1x8x128xf32, #tpu.memory_space<hbm>>
      %dma_wait3A_304 = tpu.memref_squeeze %dma_wait3A_303 : memref<1x4x1x8x128xf32, #tpu.memory_space<hbm>> -> memref<4x8x128xf32, #tpu.memory_space<hbm>>
      %dma_wait3A_305 = arith.constant 0 : i32
      %dma_wait3A_306 = arith.constant 0 : i32
      %dma_wait3A_307 = arith.constant 0 : i32
      %dma_wait3A_308 = tpu.memref_slice %arg4[%dma_wait3A_305, %dma_wait3A_294, %dma_wait3A_306, %dma_wait3A_307] : memref<4x31x8x128xf32, #tpu.memory_space<vmem>> -> memref<4x1x8x128xf32, #tpu.memory_space<vmem>>
      %dma_wait3A_309 = tpu.memref_squeeze %dma_wait3A_308 : memref<4x1x8x128xf32, #tpu.memory_space<vmem>> -> memref<4x8x128xf32, #tpu.memory_space<vmem>>
      %dma_wait3A_310 = arith.constant 0 : i32
      %dma_wait3A_311 = arith.constant 0 : i32
      %dma_wait3A_312 = arith.constant 0 : i32
      %dma_wait3A_313 = tpu.memref_slice %arg3[%dma_wait3A, %dma_wait3A_310, %dma_wait3A_293, %dma_wait3A_311, %dma_wait3A_312] : memref<2048x8x16x8x128xf32, #tpu.memory_space<hbm>> -> memref<1x4x1x8x128xf32, #tpu.memory_space<hbm>>
      %dma_wait3A_314 = tpu.memref_squeeze %dma_wait3A_313 : memref<1x4x1x8x128xf32, #tpu.memory_space<hbm>> -> memref<4x8x128xf32, #tpu.memory_space<hbm>>
      tpu.wait_dma2 semaphore(%arg5 : memref<!tpu.dma_semaphore, #tpu.memory_space<semaphore_mem>>) src(%dma_wait3A_314 : memref<4x8x128xf32, #tpu.memory_space<hbm>>) dst(%dma_wait3A_309 : memref<4x8x128xf32, #tpu.memory_space<vmem>>)
    }
    %scan3A_215 = arith.constant 3 : i32
    %scan3A_216 = arith.constant 0 : i32
    %scan3A_217 = arith.constant 0 : i32
    %scan3A_218 = arith.constant 16 : i32
    %scan3A_219 = arith.addi %scan3A_217, %scan3A_218 : i32
    %scan3A_220 = arith.constant 1 : i32
    scf.for %scan3A_292 = %scan3A_217 to %scan3A_219 step %scan3A_220  : i32 {
      %mul3A_293 = arith.constant 128 : i32
      %mul3A_294 = arith.muli %mul3A_293, %scan3A_292 : i32
      %add3A_295 = arith.addi %add3A_197, %mul3A_294 : i32
      %sub3A_296 = arith.constant 15 : i32
      %sub3A_297 = arith.subi %sub3A_296, %scan3A_292 : i32
      %dma_start3A = arith.constant 0 : i32
      %dma_start3A_298 = arith.constant 0 : i32
      %dma_start3A_299 = arith.constant 0 : i32
      %dma_start3A_300 = tpu.memref_slice %arg4[%dma_start3A, %sub3A_297, %dma_start3A_298, %dma_start3A_299] : memref<4x31x8x128xf32, #tpu.memory_space<vmem>> -> memref<4x16x8x128xf32, #tpu.memory_space<vmem>>
      %dma_start3A_301 = arith.constant 4 : i32
      %dma_start3A_302 = arith.constant 0 : i32
      %dma_start3A_303 = arith.constant 0 : i32
      %dma_start3A_304 = arith.constant 0 : i32
      %dma_start3A_305 = tpu.memref_slice %arg3[%add3A_295, %dma_start3A_301, %dma_start3A_302, %dma_start3A_303, %dma_start3A_304] : memref<2048x8x16x8x128xf32, #tpu.memory_space<hbm>> -> memref<1x4x16x8x128xf32, #tpu.memory_space<hbm>>
      %dma_start3A_306 = tpu.memref_squeeze %dma_start3A_305 : memref<1x4x16x8x128xf32, #tpu.memory_space<hbm>> -> memref<4x16x8x128xf32, #tpu.memory_space<hbm>>
      %dma_start3A_307 = arith.constant 4 : i32
      %dma_start3A_308 = arith.constant 0 : i32
      %dma_start3A_309 = arith.constant 0 : i32
      %dma_start3A_310 = arith.constant 0 : i32
      %dma_start3A_311 = tpu.memref_slice %arg3[%add3A_295, %dma_start3A_307, %dma_start3A_308, %dma_start3A_309, %dma_start3A_310] : memref<2048x8x16x8x128xf32, #tpu.memory_space<hbm>> -> memref<1x4x16x8x128xf32, #tpu.memory_space<hbm>>
      %dma_start3A_312 = tpu.memref_squeeze %dma_start3A_311 : memref<1x4x16x8x128xf32, #tpu.memory_space<hbm>> -> memref<4x16x8x128xf32, #tpu.memory_space<hbm>>
      %dma_start3A_313 = arith.constant 0 : i32
      %dma_start3A_314 = arith.constant 0 : i32
      %dma_start3A_315 = arith.constant 0 : i32
      %dma_start3A_316 = tpu.memref_slice %arg4[%dma_start3A_313, %sub3A_297, %dma_start3A_314, %dma_start3A_315] : memref<4x31x8x128xf32, #tpu.memory_space<vmem>> -> memref<4x16x8x128xf32, #tpu.memory_space<vmem>>
      tpu.enqueue_dma source(%dma_start3A_316 : memref<4x16x8x128xf32, #tpu.memory_space<vmem>>) target(%dma_start3A_312 : memref<4x16x8x128xf32, #tpu.memory_space<hbm>>) target_semaphore(%arg6 : memref<!tpu.dma_semaphore, #tpu.memory_space<semaphore_mem>>)
    }
    %scan3A_221 = arith.constant 16 : i32
    %scan3A_222 = arith.constant 0 : i32
    %scan3A_223 = arith.constant 0 : i32
    %scan3A_224 = arith.constant 16 : i32
    %scan3A_225 = arith.addi %scan3A_223, %scan3A_224 : i32
    %scan3A_226 = arith.constant 1 : i32
    scf.for %scan3A_292 = %scan3A_223 to %scan3A_225 step %scan3A_226  : i32 {
      %dma_wait3A = arith.constant 0 : i32
      %dma_wait3A_293 = arith.constant 0 : i32
      %dma_wait3A_294 = arith.constant 0 : i32
      %dma_wait3A_295 = arith.constant 0 : i32
      %dma_wait3A_296 = arith.constant 0 : i32
      %dma_wait3A_297 = tpu.memref_slice %arg4[%dma_wait3A_293, %dma_wait3A_294, %dma_wait3A_295, %dma_wait3A_296] : memref<4x31x8x128xf32, #tpu.memory_space<vmem>> -> memref<4x16x8x128xf32, #tpu.memory_space<vmem>>
      %dma_wait3A_298 = arith.constant 0 : i32
      %dma_wait3A_299 = arith.constant 0 : i32
      %dma_wait3A_300 = arith.constant 0 : i32
      %dma_wait3A_301 = arith.constant 0 : i32
      %dma_wait3A_302 = tpu.memref_slice %arg3[%dma_wait3A, %dma_wait3A_298, %dma_wait3A_299, %dma_wait3A_300, %dma_wait3A_301] : memref<2048x8x16x8x128xf32, #tpu.memory_space<hbm>> -> memref<1x4x16x8x128xf32, #tpu.memory_space<hbm>>
      %dma_wait3A_303 = tpu.memref_squeeze %dma_wait3A_302 : memref<1x4x16x8x128xf32, #tpu.memory_space<hbm>> -> memref<4x16x8x128xf32, #tpu.memory_space<hbm>>
      %dma_wait3A_304 = arith.constant 0 : i32
      %dma_wait3A_305 = arith.constant 0 : i32
      %dma_wait3A_306 = arith.constant 0 : i32
      %dma_wait3A_307 = arith.constant 0 : i32
      %dma_wait3A_308 = tpu.memref_slice %arg4[%dma_wait3A_304, %dma_wait3A_305, %dma_wait3A_306, %dma_wait3A_307] : memref<4x31x8x128xf32, #tpu.memory_space<vmem>> -> memref<4x16x8x128xf32, #tpu.memory_space<vmem>>
      %dma_wait3A_309 = arith.constant 0 : i32
      %dma_wait3A_310 = arith.constant 0 : i32
      %dma_wait3A_311 = arith.constant 0 : i32
      %dma_wait3A_312 = arith.constant 0 : i32
      %dma_wait3A_313 = tpu.memref_slice %arg3[%dma_wait3A, %dma_wait3A_309, %dma_wait3A_310, %dma_wait3A_311, %dma_wait3A_312] : memref<2048x8x16x8x128xf32, #tpu.memory_space<hbm>> -> memref<1x4x16x8x128xf32, #tpu.memory_space<hbm>>
      %dma_wait3A_314 = tpu.memref_squeeze %dma_wait3A_313 : memref<1x4x16x8x128xf32, #tpu.memory_space<hbm>> -> memref<4x16x8x128xf32, #tpu.memory_space<hbm>>
      tpu.wait_dma2 semaphore(%arg6 : memref<!tpu.dma_semaphore, #tpu.memory_space<semaphore_mem>>) src(%dma_wait3A_314 : memref<4x16x8x128xf32, #tpu.memory_space<hbm>>) dst(%dma_wait3A_308 : memref<4x16x8x128xf32, #tpu.memory_space<vmem>>)
    }
    %scan3A_227 = arith.constant 16 : i32
    %add3A_228 = arith.constant 64 : i32
    %add3A_229 = arith.addi %add3A, %add3A_228 : i32
    %sub3A_230 = arith.constant 127 : i32
    %sub3A_231 = arith.subi %sub3A_230, %add3A_229 : i32
    %rem3A_232 = arith.constant 8 : i32
    %rem3A_233 = arith.remsi %sub3A_231, %rem3A_232 : i32
    %sub3A_234 = arith.subi %sub3A_231, %rem3A_233 : i32
    %multiple_of3A_235 = tpu.assume_multiple %sub3A_234, 8 : i32
    %scan3A_236 = arith.constant 0 : i32
    %scan3A_237 = arith.constant 14 : i32
    %scan3A_238 = arith.constant 3 : i32
    %scan3A_239 = arith.addi %scan3A_237, %scan3A_238 : i32
    %scan3A_240 = arith.constant 1 : i32
    scf.for %scan3A_292 = %scan3A_237 to %scan3A_239 step %scan3A_240  : i32 {
      %mul3A_293 = arith.constant 8 : i32
      %mul3A_294 = arith.muli %rem3A_233, %mul3A_293 : i32
      %add3A_295 = arith.constant 4 : i32
      %add3A_296 = arith.addi %mul3A_294, %add3A_295 : i32
      %mul3A_297 = arith.constant 128 : i32
      %mul3A_298 = arith.muli %mul3A_297, %scan3A_292 : i32
      %add3A_299 = arith.addi %multiple_of3A_235, %mul3A_298 : i32
      %dma_start3A = arith.constant 0 : i32
      %dma_start3A_300 = arith.constant 0 : i32
      %dma_start3A_301 = arith.constant 0 : i32
      %dma_start3A_302 = tpu.memref_slice %arg4[%dma_start3A, %scan3A_292, %dma_start3A_300, %dma_start3A_301] : memref<4x31x8x128xf32, #tpu.memory_space<vmem>> -> memref<4x1x8x128xf32, #tpu.memory_space<vmem>>
      %dma_start3A_303 = tpu.memref_squeeze %dma_start3A_302 : memref<4x1x8x128xf32, #tpu.memory_space<vmem>> -> memref<4x8x128xf32, #tpu.memory_space<vmem>>
      %dma_start3A_304 = arith.constant 0 : i32
      %dma_start3A_305 = tpu.memref_slice %arg2[%add3A_296, %dma_start3A_304, %add3A_299] : memref<64x8x4096xf32, #tpu.memory_space<hbm>> -> memref<4x8x128xf32, #tpu.memory_space<hbm>>
      %dma_start3A_306 = arith.constant 0 : i32
      %dma_start3A_307 = arith.constant 0 : i32
      %dma_start3A_308 = arith.constant 0 : i32
      %dma_start3A_309 = tpu.memref_slice %arg4[%dma_start3A_306, %scan3A_292, %dma_start3A_307, %dma_start3A_308] : memref<4x31x8x128xf32, #tpu.memory_space<vmem>> -> memref<4x1x8x128xf32, #tpu.memory_space<vmem>>
      %dma_start3A_310 = tpu.memref_squeeze %dma_start3A_309 : memref<4x1x8x128xf32, #tpu.memory_space<vmem>> -> memref<4x8x128xf32, #tpu.memory_space<vmem>>
      %dma_start3A_311 = arith.constant 0 : i32
      %dma_start3A_312 = tpu.memref_slice %arg2[%add3A_296, %dma_start3A_311, %add3A_299] : memref<64x8x4096xf32, #tpu.memory_space<hbm>> -> memref<4x8x128xf32, #tpu.memory_space<hbm>>
      tpu.enqueue_dma source(%dma_start3A_312 : memref<4x8x128xf32, #tpu.memory_space<hbm>>) target(%dma_start3A_310 : memref<4x8x128xf32, #tpu.memory_space<vmem>>) target_semaphore(%arg5 : memref<!tpu.dma_semaphore, #tpu.memory_space<semaphore_mem>>)
    }
    %scan3A_241 = arith.constant 3 : i32
    %scan3A_242 = arith.constant 0 : i32
    %scan3A_243 = arith.constant 0 : i32
    %scan3A_244 = arith.constant 3 : i32
    %scan3A_245 = arith.addi %scan3A_243, %scan3A_244 : i32
    %scan3A_246 = arith.constant 1 : i32
    scf.for %scan3A_292 = %scan3A_243 to %scan3A_245 step %scan3A_246  : i32 {
      %dma_wait3A = arith.constant 0 : i32
      %dma_wait3A_293 = arith.constant 0 : i32
      %dma_wait3A_294 = arith.constant 0 : i32
      %dma_wait3A_295 = arith.constant 0 : i32
      %dma_wait3A_296 = arith.constant 0 : i32
      %dma_wait3A_297 = arith.constant 0 : i32
      %dma_wait3A_298 = tpu.memref_slice %arg4[%dma_wait3A_295, %dma_wait3A_294, %dma_wait3A_296, %dma_wait3A_297] : memref<4x31x8x128xf32, #tpu.memory_space<vmem>> -> memref<4x1x8x128xf32, #tpu.memory_space<vmem>>
      %dma_wait3A_299 = tpu.memref_squeeze %dma_wait3A_298 : memref<4x1x8x128xf32, #tpu.memory_space<vmem>> -> memref<4x8x128xf32, #tpu.memory_space<vmem>>
      %dma_wait3A_300 = arith.constant 0 : i32
      %dma_wait3A_301 = arith.constant 0 : i32
      %dma_wait3A_302 = arith.constant 0 : i32
      %dma_wait3A_303 = tpu.memref_slice %arg3[%dma_wait3A, %dma_wait3A_300, %dma_wait3A_293, %dma_wait3A_301, %dma_wait3A_302] : memref<2048x8x16x8x128xf32, #tpu.memory_space<hbm>> -> memref<1x4x1x8x128xf32, #tpu.memory_space<hbm>>
      %dma_wait3A_304 = tpu.memref_squeeze %dma_wait3A_303 : memref<1x4x1x8x128xf32, #tpu.memory_space<hbm>> -> memref<4x8x128xf32, #tpu.memory_space<hbm>>
      %dma_wait3A_305 = arith.constant 0 : i32
      %dma_wait3A_306 = arith.constant 0 : i32
      %dma_wait3A_307 = arith.constant 0 : i32
      %dma_wait3A_308 = tpu.memref_slice %arg4[%dma_wait3A_305, %dma_wait3A_294, %dma_wait3A_306, %dma_wait3A_307] : memref<4x31x8x128xf32, #tpu.memory_space<vmem>> -> memref<4x1x8x128xf32, #tpu.memory_space<vmem>>
      %dma_wait3A_309 = tpu.memref_squeeze %dma_wait3A_308 : memref<4x1x8x128xf32, #tpu.memory_space<vmem>> -> memref<4x8x128xf32, #tpu.memory_space<vmem>>
      %dma_wait3A_310 = arith.constant 0 : i32
      %dma_wait3A_311 = arith.constant 0 : i32
      %dma_wait3A_312 = arith.constant 0 : i32
      %dma_wait3A_313 = tpu.memref_slice %arg3[%dma_wait3A, %dma_wait3A_310, %dma_wait3A_293, %dma_wait3A_311, %dma_wait3A_312] : memref<2048x8x16x8x128xf32, #tpu.memory_space<hbm>> -> memref<1x4x1x8x128xf32, #tpu.memory_space<hbm>>
      %dma_wait3A_314 = tpu.memref_squeeze %dma_wait3A_313 : memref<1x4x1x8x128xf32, #tpu.memory_space<hbm>> -> memref<4x8x128xf32, #tpu.memory_space<hbm>>
      tpu.wait_dma2 semaphore(%arg5 : memref<!tpu.dma_semaphore, #tpu.memory_space<semaphore_mem>>) src(%dma_wait3A_314 : memref<4x8x128xf32, #tpu.memory_space<hbm>>) dst(%dma_wait3A_309 : memref<4x8x128xf32, #tpu.memory_space<vmem>>)
    }
    %scan3A_247 = arith.constant 3 : i32
    %scan3A_248 = arith.constant 0 : i32
    %scan3A_249 = arith.constant 0 : i32
    %scan3A_250 = arith.constant 16 : i32
    %scan3A_251 = arith.addi %scan3A_249, %scan3A_250 : i32
    %scan3A_252 = arith.constant 1 : i32
    scf.for %scan3A_292 = %scan3A_249 to %scan3A_251 step %scan3A_252  : i32 {
      %mul3A_293 = arith.constant 128 : i32
      %mul3A_294 = arith.muli %mul3A_293, %scan3A_292 : i32
      %add3A_295 = arith.addi %add3A_229, %mul3A_294 : i32
      %sub3A_296 = arith.constant 15 : i32
      %sub3A_297 = arith.subi %sub3A_296, %scan3A_292 : i32
      %dma_start3A = arith.constant 0 : i32
      %dma_start3A_298 = arith.constant 0 : i32
      %dma_start3A_299 = arith.constant 0 : i32
      %dma_start3A_300 = tpu.memref_slice %arg4[%dma_start3A, %sub3A_297, %dma_start3A_298, %dma_start3A_299] : memref<4x31x8x128xf32, #tpu.memory_space<vmem>> -> memref<4x16x8x128xf32, #tpu.memory_space<vmem>>
      %dma_start3A_301 = arith.constant 4 : i32
      %dma_start3A_302 = arith.constant 0 : i32
      %dma_start3A_303 = arith.constant 0 : i32
      %dma_start3A_304 = arith.constant 0 : i32
      %dma_start3A_305 = tpu.memref_slice %arg3[%add3A_295, %dma_start3A_301, %dma_start3A_302, %dma_start3A_303, %dma_start3A_304] : memref<2048x8x16x8x128xf32, #tpu.memory_space<hbm>> -> memref<1x4x16x8x128xf32, #tpu.memory_space<hbm>>
      %dma_start3A_306 = tpu.memref_squeeze %dma_start3A_305 : memref<1x4x16x8x128xf32, #tpu.memory_space<hbm>> -> memref<4x16x8x128xf32, #tpu.memory_space<hbm>>
      %dma_start3A_307 = arith.constant 4 : i32
      %dma_start3A_308 = arith.constant 0 : i32
      %dma_start3A_309 = arith.constant 0 : i32
      %dma_start3A_310 = arith.constant 0 : i32
      %dma_start3A_311 = tpu.memref_slice %arg3[%add3A_295, %dma_start3A_307, %dma_start3A_308, %dma_start3A_309, %dma_start3A_310] : memref<2048x8x16x8x128xf32, #tpu.memory_space<hbm>> -> memref<1x4x16x8x128xf32, #tpu.memory_space<hbm>>
      %dma_start3A_312 = tpu.memref_squeeze %dma_start3A_311 : memref<1x4x16x8x128xf32, #tpu.memory_space<hbm>> -> memref<4x16x8x128xf32, #tpu.memory_space<hbm>>
      %dma_start3A_313 = arith.constant 0 : i32
      %dma_start3A_314 = arith.constant 0 : i32
      %dma_start3A_315 = arith.constant 0 : i32
      %dma_start3A_316 = tpu.memref_slice %arg4[%dma_start3A_313, %sub3A_297, %dma_start3A_314, %dma_start3A_315] : memref<4x31x8x128xf32, #tpu.memory_space<vmem>> -> memref<4x16x8x128xf32, #tpu.memory_space<vmem>>
      tpu.enqueue_dma source(%dma_start3A_316 : memref<4x16x8x128xf32, #tpu.memory_space<vmem>>) target(%dma_start3A_312 : memref<4x16x8x128xf32, #tpu.memory_space<hbm>>) target_semaphore(%arg6 : memref<!tpu.dma_semaphore, #tpu.memory_space<semaphore_mem>>)
    }
    %scan3A_253 = arith.constant 16 : i32
    %scan3A_254 = arith.constant 0 : i32
    %scan3A_255 = arith.constant 0 : i32
    %scan3A_256 = arith.constant 16 : i32
    %scan3A_257 = arith.addi %scan3A_255, %scan3A_256 : i32
    %scan3A_258 = arith.constant 1 : i32
    scf.for %scan3A_292 = %scan3A_255 to %scan3A_257 step %scan3A_258  : i32 {
      %dma_wait3A = arith.constant 0 : i32
      %dma_wait3A_293 = arith.constant 0 : i32
      %dma_wait3A_294 = arith.constant 0 : i32
      %dma_wait3A_295 = arith.constant 0 : i32
      %dma_wait3A_296 = arith.constant 0 : i32
      %dma_wait3A_297 = tpu.memref_slice %arg4[%dma_wait3A_293, %dma_wait3A_294, %dma_wait3A_295, %dma_wait3A_296] : memref<4x31x8x128xf32, #tpu.memory_space<vmem>> -> memref<4x16x8x128xf32, #tpu.memory_space<vmem>>
      %dma_wait3A_298 = arith.constant 0 : i32
      %dma_wait3A_299 = arith.constant 0 : i32
      %dma_wait3A_300 = arith.constant 0 : i32
      %dma_wait3A_301 = arith.constant 0 : i32
      %dma_wait3A_302 = tpu.memref_slice %arg3[%dma_wait3A, %dma_wait3A_298, %dma_wait3A_299, %dma_wait3A_300, %dma_wait3A_301] : memref<2048x8x16x8x128xf32, #tpu.memory_space<hbm>> -> memref<1x4x16x8x128xf32, #tpu.memory_space<hbm>>
      %dma_wait3A_303 = tpu.memref_squeeze %dma_wait3A_302 : memref<1x4x16x8x128xf32, #tpu.memory_space<hbm>> -> memref<4x16x8x128xf32, #tpu.memory_space<hbm>>
      %dma_wait3A_304 = arith.constant 0 : i32
      %dma_wait3A_305 = arith.constant 0 : i32
      %dma_wait3A_306 = arith.constant 0 : i32
      %dma_wait3A_307 = arith.constant 0 : i32
      %dma_wait3A_308 = tpu.memref_slice %arg4[%dma_wait3A_304, %dma_wait3A_305, %dma_wait3A_306, %dma_wait3A_307] : memref<4x31x8x128xf32, #tpu.memory_space<vmem>> -> memref<4x16x8x128xf32, #tpu.memory_space<vmem>>
      %dma_wait3A_309 = arith.constant 0 : i32
      %dma_wait3A_310 = arith.constant 0 : i32
      %dma_wait3A_311 = arith.constant 0 : i32
      %dma_wait3A_312 = arith.constant 0 : i32
      %dma_wait3A_313 = tpu.memref_slice %arg3[%dma_wait3A, %dma_wait3A_309, %dma_wait3A_310, %dma_wait3A_311, %dma_wait3A_312] : memref<2048x8x16x8x128xf32, #tpu.memory_space<hbm>> -> memref<1x4x16x8x128xf32, #tpu.memory_space<hbm>>
      %dma_wait3A_314 = tpu.memref_squeeze %dma_wait3A_313 : memref<1x4x16x8x128xf32, #tpu.memory_space<hbm>> -> memref<4x16x8x128xf32, #tpu.memory_space<hbm>>
      tpu.wait_dma2 semaphore(%arg6 : memref<!tpu.dma_semaphore, #tpu.memory_space<semaphore_mem>>) src(%dma_wait3A_314 : memref<4x16x8x128xf32, #tpu.memory_space<hbm>>) dst(%dma_wait3A_308 : memref<4x16x8x128xf32, #tpu.memory_space<vmem>>)
    }
    %scan3A_259 = arith.constant 16 : i32
    %add3A_260 = arith.constant 96 : i32
    %add3A_261 = arith.addi %add3A, %add3A_260 : i32
    %sub3A_262 = arith.constant 127 : i32
    %sub3A_263 = arith.subi %sub3A_262, %add3A_261 : i32
    %rem3A_264 = arith.constant 8 : i32
    %rem3A_265 = arith.remsi %sub3A_263, %rem3A_264 : i32
    %sub3A_266 = arith.subi %sub3A_263, %rem3A_265 : i32
    %multiple_of3A_267 = tpu.assume_multiple %sub3A_266, 8 : i32
    %scan3A_268 = arith.constant 0 : i32
    %scan3A_269 = arith.constant 14 : i32
    %scan3A_270 = arith.constant 3 : i32
    %scan3A_271 = arith.addi %scan3A_269, %scan3A_270 : i32
    %scan3A_272 = arith.constant 1 : i32
    scf.for %scan3A_292 = %scan3A_269 to %scan3A_271 step %scan3A_272  : i32 {
      %mul3A_293 = arith.constant 8 : i32
      %mul3A_294 = arith.muli %rem3A_265, %mul3A_293 : i32
      %add3A_295 = arith.constant 4 : i32
      %add3A_296 = arith.addi %mul3A_294, %add3A_295 : i32
      %mul3A_297 = arith.constant 128 : i32
      %mul3A_298 = arith.muli %mul3A_297, %scan3A_292 : i32
      %add3A_299 = arith.addi %multiple_of3A_267, %mul3A_298 : i32
      %dma_start3A = arith.constant 0 : i32
      %dma_start3A_300 = arith.constant 0 : i32
      %dma_start3A_301 = arith.constant 0 : i32
      %dma_start3A_302 = tpu.memref_slice %arg4[%dma_start3A, %scan3A_292, %dma_start3A_300, %dma_start3A_301] : memref<4x31x8x128xf32, #tpu.memory_space<vmem>> -> memref<4x1x8x128xf32, #tpu.memory_space<vmem>>
      %dma_start3A_303 = tpu.memref_squeeze %dma_start3A_302 : memref<4x1x8x128xf32, #tpu.memory_space<vmem>> -> memref<4x8x128xf32, #tpu.memory_space<vmem>>
      %dma_start3A_304 = arith.constant 0 : i32
      %dma_start3A_305 = tpu.memref_slice %arg2[%add3A_296, %dma_start3A_304, %add3A_299] : memref<64x8x4096xf32, #tpu.memory_space<hbm>> -> memref<4x8x128xf32, #tpu.memory_space<hbm>>
      %dma_start3A_306 = arith.constant 0 : i32
      %dma_start3A_307 = arith.constant 0 : i32
      %dma_start3A_308 = arith.constant 0 : i32
      %dma_start3A_309 = tpu.memref_slice %arg4[%dma_start3A_306, %scan3A_292, %dma_start3A_307, %dma_start3A_308] : memref<4x31x8x128xf32, #tpu.memory_space<vmem>> -> memref<4x1x8x128xf32, #tpu.memory_space<vmem>>
      %dma_start3A_310 = tpu.memref_squeeze %dma_start3A_309 : memref<4x1x8x128xf32, #tpu.memory_space<vmem>> -> memref<4x8x128xf32, #tpu.memory_space<vmem>>
      %dma_start3A_311 = arith.constant 0 : i32
      %dma_start3A_312 = tpu.memref_slice %arg2[%add3A_296, %dma_start3A_311, %add3A_299] : memref<64x8x4096xf32, #tpu.memory_space<hbm>> -> memref<4x8x128xf32, #tpu.memory_space<hbm>>
      tpu.enqueue_dma source(%dma_start3A_312 : memref<4x8x128xf32, #tpu.memory_space<hbm>>) target(%dma_start3A_310 : memref<4x8x128xf32, #tpu.memory_space<vmem>>) target_semaphore(%arg5 : memref<!tpu.dma_semaphore, #tpu.memory_space<semaphore_mem>>)
    }
    %scan3A_273 = arith.constant 3 : i32
    %scan3A_274 = arith.constant 0 : i32
    %scan3A_275 = arith.constant 0 : i32
    %scan3A_276 = arith.constant 3 : i32
    %scan3A_277 = arith.addi %scan3A_275, %scan3A_276 : i32
    %scan3A_278 = arith.constant 1 : i32
    scf.for %scan3A_292 = %scan3A_275 to %scan3A_277 step %scan3A_278  : i32 {
      %dma_wait3A = arith.constant 0 : i32
      %dma_wait3A_293 = arith.constant 0 : i32
      %dma_wait3A_294 = arith.constant 0 : i32
      %dma_wait3A_295 = arith.constant 0 : i32
      %dma_wait3A_296 = arith.constant 0 : i32
      %dma_wait3A_297 = arith.constant 0 : i32
      %dma_wait3A_298 = tpu.memref_slice %arg4[%dma_wait3A_295, %dma_wait3A_294, %dma_wait3A_296, %dma_wait3A_297] : memref<4x31x8x128xf32, #tpu.memory_space<vmem>> -> memref<4x1x8x128xf32, #tpu.memory_space<vmem>>
      %dma_wait3A_299 = tpu.memref_squeeze %dma_wait3A_298 : memref<4x1x8x128xf32, #tpu.memory_space<vmem>> -> memref<4x8x128xf32, #tpu.memory_space<vmem>>
      %dma_wait3A_300 = arith.constant 0 : i32
      %dma_wait3A_301 = arith.constant 0 : i32
      %dma_wait3A_302 = arith.constant 0 : i32
      %dma_wait3A_303 = tpu.memref_slice %arg3[%dma_wait3A, %dma_wait3A_300, %dma_wait3A_293, %dma_wait3A_301, %dma_wait3A_302] : memref<2048x8x16x8x128xf32, #tpu.memory_space<hbm>> -> memref<1x4x1x8x128xf32, #tpu.memory_space<hbm>>
      %dma_wait3A_304 = tpu.memref_squeeze %dma_wait3A_303 : memref<1x4x1x8x128xf32, #tpu.memory_space<hbm>> -> memref<4x8x128xf32, #tpu.memory_space<hbm>>
      %dma_wait3A_305 = arith.constant 0 : i32
      %dma_wait3A_306 = arith.constant 0 : i32
      %dma_wait3A_307 = arith.constant 0 : i32
      %dma_wait3A_308 = tpu.memref_slice %arg4[%dma_wait3A_305, %dma_wait3A_294, %dma_wait3A_306, %dma_wait3A_307] : memref<4x31x8x128xf32, #tpu.memory_space<vmem>> -> memref<4x1x8x128xf32, #tpu.memory_space<vmem>>
      %dma_wait3A_309 = tpu.memref_squeeze %dma_wait3A_308 : memref<4x1x8x128xf32, #tpu.memory_space<vmem>> -> memref<4x8x128xf32, #tpu.memory_space<vmem>>
      %dma_wait3A_310 = arith.constant 0 : i32
      %dma_wait3A_311 = arith.constant 0 : i32
      %dma_wait3A_312 = arith.constant 0 : i32
      %dma_wait3A_313 = tpu.memref_slice %arg3[%dma_wait3A, %dma_wait3A_310, %dma_wait3A_293, %dma_wait3A_311, %dma_wait3A_312] : memref<2048x8x16x8x128xf32, #tpu.memory_space<hbm>> -> memref<1x4x1x8x128xf32, #tpu.memory_space<hbm>>
      %dma_wait3A_314 = tpu.memref_squeeze %dma_wait3A_313 : memref<1x4x1x8x128xf32, #tpu.memory_space<hbm>> -> memref<4x8x128xf32, #tpu.memory_space<hbm>>
      tpu.wait_dma2 semaphore(%arg5 : memref<!tpu.dma_semaphore, #tpu.memory_space<semaphore_mem>>) src(%dma_wait3A_314 : memref<4x8x128xf32, #tpu.memory_space<hbm>>) dst(%dma_wait3A_309 : memref<4x8x128xf32, #tpu.memory_space<vmem>>)
    }
    %scan3A_279 = arith.constant 3 : i32
    %scan3A_280 = arith.constant 0 : i32
    %scan3A_281 = arith.constant 0 : i32
    %scan3A_282 = arith.constant 16 : i32
    %scan3A_283 = arith.addi %scan3A_281, %scan3A_282 : i32
    %scan3A_284 = arith.constant 1 : i32
    scf.for %scan3A_292 = %scan3A_281 to %scan3A_283 step %scan3A_284  : i32 {
      %mul3A_293 = arith.constant 128 : i32
      %mul3A_294 = arith.muli %mul3A_293, %scan3A_292 : i32
      %add3A_295 = arith.addi %add3A_261, %mul3A_294 : i32
      %sub3A_296 = arith.constant 15 : i32
      %sub3A_297 = arith.subi %sub3A_296, %scan3A_292 : i32
      %dma_start3A = arith.constant 0 : i32
      %dma_start3A_298 = arith.constant 0 : i32
      %dma_start3A_299 = arith.constant 0 : i32
      %dma_start3A_300 = tpu.memref_slice %arg4[%dma_start3A, %sub3A_297, %dma_start3A_298, %dma_start3A_299] : memref<4x31x8x128xf32, #tpu.memory_space<vmem>> -> memref<4x16x8x128xf32, #tpu.memory_space<vmem>>
      %dma_start3A_301 = arith.constant 4 : i32
      %dma_start3A_302 = arith.constant 0 : i32
      %dma_start3A_303 = arith.constant 0 : i32
      %dma_start3A_304 = arith.constant 0 : i32
      %dma_start3A_305 = tpu.memref_slice %arg3[%add3A_295, %dma_start3A_301, %dma_start3A_302, %dma_start3A_303, %dma_start3A_304] : memref<2048x8x16x8x128xf32, #tpu.memory_space<hbm>> -> memref<1x4x16x8x128xf32, #tpu.memory_space<hbm>>
      %dma_start3A_306 = tpu.memref_squeeze %dma_start3A_305 : memref<1x4x16x8x128xf32, #tpu.memory_space<hbm>> -> memref<4x16x8x128xf32, #tpu.memory_space<hbm>>
      %dma_start3A_307 = arith.constant 4 : i32
      %dma_start3A_308 = arith.constant 0 : i32
      %dma_start3A_309 = arith.constant 0 : i32
      %dma_start3A_310 = arith.constant 0 : i32
      %dma_start3A_311 = tpu.memref_slice %arg3[%add3A_295, %dma_start3A_307, %dma_start3A_308, %dma_start3A_309, %dma_start3A_310] : memref<2048x8x16x8x128xf32, #tpu.memory_space<hbm>> -> memref<1x4x16x8x128xf32, #tpu.memory_space<hbm>>
      %dma_start3A_312 = tpu.memref_squeeze %dma_start3A_311 : memref<1x4x16x8x128xf32, #tpu.memory_space<hbm>> -> memref<4x16x8x128xf32, #tpu.memory_space<hbm>>
      %dma_start3A_313 = arith.constant 0 : i32
      %dma_start3A_314 = arith.constant 0 : i32
      %dma_start3A_315 = arith.constant 0 : i32
      %dma_start3A_316 = tpu.memref_slice %arg4[%dma_start3A_313, %sub3A_297, %dma_start3A_314, %dma_start3A_315] : memref<4x31x8x128xf32, #tpu.memory_space<vmem>> -> memref<4x16x8x128xf32, #tpu.memory_space<vmem>>
      tpu.enqueue_dma source(%dma_start3A_316 : memref<4x16x8x128xf32, #tpu.memory_space<vmem>>) target(%dma_start3A_312 : memref<4x16x8x128xf32, #tpu.memory_space<hbm>>) target_semaphore(%arg6 : memref<!tpu.dma_semaphore, #tpu.memory_space<semaphore_mem>>)
    }
    %scan3A_285 = arith.constant 16 : i32
    %scan3A_286 = arith.constant 0 : i32
    %scan3A_287 = arith.constant 0 : i32
    %scan3A_288 = arith.constant 16 : i32
    %scan3A_289 = arith.addi %scan3A_287, %scan3A_288 : i32
    %scan3A_290 = arith.constant 1 : i32
    scf.for %scan3A_292 = %scan3A_287 to %scan3A_289 step %scan3A_290  : i32 {
      %dma_wait3A = arith.constant 0 : i32
      %dma_wait3A_293 = arith.constant 0 : i32
      %dma_wait3A_294 = arith.constant 0 : i32
      %dma_wait3A_295 = arith.constant 0 : i32
      %dma_wait3A_296 = arith.constant 0 : i32
      %dma_wait3A_297 = tpu.memref_slice %arg4[%dma_wait3A_293, %dma_wait3A_294, %dma_wait3A_295, %dma_wait3A_296] : memref<4x31x8x128xf32, #tpu.memory_space<vmem>> -> memref<4x16x8x128xf32, #tpu.memory_space<vmem>>
      %dma_wait3A_298 = arith.constant 0 : i32
      %dma_wait3A_299 = arith.constant 0 : i32
      %dma_wait3A_300 = arith.constant 0 : i32
      %dma_wait3A_301 = arith.constant 0 : i32
      %dma_wait3A_302 = tpu.memref_slice %arg3[%dma_wait3A, %dma_wait3A_298, %dma_wait3A_299, %dma_wait3A_300, %dma_wait3A_301] : memref<2048x8x16x8x128xf32, #tpu.memory_space<hbm>> -> memref<1x4x16x8x128xf32, #tpu.memory_space<hbm>>
      %dma_wait3A_303 = tpu.memref_squeeze %dma_wait3A_302 : memref<1x4x16x8x128xf32, #tpu.memory_space<hbm>> -> memref<4x16x8x128xf32, #tpu.memory_space<hbm>>
      %dma_wait3A_304 = arith.constant 0 : i32
      %dma_wait3A_305 = arith.constant 0 : i32
      %dma_wait3A_306 = arith.constant 0 : i32
      %dma_wait3A_307 = arith.constant 0 : i32
      %dma_wait3A_308 = tpu.memref_slice %arg4[%dma_wait3A_304, %dma_wait3A_305, %dma_wait3A_306, %dma_wait3A_307] : memref<4x31x8x128xf32, #tpu.memory_space<vmem>> -> memref<4x16x8x128xf32, #tpu.memory_space<vmem>>
      %dma_wait3A_309 = arith.constant 0 : i32
      %dma_wait3A_310 = arith.constant 0 : i32
      %dma_wait3A_311 = arith.constant 0 : i32
      %dma_wait3A_312 = arith.constant 0 : i32
      %dma_wait3A_313 = tpu.memref_slice %arg3[%dma_wait3A, %dma_wait3A_309, %dma_wait3A_310, %dma_wait3A_311, %dma_wait3A_312] : memref<2048x8x16x8x128xf32, #tpu.memory_space<hbm>> -> memref<1x4x16x8x128xf32, #tpu.memory_space<hbm>>
      %dma_wait3A_314 = tpu.memref_squeeze %dma_wait3A_313 : memref<1x4x16x8x128xf32, #tpu.memory_space<hbm>> -> memref<4x16x8x128xf32, #tpu.memory_space<hbm>>
      tpu.wait_dma2 semaphore(%arg6 : memref<!tpu.dma_semaphore, #tpu.memory_space<semaphore_mem>>) src(%dma_wait3A_314 : memref<4x16x8x128xf32, #tpu.memory_space<hbm>>) dst(%dma_wait3A_308 : memref<4x16x8x128xf32, #tpu.memory_space<vmem>>)
    }
    %scan3A_291 = arith.constant 16 : i32
    return
  }
}

</mosaic_0001>

<sc_bundles>
// kernel: kernel.3.cloned.1.call-start
scs
__scs_entry_jumppad:
0x0: {  	(pc) =	sbr.rel $0x88, $3  }
0x1: {  	(tag) =	ssettag $0x0;
	lr =	simm.s32 $0x1  }
0x2: {  	[smem:$0x3FA0] =	sst lr;
	_ =	strace $0xD0000000  }
0x3: {  	_ = 	snop  }
0x4: {  	_ = 	snop  }
0x5: {  	_ = 	snop  }
0x6: {  	_ = 	snop  }
0x7: {  	_ = 	snop  }
__scs_overlays_trampoline_lowered:
0x8: {  	[smem:$0x3FAF] =	sst s0  }
0x9: {  	[smem:$0x3FB0] =	sst s1  }
0xa: {  	[smem:$0x3FB1] =	sst s2  }
0xb: {  	[smem:$0x3FB2] =	sst s3  }
0xc: {  	[smem:$0x3FB3] =	sst s4  }
0xd: {  	[smem:$0x3FB4] =	sst s5  }
0xe: {  	[smem:$0x3FB5] =	sst s6  }
0xf: {  	[smem:$0x3FB6] =	sst s7  }
0x10: {  	[smem:$0x3FB7] =	sst s8  }
0x11: {  	[smem:$0x3FB8] =	sst s9;
	s0 =	simm.s32 @!p0 $0x0  }
0x12: {  	s1 =	sld [smem:$0x3F9E];
	s0 =	simm.s32 @p0 $0x1  }
0x13: {  	[smem:$0x3FB9] =	sst s0;
	s0 =	simm.s32 @!p1 $0x0  }
0x14: {  	s2 =	sld [smem:$0x3F9D];
	s0 =	simm.s32 @p1 $0x1  }
0x15: {  	[smem:$0x3FBA] =	sst s0;
	s0 =	simm.s32 @!p2 $0x0  }
0x16: {  	s3 =	sld [smem:$0x3FDB];
	s0 =	simm.s32 @p2 $0x1  }
0x17: {  	s4 =	simm.s32 $0x1BF5;
	[smem:$0x3FBC] =	sst s0  }
0x18: {  	s0 =	sld [smem:$0x3F9F];
	_ =	swait.ge [sflag:s4], $0x0  }
0x19: {  	s7 =	sld [smem:$0x3FA0]  }
0x1a: {  	s8 =	sadd.s32 $0xFFFFE003, lr  }
0x1b: {  	s9 =	sadd.s32 $0xFFFFFEF7, lr;
	s5 =	simm.s32 $0xFFFFFFFF;
	p2 =	slt.u32 s8, $0xFFFFF086  }
0x1c: {  	p1 =	slt.u32 s9, $0xF7A;
	s5 =	simm.s32 @!p2 $0x0  }
0x1d: {  	s5 =	simm.s32 @p1 $0x1;
	p0 =	seq.s32 s7, s2  }
0x1e: {  	s7 =	smul.u32 @!p0 $0xF7A, s2;
	p2 =	seq.s32 @!p0 s5, $0x0  }
0x1f: {  	s9 =	smul.u32 $0xF7A, s1;
	s8 =	simm.s32 @!p0 $0x1BF5;
	p2 =	por !p2, p0  }
0x20: {  	[sflag:s8] =	ssyncset.s32 @!p0 $0xFFFFF086;
	s6 =	sadd.s32 @!p0 s3, s7;
	s7 =	simm.s32 @!p0 $0x108  }
0x21: {  	s3 =	sadd.s32 s3, s9;
	s6 =	sadd.s32 @!p0 $0x88, s6;
	s7 =	simm.s32 @p2 $0x1082  }
0x22: {  	[simem:s7], [sflag:s8] =	dma.local @!p0 [hbm:s6], $0xF7A  }
0x23: {  	s9 =	sor.u32 $0xD0000000, s2;
	s6 =	simm.s32 $0x108;
	_ =	swait.ge @!p0 [sflag:s8], $0x0  }
0x24: {  	s3 =	sadd.s32 $0x88, s3;
	s6 =	simm.s32 @!p1 $0x1082;
	[sflag:s4] =	ssyncset.s32 $0xFFFFF086  }
0x25: {  	[simem:s6], [sflag:s4] =	dma.local [hbm:s3], $0xF7A  }
0x26: {  	[smem:$0x3FA0] =	sst s1;
	(tag) =	ssettag s2;
	_ =	strace s9  }
0x27: {  	s1 =	sld [smem:$0x3FB0]  }
0x28: {  	s2 =	sld [smem:$0x3FB1]  }
0x29: {  	s4 =	sld [smem:$0x3FB3]  }
0x2a: {  	p0 =	seq.s32 s5, $0x0;
	s5 =	sld [smem:$0x3FB4]  }
0x2b: {  	s6 =	sld [smem:$0x3FB5]  }
0x2c: {  	s7 =	sld [smem:$0x3FB6]  }
0x2d: {  	s3 =	simm.s32 $0x108;
	s8 =	sld [smem:$0x3FB7]  }
0x2e: {  	s3 =	simm.s32 @!p0 $0x1082;
	s9 =	sld [smem:$0x3FB8]  }
0x2f: {  	lr =	sadd.s32 s0, s3;
	s0 =	sld [smem:$0x3FAF]  }
0x30: {  	s3 =	sld [smem:$0x3FB2]  }
0x31: {  	[smem:$0x3FBB] =	sst s10  }
0x32: {  	s10 =	sld [smem:$0x3FB9];
	_ =	sdelay $0x3  }
0x33: {  	p0 =	seq.s32 s10, $0x1;
	s10 =	sld [smem:$0x3FBB];
	_ =	sdelay $0x3  }
0x34: {  	[smem:$0x3FBB] =	sst s10  }
0x35: {  	s10 =	sld [smem:$0x3FBA];
	_ =	sdelay $0x3  }
0x36: {  	p1 =	seq.s32 s10, $0x1;
	s10 =	sld [smem:$0x3FBB];
	_ =	sdelay $0x3  }
0x37: {  	[smem:$0x3FBB] =	sst s10  }
0x38: {  	s10 =	sld [smem:$0x3FBC]  }
0x39: {  	_ = 	snop;
	(pc) =	sbr.ind lr, $3  }
0x3a: {  	_ = 	snop  }
0x3b: {  	_ = 	snop  }
0x3c: {  	p2 =	seq.s32 s10, $0x1;
	s10 =	sld [smem:$0x3FBB]  }
0x3d: {  	_ =	shalt  }
0x3e: {  	_ =	shalt  }
0x3f: {  	_ =	shalt  }
0x40: {  	_ =	shalt  }
0x41: {  	_ =	shalt  }
0x42: {  	_ =	shalt  }
0x43: {  	_ =	shalt  }
0x44: {  	_ =	shalt  }
0x45: {  	_ =	shalt  }
0x46: {  	_ =	shalt  }
0x47: {  	_ =	shalt  }
0x48: {  	_ =	shalt  }
0x49: {  	_ =	shalt  }
0x4a: {  	_ =	shalt  }
0x4b: {  	_ =	shalt  }
0x4c: {  	_ =	shalt  }
0x4d: {  	_ =	shalt  }
0x4e: {  	_ =	shalt  }
0x4f: {  	_ =	shalt  }
0x50: {  	_ =	shalt  }
0x51: {  	_ =	shalt  }
0x52: {  	_ =	shalt  }
0x53: {  	_ =	shalt  }
0x54: {  	_ =	shalt  }
0x55: {  	_ =	shalt  }
0x56: {  	_ =	shalt  }
0x57: {  	_ =	shalt  }
0x58: {  	_ =	shalt  }
0x59: {  	_ =	shalt  }
0x5a: {  	_ =	shalt  }
0x5b: {  	_ =	shalt  }
0x5c: {  	_ =	shalt  }
0x5d: {  	_ =	shalt  }
0x5e: {  	_ =	shalt  }
0x5f: {  	_ =	shalt  }
0x60: {  	_ =	shalt  }
0x61: {  	_ =	shalt  }
0x62: {  	_ =	shalt  }
0x63: {  	_ =	shalt  }
0x64: {  	_ =	shalt  }
0x65: {  	_ =	shalt  }
0x66: {  	_ =	shalt  }
0x67: {  	_ =	shalt  }
0x68: {  	_ =	shalt  }
0x69: {  	_ =	shalt  }
0x6a: {  	_ =	shalt  }
0x6b: {  	_ =	shalt  }
0x6c: {  	_ =	shalt  }
0x6d: {  	_ =	shalt  }
0x6e: {  	_ =	shalt  }
0x6f: {  	_ =	shalt  }
0x70: {  	_ =	shalt  }
0x71: {  	_ =	shalt  }
0x72: {  	_ =	shalt  }
0x73: {  	_ =	shalt  }
0x74: {  	_ =	shalt  }
0x75: {  	_ =	shalt  }
0x76: {  	_ =	shalt  }
0x77: {  	_ =	shalt  }
0x78: {  	_ =	shalt  }
0x79: {  	_ =	shalt  }
0x7a: {  	_ =	shalt  }
0x7b: {  	_ =	shalt  }
0x7c: {  	_ =	shalt  }
0x7d: {  	_ =	shalt  }
0x7e: {  	_ =	shalt  }
0x7f: {  	_ =	shalt  }
0x80: {  	_ =	shalt  }
0x81: {  	_ =	shalt  }
0x82: {  	_ =	shalt  }
0x83: {  	_ =	shalt  }
0x84: {  	_ =	shalt  }
0x85: {  	_ =	shalt  }
0x86: {  	_ =	shalt  }
0x87: {  	_ =	shalt  }
.Lfunc_end0:
.L_simem_size_0:
called_computation_lowered:
.L_overlay_start_0:
0x88: {  	s2 =	sld [smem:$0x3FD9]  }
0x89: {  	s3 =	sld [smem:$0x3FFE];
	_ =	sdelay $0x1  }
0x8a: {  	s1 =	srdreg.scid  }
0x8b: {  	s0 =	sand.u32 $0x1, s1  }
0x8c: {  	s17 =	sshll.u32 s0, $0xA;
	s2 =	sadd.s32 s3, s2  }
0x8d: {  	s2 =	sadd.s32 s2, s17  }
0x8e: {  	[smem:$0x3FC7] =	sst s2  }
0x8f: {  	_ = 	snop  }
0x90: {  	s2 =	sld [smem:$0x3FD0];
	(tm) =	ssettm $0x1  }
0x91: {  	s18 =	sld [smem:$0x3FFB];
	_ =	sdelay $0x3  }
0x92: {  	_ =	strace s18  }
0x93: {  	s3 =	sld [smem:$0x3FFC];
	_ =	sdelay $0x3  }
0x94: {  	_ =	strace s3  }
0x95: {  	s3 =	sld [smem:$0x3FFD];
	_ =	sdelay $0x3  }
0x96: {  	_ =	strace s3  }
0x97: {  	_ =	strace $0x8FFFFFFF  }
0x98: {  	s19 =	sld [smem:$0x3FDB];
	_ =	sdelay $0x1  }
0x99: {  	s4 =	simm.s32 $_scs_section_size  }
0x9a: {  	s5 =	simm.s32 $_size__tile_overlayer_lowered;
	s6 =	simm.s32 $_tile_overlayer_lowered  }
0x9b: {  	s22 =	simm.s32 $0x1BFF;
	s21 =	sshll.u32 s6, $0x1;
	s3 =	sadd.s32 s4, s19  }
0x9c: {  	s7 =	simm.s32 $0x0;
	s20 =	sshll.u32 s5, $0x1;
	s5 =	sadd.s32 s21, s3  }
0x9d: {  	[timem:s7], [sflag:s22] =	dma.local [hbm:s5], s20  }
0x9e: {  	_ =	swait.ge [sflag:s22], s20  }
0x9f: {  	s4 =	ssub.s32 $0x0, s20;
	[sflag:s22] =	ssyncset.done $0x0  }
0xa0: {  	[sflag:s22] =	ssyncadd.s32 s4;
	_ =	sdelay $0x1  }
0xa1: {  	s23 =	simm.s32 $0x1B8B  }
0xa2: {  	_ =	swait.ge [sflag:s23], $0x1  }
0xa3: {  	[sflag:s23] =	ssyncset.done $0x0  }
0xa4: {  	s25 =	simm.s32 $0x1B8E;
	s24 =	sld [smem:$0x3FFE];
	[sflag:s23] =	ssyncadd.s32 $0xFFFFFFFF  }
0xa5: {  	s26 =	simm.s32 $execute0_lowered;
	[smem:$0x3FD2] =	sst s25  }
0xa6: {  	s5 =	sshll.u32 s26, $0x1;
	_ =	strace $0x80000046;
	[dreg:$0x1] =	wrdreg $0xFFFFFFFF  }
0xa7: {  	s28 =	simm.s32 $_size_execute0_lowered;
	s3 =	sadd.s32 s3, s5;
	[dreg:$0x0] =	wrdreg $0x0  }
0xa8: {  	s5 =	sshll.u32 s28, $0x1;
	[dreg:$0x2] =	wrdreg s3  }
0xa9: {  	[dreg:$0x3] =	wrdreg s5  }
0xaa: {  	[dreg:$0x4] =	wrdreg $0xC0  }
0xab: {  	_ =	task [dreg:s7], $0x5FFFF  }
0xac: {  	[dreg:$0x1] =	wrdreg $0xFFFFFFFF  }
0xad: {  	[dreg:$0x0] =	wrdreg $0x60  }
0xae: {  	[dreg:$0x2] =	wrdreg s24  }
0xaf: {  	[dreg:$0x3] =	wrdreg s2  }
0xb0: {  	[dreg:$0x4] =	wrdreg $0x9  }
0xb1: {  	_ =	task.clear_ibuf [dreg:s7], $0x5FFFF;
	_ =	strace $0x90000046  }
0xb2: {  	s29 =	simm.s32 $0x9;
	_ =	strace $0x80000048  }
0xb3: {  	_ =	swait.ge [sflag:s29], $0x1  }
0xb4: {  	[sflag:s29] =	ssyncadd.s32 $0xFFFFFFFF  }
0xb5: {  	_ =	strace $0x90000048  }
0xb6: {  	_ =	sfence  }
0xb7: {  	s30 =	sld [smem:$0x0];
	_ =	sdelay $0x2  }
0xb8: {  	s31 =	sshll.u32 s1, $0xD;
	s1 =	sshrl.u32 s1, $0x2  }
0xb9: {  	s3 =	sand.u32 $0x4000, s31;
	s1 =	sadd.s32 s1, s30  }
0xba: {  	s0 =	sor.u32 s3, s0;
	s1 =	sshll.u32 s1, $0x11  }
0xbb: {  	s0 =	sor.u32 s1, s0  }
0xbc: {  	s0 =	sadd.s32 $0x8F2B, s0  }
0xbd: {  	[sflag:s0] =	ssyncadd.remote.s32 $0x1  }
0xbe: {  	_ =	sfence.sel $0xFFFF  }
0xbf: {  	[dreg:$0x0] =	wrdreg $0xFFFFFFFF;
	(pc) =	sbr.abs _section_cstart, $3  }
0xc0: {  	[dreg:$0x1] =	wrdreg $0xFFFFFFFF  }
0xc1: {  	_ =	task.clear_ibuf [dreg:s7], $0x2FFFF;
	_ =	strace $0x9FFFFFFF  }
0xc2: {  	(tm) =	ssettm $0x7FFFFFFF  }
0xc3: {  	_ =	shalt  }
tec
execute0_lowered:
.L_overlay_start_1:
0x0: {  	(tag) =	ssettag $0x1  }
0x1: {  	s0 =	srdreg.scid  }
0x2: {  	s20 =	stileid.u32;
	s5 =	rddreg [dreg:$0x1]  }
0x3: {  	s1 =	simm.s32 $0x0;
	s2 =	sand.u32 $0x1, s0;
	s0 =	rddreg [dreg:$0x0]  }
0x4: {  	s3 =	sshll.u32 s20, $0x1;
	[smem:$0x7FF] =	sst s1;
	s29 =	sshll.u32 s20, $0x4  }
0x5: {  	s4 =	sor.u32 s2, s3;
	s7 =	ssub.s32 $0x2, s2;
	s12 =	sadd.s32 $0x4000, s0  }
0x6: {  	s3 =	sadd.s32 s3, s0;
	s6 =	sxor.u32 $0x7F, s4;
	s9 =	sshrl.u32 s7, $0x1  }
0x7: {  	s16 =	sxor.u32 $0x5F, s4;
	s11 =	sxor.u32 $0x3F, s4;
	s4 =	sxor.u32 $0x1F, s4  }
0x8: {  	s8 =	sshll.u32 s6, $0x12;
	s10 =	sshll.u32 s16, $0x12;
	s17 =	sshll.u32 s11, $0x12  }
0x9: {  	s18 =	sshll.u32 s4, $0x12;
	s7 =	ssub.s32 s7, s9;
	s6 =	sor.u32 s6, s8  }
0xa: {  	s8 =	sor.u32 s16, s10;
	s10 =	sor.u32 s11, s17;
	s4 =	sor.u32 s4, s18  }
0xb: {  	s18 =	sshll.u32 s2, $0x3;
	s6 =	sand.u32 $0x1C0078, s6;
	s8 =	sand.u32 $0x1C0058, s8  }
0xc: {  	s10 =	sand.u32 $0x1C0038, s10;
	s4 =	sand.u32 $0x1C0018, s4;
	s18 =	sor.u32 s18, s29  }
0xd: {  	s6 =	sshrl.u32 s6, $0x3;
	s8 =	sshrl.u32 s8, $0x3;
	s24 =	sshrl.u32 s10, $0x3  }
0xe: {  	s4 =	sshrl.u32 s4, $0x3;
	s11 =	sor.u32 $0xE0, s6;
	s13 =	sor.u32 $0xF0, s6  }
0xf: {  	s6 =	sor.u32 $0x100, s6;
	s14 =	sor.u32 $0xE0, s8;
	s19 =	sadd.s32 s0, s11  }
0x10: {  	s15 =	sor.u32 $0xF0, s8;
	s21 =	sadd.s32 s0, s13;
	[dreg:$0x3] =	wrdreg s19  }
0x11: {  	s16 =	sor.u32 $0x100, s8;
	s22 =	sadd.s32 s0, s6;
	[dreg:$0x4] =	wrdreg s21  }
0x12: {  	s10 =	sor.u32 $0xE0, s24;
	s23 =	sadd.s32 s0, s14;
	[dreg:$0x5] =	wrdreg s22  }
0x13: {  	s17 =	sor.u32 $0xF0, s24;
	s25 =	sadd.s32 s0, s15;
	[dreg:$0x6] =	wrdreg s23  }
0x14: {  	s8 =	sadd.s32 s2, s3;
	s26 =	sadd.s32 s0, s16;
	[dreg:$0x7] =	wrdreg s25  }
0x15: {  	s2 =	sshll.u32 s2, $0xE;
	s29 =	sadd.s32 s14, s12;
	[dreg:$0x8] =	wrdreg s26  }
0x16: {  	s3 =	sor.u32 $0x100, s4;
	s14 =	sadd.s32 s0, s17;
	[dreg:$0xc] =	wrdreg s29  }
0x17: {  	s19 =	sor.u32 $0x100, s24;
	s24 =	sadd.s32 s11, s12;
	[dreg:$0x11] =	wrdreg s14  }
0x18: {  	s21 =	sshll.u32 s20, $0xF;
	s25 =	sadd.s32 s13, s12;
	[dreg:$0x9] =	wrdreg s24  }
0x19: {  	s22 =	sor.u32 $0xE0, s4;
	s26 =	sadd.s32 s6, s12;
	[dreg:$0xa] =	wrdreg s25  }
0x1a: {  	s23 =	sor.u32 $0xF0, s4;
	s6 =	sadd.s32 s16, s12;
	[dreg:$0xb] =	wrdreg s26  }
0x1b: {  	s11 =	sadd.s32 s0, s10;
	s13 =	sadd.s32 s10, s12;
	[dreg:$0xe] =	wrdreg s6  }
0x1c: {  	s29 =	smax.u32 s7, $0x1;
	s10 =	simm.s32 $0x80;
	[dreg:$0xf] =	wrdreg s11  }
0x1d: {  	s20 =	simm.s32 $0x4000;
	[dreg:$0x10] =	wrdreg s13;
	s16 =	sadd.s32 s0, s19  }
0x1e: {  	s5 =	sadd.s32 s21, s5;
	s21 =	sadd.s32 s22, s12;
	[dreg:$0x13] =	wrdreg s16  }
0x1f: {  	s9 =	sadd.s32 s2, s5;
	s5 =	sadd.s32 s15, s12;
	[dreg:$0x16] =	wrdreg s21  }
0x20: {  	s24 =	sadd.s32 $0x880, s18;
	s15 =	sadd.s32 s17, s12;
	[dreg:$0xd] =	wrdreg s5  }
0x21: {  	s25 =	sadd.s32 $0x20880, s18;
	s17 =	sadd.s32 s19, s12;
	[dreg:$0x12] =	wrdreg s15  }
0x22: {  	s11 =	simm.s32 $0x1000;
	s19 =	sadd.s32 s0, s22;
	[dreg:$0x14] =	wrdreg s17  }
0x23: {  	s18 =	simm.s32 $0xB800;
	s22 =	sadd.s32 s0, s23;
	[dreg:$0x15] =	wrdreg s19  }
0x24: {  	s2 =	sadd.s32 s23, s12;
	s23 =	sadd.s32 s3, s12;
	[dreg:$0x17] =	wrdreg s22  }
0x25: {  	s3 =	sadd.s32 s0, s3;
	s26 =	sshrl.u32 s25, $0x3;
	[dreg:$0x18] =	wrdreg s2  }
0x26: {  	s12 =	simm.s32 $0x1;
	s16 =	simm.s32 $0x1AC00;
	[dreg:$0x19] =	wrdreg s23  }
0x27: {  	s21 =	simm.s32 $0xBC00;
	s25 =	simm.s32 $0x0;
	[dreg:$0x1a] =	wrdreg s3  }
0x28: {  	s2 =	sshrl.u32 s24, $0x3;
	s31 =	sadd.s32 s26, s0;
	s28 =	sadd.s32 $0x100000, s9  }
0x29: {  	s3 =	sadd.s32 $0x4000, s8;
	s4 =	sadd.s32 $0x2000, s9;
	s5 =	sadd.s32 $0x82000, s9  }
0x2a: {  	s6 =	sadd.s32 $0x102000, s9;
	s7 =	sadd.s32 $0x182000, s9;
	s17 =	simm.s32 $0x3C00  }
0x2b: {  	s19 =	simm.s32 $0x13400;
	s22 =	simm.s32 $0x13800;
	s23 =	simm.s32 $0x1B400  }
0x2c: {  	s24 =	simm.s32 $0x2;
	s30 =	sadd.s32 s2, s0;
	_ =	strace $0x80000047  }
0x2d: {  	[dreg:$0x1b] =	wrdreg s29;
	s0 =	sadd.s32 $0x80000, s9;
	s2 =	sadd.s32 $0x180000, s9  }
.LBB2_1:
0x2e: {  	s13 =	sadd.s32 $0x0, s8  }
0x2f: {  	[tilespmem:s1], [sflag:$0x1] =	stream.strided.gather [hbm4b:s13+s10], $0x400, s11, s10, $0x38;
	[tilespmem:$0x1F000] =	vst v63  }
0x30: {  	s26 =	simm.s32 $0x7C00;
	s14 =	sadd.s32 $0x1000, s13  }
0x31: {  	[tilespmem:s26], [sflag:$0x1] =	stream.strided.gather [hbm4b:s14+s10], $0x400, s11, s10, $0x38;
	[tilespmem:$0x1F000] =	vst v63  }
0x32: {  	s15 =	simm.s32 $0xF800;
	s29 =	sadd.s32 $0x3000, s13;
	s26 =	sadd.s32 $0x2000, s13  }
0x33: {  	[tilespmem:s15], [sflag:$0x1] =	stream.strided.gather [hbm4b:s26+s10], $0x400, s11, s10, $0x38;
	[tilespmem:$0x1F000] =	vst v63  }
0x34: {  	s14 =	simm.s32 $0x17400;
	s13 =	simm.s32 $0x400;
	s26 =	simm.s32 $0xE  }
.LBB2_2:
0x35: {  	[tilespmem:s14], [sflag:$0x1] =	stream.strided.gather [hbm4b:s29+s10], $0x400, s11, s10, $0x38;
	[tilespmem:$0x1F000] =	vst v63  }
0x36: {  	s14 =	sadd.s32 s26, s8;
	p0 =	sne.s32 s26, $0xB6;
	s26 =	sadd.s32 $0xE, s26  }
0x37: {  	[tilespmem:s13], [sflag:$0x1] =	stream.strided.gather [hbm4b:s14+s10], $0x400, s11, s10, $0x38;
	[tilespmem:$0x1F000] =	vst v63  }
.Ltmp0:
0x38: {  	s15 =	sadd.s32 $0x7C00, s13;
	s29 =	sadd.s32 $0x1000, s14;
	(pc) =	sbr.rel @p0 .LBB2_2-.Ltmp0, $4  }
0x39: {  	[tilespmem:s15], [sflag:$0x1] =	stream.strided.gather [hbm4b:s29+s10], $0x400, s11, s10, $0x38;
	[tilespmem:$0x1F000] =	vst v63  }
0x3a: {  	s15 =	sadd.s32 $0x2000, s14;
	s29 =	sadd.s32 $0xF800, s13  }
0x3b: {  	[tilespmem:s29], [sflag:$0x1] =	stream.strided.gather [hbm4b:s15+s10], $0x400, s11, s10, $0x38;
	[tilespmem:$0x1F000] =	vst v63  }
0x3c: {  	s29 =	sadd.s32 $0x3000, s14;
	s14 =	sadd.s32 $0x17400, s13;
	s13 =	sadd.s32 $0x400, s13  }
0x3d: {  	[tilespmem:s14], [sflag:$0x1] =	stream.strided.gather [hbm4b:s29+s10], $0x400, s11, s10, $0x38;
	[tilespmem:$0x1F000] =	vst v63  }
0x3e: {  	s13 =	simm.s32 $0x4400;
	s14 =	sadd.s32 $0x0, s30  }
0x3f: {  	[tilespmem:s13], [sflag:$0x1] =	stream.strided.gather [hbm4b:s14+s10], $0x400, s11, s10, $0x38;
	[tilespmem:$0x1F000] =	vst v63  }
0x40: {  	s15 =	simm.s32 $0xC000;
	s26 =	sadd.s32 $0x1000, s14  }
0x41: {  	[tilespmem:s15], [sflag:$0x1] =	stream.strided.gather [hbm4b:s26+s10], $0x400, s11, s10, $0x38;
	[tilespmem:$0x1F000] =	vst v63  }
0x42: {  	s29 =	simm.s32 $0x1BC00;
	s15 =	sadd.s32 $0x2000, s14;
	s26 =	simm.s32 $0x13C00  }
0x43: {  	[tilespmem:s26], [sflag:$0x1] =	stream.strided.gather [hbm4b:s15+s10], $0x400, s11, s10, $0x38;
	[tilespmem:$0x1F000] =	vst v63  }
0x44: {  	s13 =	simm.s32 $0x1B800;
	s14 =	sadd.s32 $0x3000, s14;
	s26 =	simm.s32 $0xE  }
.LBB2_4:
0x45: {  	[tilespmem:s13], [sflag:$0x1] =	stream.strided.gather [hbm4b:s14+s10], $0x400, s11, s10, $0x38;
	[tilespmem:$0x1F000] =	vst v63  }
0x46: {  	s13 =	sadd.s32 $0xFFFE8C00, s29;
	s14 =	sadd.s32 s26, s30;
	p0 =	sne.s32 s26, $0xB6  }
0x47: {  	[tilespmem:s13], [sflag:$0x1] =	stream.strided.gather [hbm4b:s14+s10], $0x400, s11, s10, $0x38;
	[tilespmem:$0x1F000] =	vst v63  }
.Ltmp1:
0x48: {  	s15 =	sadd.s32 $0xFFFF0800, s29;
	s13 =	sadd.s32 $0x1000, s14;
	(pc) =	sbr.rel @p0 .LBB2_4-.Ltmp1, $4  }
0x49: {  	[tilespmem:s15], [sflag:$0x1] =	stream.strided.gather [hbm4b:s13+s10], $0x400, s11, s10, $0x38;
	[tilespmem:$0x1F000] =	vst v63  }
0x4a: {  	s26 =	sadd.s32 $0xE, s26;
	s13 =	sadd.s32 $0x2000, s14;
	s15 =	sadd.s32 $0xFFFF8400, s29  }
0x4b: {  	[tilespmem:s15], [sflag:$0x1] =	stream.strided.gather [hbm4b:s13+s10], $0x400, s11, s10, $0x38;
	[tilespmem:$0x1F000] =	vst v63  }
0x4c: {  	s14 =	sadd.s32 $0x3000, s14;
	s13 =	smov.u32 s29;
	s29 =	sadd.s32 $0x400, s29  }
0x4d: {  	[tilespmem:s13], [sflag:$0x1] =	stream.strided.gather [hbm4b:s14+s10], $0x400, s11, s10, $0x38;
	[tilespmem:$0x1F000] =	vst v63  }
0x4e: {  	_ =	swait.ge [sflag:s12], $0x1000  }
0x4f: {  	[sflag:s12] =	ssyncset.done $0x0  }
0x50: {  	[sflag:s12] =	ssyncadd.s32 $0xFFFFF000  }
0x51: {  	_ =	swait.ge [sflag:s12], $0x1000  }
0x52: {  	[sflag:s12] =	ssyncset.done $0x0  }
0x53: {  	[sflag:s12] =	ssyncadd.s32 $0xFFFFF000  }
0x54: {  	_ =	swait.ge [sflag:s12], $0x1000  }
0x55: {  	[sflag:s12] =	ssyncset.done $0x0  }
0x56: {  	[sflag:s12] =	ssyncadd.s32 $0xFFFFF000  }
0x57: {  	_ =	swait.ge [sflag:s12], $0x1000  }
0x58: {  	[sflag:s12] =	ssyncset.done $0x0  }
0x59: {  	[sflag:s12] =	ssyncadd.s32 $0xFFFFF000  }
0x5a: {  	_ =	swait.ge [sflag:s12], $0x1000  }
0x5b: {  	[sflag:s12] =	ssyncset.done $0x0  }
0x5c: {  	[sflag:s12] =	ssyncadd.s32 $0xFFFFF000  }
0x5d: {  	_ =	swait.ge [sflag:s12], $0x1000  }
0x5e: {  	[sflag:s12] =	ssyncset.done $0x0  }
0x5f: {  	[sflag:s12] =	ssyncadd.s32 $0xFFFFF000  }
0x60: {  	_ =	swait.ge [sflag:s12], $0x1000  }
0x61: {  	[sflag:s12] =	ssyncset.done $0x0  }
0x62: {  	[sflag:s12] =	ssyncadd.s32 $0xFFFFF000  }
0x63: {  	_ =	swait.ge [sflag:s12], $0x1000  }
0x64: {  	[sflag:s12] =	ssyncset.done $0x0  }
0x65: {  	[sflag:s12] =	ssyncadd.s32 $0xFFFFF000  }
0x66: {  	_ =	swait.ge [sflag:s12], $0x1000  }
0x67: {  	[sflag:s12] =	ssyncset.done $0x0  }
0x68: {  	[sflag:s12] =	ssyncadd.s32 $0xFFFFF000  }
0x69: {  	_ =	swait.ge [sflag:s12], $0x1000  }
0x6a: {  	[sflag:s12] =	ssyncset.done $0x0  }
0x6b: {  	[sflag:s12] =	ssyncadd.s32 $0xFFFFF000  }
0x6c: {  	_ =	swait.ge [sflag:s12], $0x1000  }
0x6d: {  	[sflag:s12] =	ssyncset.done $0x0  }
0x6e: {  	[sflag:s12] =	ssyncadd.s32 $0xFFFFF000  }
0x6f: {  	_ =	swait.ge [sflag:s12], $0x1000  }
0x70: {  	[sflag:s12] =	ssyncset.done $0x0  }
0x71: {  	[sflag:s12] =	ssyncadd.s32 $0xFFFFF000  }
0x72: {  	_ =	swait.ge [sflag:s12], $0x1000  }
0x73: {  	[sflag:s12] =	ssyncset.done $0x0  }
0x74: {  	[sflag:s12] =	ssyncadd.s32 $0xFFFFF000  }
0x75: {  	_ =	swait.ge [sflag:s12], $0x1000  }
0x76: {  	[sflag:s12] =	ssyncset.done $0x0  }
0x77: {  	[sflag:s12] =	ssyncadd.s32 $0xFFFFF000  }
0x78: {  	_ =	swait.ge [sflag:s12], $0x1000  }
0x79: {  	[sflag:s12] =	ssyncset.done $0x0  }
0x7a: {  	[sflag:s12] =	ssyncadd.s32 $0xFFFFF000  }
0x7b: {  	_ =	swait.ge [sflag:s12], $0x1000  }
0x7c: {  	[sflag:s12] =	ssyncset.done $0x0  }
0x7d: {  	[sflag:s12] =	ssyncadd.s32 $0xFFFFF000  }
0x7e: {  	_ =	swait.ge [sflag:s12], $0x1000  }
0x7f: {  	[sflag:s12] =	ssyncset.done $0x0  }
0x80: {  	[sflag:s12] =	ssyncadd.s32 $0xFFFFF000  }
0x81: {  	_ =	swait.ge [sflag:s12], $0x1000  }
0x82: {  	[sflag:s12] =	ssyncset.done $0x0  }
0x83: {  	[sflag:s12] =	ssyncadd.s32 $0xFFFFF000  }
0x84: {  	_ =	swait.ge [sflag:s12], $0x1000  }
0x85: {  	[sflag:s12] =	ssyncset.done $0x0  }
0x86: {  	[sflag:s12] =	ssyncadd.s32 $0xFFFFF000  }
0x87: {  	_ =	swait.ge [sflag:s12], $0x1000  }
0x88: {  	[sflag:s12] =	ssyncset.done $0x0  }
0x89: {  	[sflag:s12] =	ssyncadd.s32 $0xFFFFF000  }
0x8a: {  	_ =	swait.ge [sflag:s12], $0x1000  }
0x8b: {  	[sflag:s12] =	ssyncset.done $0x0  }
0x8c: {  	[sflag:s12] =	ssyncadd.s32 $0xFFFFF000  }
0x8d: {  	_ =	swait.ge [sflag:s12], $0x1000  }
0x8e: {  	[sflag:s12] =	ssyncset.done $0x0  }
0x8f: {  	[sflag:s12] =	ssyncadd.s32 $0xFFFFF000  }
0x90: {  	_ =	swait.ge [sflag:s12], $0x1000  }
0x91: {  	[sflag:s12] =	ssyncset.done $0x0  }
0x92: {  	[sflag:s12] =	ssyncadd.s32 $0xFFFFF000  }
0x93: {  	_ =	swait.ge [sflag:s12], $0x1000  }
0x94: {  	[sflag:s12] =	ssyncset.done $0x0  }
0x95: {  	[sflag:s12] =	ssyncadd.s32 $0xFFFFF000  }
0x96: {  	_ =	swait.ge [sflag:s12], $0x1000  }
0x97: {  	[sflag:s12] =	ssyncset.done $0x0  }
0x98: {  	[sflag:s12] =	ssyncadd.s32 $0xFFFFF000  }
0x99: {  	_ =	swait.ge [sflag:s12], $0x1000  }
0x9a: {  	[sflag:s12] =	ssyncset.done $0x0  }
0x9b: {  	[sflag:s12] =	ssyncadd.s32 $0xFFFFF000  }
0x9c: {  	_ =	swait.ge [sflag:s12], $0x1000  }
0x9d: {  	[sflag:s12] =	ssyncset.done $0x0  }
0x9e: {  	[sflag:s12] =	ssyncadd.s32 $0xFFFFF000  }
0x9f: {  	_ =	swait.ge [sflag:s12], $0x1000  }
0xa0: {  	[sflag:s12] =	ssyncset.done $0x0  }
0xa1: {  	s15 =	simm.s32 $0x3800;
	s14 =	rddreg [dreg:$0x3];
	[sflag:s12] =	ssyncadd.s32 $0xFFFFF000  }
0xa2: {  	[tilespmem:s15], [sflag:$0x1] =	stream.strided.gather [hbm4b:s14+s10], $0x400, s11, s10, $0x38;
	[tilespmem:$0x1F000] =	vst v63  }
0xa3: {  	s26 =	sadd.s32 $0x1000, s14;
	s15 =	simm.s32 $0xB400  }
0xa4: {  	[tilespmem:s15], [sflag:$0x1] =	stream.strided.gather [hbm4b:s26+s10], $0x400, s11, s10, $0x38;
	[tilespmem:$0x1F000] =	vst v63  }
0xa5: {  	s15 =	sadd.s32 $0x2000, s14;
	s26 =	simm.s32 $0x13000  }
0xa6: {  	[tilespmem:s26], [sflag:$0x1] =	stream.strided.gather [hbm4b:s15+s10], $0x400, s11, s10, $0x38;
	[tilespmem:$0x1F000] =	vst v63  }
0xa7: {  	s14 =	sadd.s32 $0x3000, s14  }
0xa8: {  	[tilespmem:s16], [sflag:$0x1] =	stream.strided.gather [hbm4b:s14+s10], $0x400, s11, s10, $0x38;
	[tilespmem:$0x1F000] =	vst v63  }
0xa9: {  	s14 =	rddreg [dreg:$0x4]  }
0xaa: {  	[tilespmem:s17], [sflag:$0x1] =	stream.strided.gather [hbm4b:s14+s10], $0x400, s11, s10, $0x38;
	[tilespmem:$0x1F000] =	vst v63  }
0xab: {  	s15 =	sadd.s32 $0x1000, s14  }
0xac: {  	[tilespmem:s18], [sflag:$0x1] =	stream.strided.gather [hbm4b:s15+s10], $0x400, s11, s10, $0x38;
	[tilespmem:$0x1F000] =	vst v63  }
0xad: {  	s26 =	sadd.s32 $0x2000, s14  }
0xae: {  	[tilespmem:s19], [sflag:$0x1] =	stream.strided.gather [hbm4b:s26+s10], $0x400, s11, s10, $0x38;
	[tilespmem:$0x1F000] =	vst v63  }
0xaf: {  	s14 =	sadd.s32 $0x3000, s14;
	s26 =	simm.s32 $0x1B000  }
0xb0: {  	[tilespmem:s26], [sflag:$0x1] =	stream.strided.gather [hbm4b:s14+s10], $0x400, s11, s10, $0x38;
	[tilespmem:$0x1F000] =	vst v63  }
0xb1: {  	s14 =	rddreg [dreg:$0x5]  }
0xb2: {  	[tilespmem:s20], [sflag:$0x1] =	stream.strided.gather [hbm4b:s14+s10], $0x400, s11, s10, $0x38;
	[tilespmem:$0x1F000] =	vst v63  }
0xb3: {  	s15 =	sadd.s32 $0x1000, s14  }
0xb4: {  	[tilespmem:s21], [sflag:$0x1] =	stream.strided.gather [hbm4b:s15+s10], $0x400, s11, s10, $0x38;
	[tilespmem:$0x1F000] =	vst v63  }
0xb5: {  	s15 =	sadd.s32 $0x2000, s14  }
0xb6: {  	[tilespmem:s22], [sflag:$0x1] =	stream.strided.gather [hbm4b:s15+s10], $0x400, s11, s10, $0x38;
	[tilespmem:$0x1F000] =	vst v63  }
0xb7: {  	s14 =	sadd.s32 $0x3000, s14  }
0xb8: {  	[tilespmem:s23], [sflag:$0x1] =	stream.strided.gather [hbm4b:s14+s10], $0x400, s11, s10, $0x38;
	[tilespmem:$0x1F000] =	vst v63  }
0xb9: {  	_ =	swait.ge [sflag:s12], $0x1000  }
0xba: {  	[sflag:s12] =	ssyncset.done $0x0  }
0xbb: {  	[sflag:s12] =	ssyncadd.s32 $0xFFFFF000  }
0xbc: {  	_ =	swait.ge [sflag:s12], $0x1000  }
0xbd: {  	[sflag:s12] =	ssyncset.done $0x0  }
0xbe: {  	[sflag:s12] =	ssyncadd.s32 $0xFFFFF000  }
0xbf: {  	_ =	swait.ge [sflag:s12], $0x1000  }
0xc0: {  	[sflag:s12] =	ssyncset.done $0x0  }
0xc1: {  	s13 =	sadd.s32 $0x0, s9;
	s15 =	simm.s32 $0x3C00;
	[sflag:s12] =	ssyncadd.s32 $0xFFFFF000  }
0xc2: {  	[hbm4b:s13+s1] =	stream.linear.scatter [tilespmem:s15], [sflag:$0x2], $0x4000, $0x38;
	[tilespmem:$0x1F000] =	vst v63  }
0xc3: {  	s14 =	simm.s32 $0xB800;
	s15 =	sadd.s32 $0x800, s13  }
0xc4: {  	[hbm4b:s15+s1] =	stream.linear.scatter [tilespmem:s14], [sflag:$0x2], $0x4000, $0x38;
	[tilespmem:$0x1F000] =	vst v63  }
0xc5: {  	s14 =	simm.s32 $0x13400;
	s15 =	sadd.s32 $0x1000, s13  }
0xc6: {  	[hbm4b:s15+s1] =	stream.linear.scatter [tilespmem:s14], [sflag:$0x2], $0x4000, $0x38;
	[tilespmem:$0x1F000] =	vst v63  }
0xc7: {  	s29 =	simm.s32 $0x200000;
	s14 =	sadd.s32 $0x1800, s13;
	s13 =	simm.s32 $0x1AC00  }
.LBB2_6:
0xc8: {  	[hbm4b:s14+s1] =	stream.linear.scatter [tilespmem:s26], [sflag:$0x2], $0x4000, $0x38;
	[tilespmem:$0x1F000] =	vst v63  }
0xc9: {  	s14 =	sadd.s32 s29, s9;
	s15 =	sadd.s32 $0xFFFE8C00, s13;
	p0 =	sne.s32 s29, $0x1E00000  }
0xca: {  	[hbm4b:s14+s1] =	stream.linear.scatter [tilespmem:s15], [sflag:$0x2], $0x4000, $0x38;
	[tilespmem:$0x1F000] =	vst v63  }
.Ltmp2:
0xcb: {  	s26 =	sadd.s32 $0x800, s14;
	s15 =	sadd.s32 $0xFFFF0800, s13;
	(pc) =	sbr.rel @p0 .LBB2_6-.Ltmp2, $4  }
0xcc: {  	[hbm4b:s26+s1] =	stream.linear.scatter [tilespmem:s15], [sflag:$0x2], $0x4000, $0x38;
	[tilespmem:$0x1F000] =	vst v63  }
0xcd: {  	s29 =	sadd.s32 $0x200000, s29;
	s15 =	sadd.s32 $0xFFFF8400, s13;
	s26 =	sadd.s32 $0x1000, s14  }
0xce: {  	[hbm4b:s26+s1] =	stream.linear.scatter [tilespmem:s15], [sflag:$0x2], $0x4000, $0x38;
	[tilespmem:$0x1F000] =	vst v63  }
0xcf: {  	s14 =	sadd.s32 $0x1800, s14;
	s26 =	smov.u32 s13;
	s13 =	sadd.s32 $0xFFFFFC00, s13  }
0xd0: {  	[hbm4b:s14+s1] =	stream.linear.scatter [tilespmem:s26], [sflag:$0x2], $0x4000, $0x38;
	[tilespmem:$0x1F000] =	vst v63  }
0xd1: {  	_ =	swait.ge [sflag:s24], $0x10000  }
0xd2: {  	[sflag:s24] =	ssyncset.done $0x0  }
0xd3: {  	[sflag:s24] =	ssyncadd.s32 $0xFFFF0000  }
0xd4: {  	_ =	swait.ge [sflag:s24], $0x10000  }
0xd5: {  	[sflag:s24] =	ssyncset.done $0x0  }
0xd6: {  	[sflag:s24] =	ssyncadd.s32 $0xFFFF0000  }
0xd7: {  	_ =	swait.ge [sflag:s24], $0x10000  }
0xd8: {  	[sflag:s24] =	ssyncset.done $0x0  }
0xd9: {  	[sflag:s24] =	ssyncadd.s32 $0xFFFF0000  }
0xda: {  	_ =	swait.ge [sflag:s24], $0x10000  }
0xdb: {  	[sflag:s24] =	ssyncset.done $0x0  }
0xdc: {  	[sflag:s24] =	ssyncadd.s32 $0xFFFF0000  }
0xdd: {  	_ =	swait.ge [sflag:s24], $0x10000  }
0xde: {  	[sflag:s24] =	ssyncset.done $0x0  }
0xdf: {  	[sflag:s24] =	ssyncadd.s32 $0xFFFF0000  }
0xe0: {  	_ =	swait.ge [sflag:s24], $0x10000  }
0xe1: {  	[sflag:s24] =	ssyncset.done $0x0  }
0xe2: {  	[sflag:s24] =	ssyncadd.s32 $0xFFFF0000  }
0xe3: {  	_ =	swait.ge [sflag:s24], $0x10000  }
0xe4: {  	[sflag:s24] =	ssyncset.done $0x0  }
0xe5: {  	[sflag:s24] =	ssyncadd.s32 $0xFFFF0000  }
0xe6: {  	_ =	swait.ge [sflag:s24], $0x10000  }
0xe7: {  	[sflag:s24] =	ssyncset.done $0x0  }
0xe8: {  	[sflag:s24] =	ssyncadd.s32 $0xFFFF0000  }
0xe9: {  	_ =	swait.ge [sflag:s24], $0x10000  }
0xea: {  	[sflag:s24] =	ssyncset.done $0x0  }
0xeb: {  	[sflag:s24] =	ssyncadd.s32 $0xFFFF0000  }
0xec: {  	_ =	swait.ge [sflag:s24], $0x10000  }
0xed: {  	[sflag:s24] =	ssyncset.done $0x0  }
0xee: {  	[sflag:s24] =	ssyncadd.s32 $0xFFFF0000  }
0xef: {  	_ =	swait.ge [sflag:s24], $0x10000  }
0xf0: {  	[sflag:s24] =	ssyncset.done $0x0  }
0xf1: {  	[sflag:s24] =	ssyncadd.s32 $0xFFFF0000  }
0xf2: {  	_ =	swait.ge [sflag:s24], $0x10000  }
0xf3: {  	[sflag:s24] =	ssyncset.done $0x0  }
0xf4: {  	[sflag:s24] =	ssyncadd.s32 $0xFFFF0000  }
0xf5: {  	_ =	swait.ge [sflag:s24], $0x10000  }
0xf6: {  	[sflag:s24] =	ssyncset.done $0x0  }
0xf7: {  	[sflag:s24] =	ssyncadd.s32 $0xFFFF0000  }
0xf8: {  	_ =	swait.ge [sflag:s24], $0x10000  }
0xf9: {  	[sflag:s24] =	ssyncset.done $0x0  }
0xfa: {  	[sflag:s24] =	ssyncadd.s32 $0xFFFF0000  }
0xfb: {  	_ =	swait.ge [sflag:s24], $0x10000  }
0xfc: {  	[sflag:s24] =	ssyncset.done $0x0  }
0xfd: {  	[sflag:s24] =	ssyncadd.s32 $0xFFFF0000  }
0xfe: {  	_ =	swait.ge [sflag:s24], $0x10000  }
0xff: {  	[sflag:s24] =	ssyncset.done $0x0  }
0x100: {  	s13 =	simm.s32 $0x3800;
	s14 =	rddreg [dreg:$0x6];
	[sflag:s24] =	ssyncadd.s32 $0xFFFF0000  }
0x101: {  	[tilespmem:s13], [sflag:$0x1] =	stream.strided.gather [hbm4b:s14+s10], $0x400, s11, s10, $0x38;
	[tilespmem:$0x1F000] =	vst v63  }
0x102: {  	s15 =	simm.s32 $0xB400;
	s26 =	sadd.s32 $0x1000, s14  }
0x103: {  	[tilespmem:s15], [sflag:$0x1] =	stream.strided.gather [hbm4b:s26+s10], $0x400, s11, s10, $0x38;
	[tilespmem:$0x1F000] =	vst v63  }
0x104: {  	s15 =	sadd.s32 $0x2000, s14;
	s26 =	simm.s32 $0x13000  }
0x105: {  	[tilespmem:s26], [sflag:$0x1] =	stream.strided.gather [hbm4b:s15+s10], $0x400, s11, s10, $0x38;
	[tilespmem:$0x1F000] =	vst v63  }
0x106: {  	s14 =	sadd.s32 $0x3000, s14  }
0x107: {  	[tilespmem:s16], [sflag:$0x1] =	stream.strided.gather [hbm4b:s14+s10], $0x400, s11, s10, $0x38;
	[tilespmem:$0x1F000] =	vst v63  }
0x108: {  	s14 =	rddreg [dreg:$0x7]  }
0x109: {  	[tilespmem:s17], [sflag:$0x1] =	stream.strided.gather [hbm4b:s14+s10], $0x400, s11, s10, $0x38;
	[tilespmem:$0x1F000] =	vst v63  }
0x10a: {  	s15 =	sadd.s32 $0x1000, s14  }
0x10b: {  	[tilespmem:s18], [sflag:$0x1] =	stream.strided.gather [hbm4b:s15+s10], $0x400, s11, s10, $0x38;
	[tilespmem:$0x1F000] =	vst v63  }
0x10c: {  	s26 =	sadd.s32 $0x2000, s14  }
0x10d: {  	[tilespmem:s19], [sflag:$0x1] =	stream.strided.gather [hbm4b:s26+s10], $0x400, s11, s10, $0x38;
	[tilespmem:$0x1F000] =	vst v63  }
0x10e: {  	s14 =	sadd.s32 $0x3000, s14;
	s26 =	simm.s32 $0x1B000  }
0x10f: {  	[tilespmem:s26], [sflag:$0x1] =	stream.strided.gather [hbm4b:s14+s10], $0x400, s11, s10, $0x38;
	[tilespmem:$0x1F000] =	vst v63  }
0x110: {  	s14 =	rddreg [dreg:$0x8]  }
0x111: {  	[tilespmem:s20], [sflag:$0x1] =	stream.strided.gather [hbm4b:s14+s10], $0x400, s11, s10, $0x38;
	[tilespmem:$0x1F000] =	vst v63  }
0x112: {  	s15 =	sadd.s32 $0x1000, s14  }
0x113: {  	[tilespmem:s21], [sflag:$0x1] =	stream.strided.gather [hbm4b:s15+s10], $0x400, s11, s10, $0x38;
	[tilespmem:$0x1F000] =	vst v63  }
0x114: {  	s15 =	sadd.s32 $0x2000, s14  }
0x115: {  	[tilespmem:s22], [sflag:$0x1] =	stream.strided.gather [hbm4b:s15+s10], $0x400, s11, s10, $0x38;
	[tilespmem:$0x1F000] =	vst v63  }
0x116: {  	s14 =	sadd.s32 $0x3000, s14  }
0x117: {  	[tilespmem:s23], [sflag:$0x1] =	stream.strided.gather [hbm4b:s14+s10], $0x400, s11, s10, $0x38;
	[tilespmem:$0x1F000] =	vst v63  }
0x118: {  	_ =	swait.ge [sflag:s12], $0x1000  }
0x119: {  	[sflag:s12] =	ssyncset.done $0x0  }
0x11a: {  	[sflag:s12] =	ssyncadd.s32 $0xFFFFF000  }
0x11b: {  	_ =	swait.ge [sflag:s12], $0x1000  }
0x11c: {  	[sflag:s12] =	ssyncset.done $0x0  }
0x11d: {  	[sflag:s12] =	ssyncadd.s32 $0xFFFFF000  }
0x11e: {  	_ =	swait.ge [sflag:s12], $0x1000  }
0x11f: {  	[sflag:s12] =	ssyncset.done $0x0  }
0x120: {  	s13 =	sadd.s32 $0x0, s0;
	s15 =	simm.s32 $0x3C00;
	[sflag:s12] =	ssyncadd.s32 $0xFFFFF000  }
0x121: {  	[hbm4b:s13+s1] =	stream.linear.scatter [tilespmem:s15], [sflag:$0x2], $0x4000, $0x38;
	[tilespmem:$0x1F000] =	vst v63  }
0x122: {  	s14 =	simm.s32 $0xB800;
	s15 =	sadd.s32 $0x800, s13  }
0x123: {  	[hbm4b:s15+s1] =	stream.linear.scatter [tilespmem:s14], [sflag:$0x2], $0x4000, $0x38;
	[tilespmem:$0x1F000] =	vst v63  }
0x124: {  	s14 =	simm.s32 $0x13400;
	s15 =	sadd.s32 $0x1000, s13  }
0x125: {  	[hbm4b:s15+s1] =	stream.linear.scatter [tilespmem:s14], [sflag:$0x2], $0x4000, $0x38;
	[tilespmem:$0x1F000] =	vst v63  }
0x126: {  	s29 =	simm.s32 $0x200000;
	s14 =	sadd.s32 $0x1800, s13;
	s13 =	simm.s32 $0x1AC00  }
.LBB2_8:
0x127: {  	[hbm4b:s14+s1] =	stream.linear.scatter [tilespmem:s26], [sflag:$0x2], $0x4000, $0x38;
	[tilespmem:$0x1F000] =	vst v63  }
0x128: {  	s14 =	sadd.s32 s29, s0;
	s15 =	sadd.s32 $0xFFFE8C00, s13;
	p0 =	sne.s32 s29, $0x1E00000  }
0x129: {  	[hbm4b:s14+s1] =	stream.linear.scatter [tilespmem:s15], [sflag:$0x2], $0x4000, $0x38;
	[tilespmem:$0x1F000] =	vst v63  }
.Ltmp3:
0x12a: {  	s26 =	sadd.s32 $0x800, s14;
	s15 =	sadd.s32 $0xFFFF0800, s13;
	(pc) =	sbr.rel @p0 .LBB2_8-.Ltmp3, $4  }
0x12b: {  	[hbm4b:s26+s1] =	stream.linear.scatter [tilespmem:s15], [sflag:$0x2], $0x4000, $0x38;
	[tilespmem:$0x1F000] =	vst v63  }
0x12c: {  	s29 =	sadd.s32 $0x200000, s29;
	s15 =	sadd.s32 $0xFFFF8400, s13;
	s26 =	sadd.s32 $0x1000, s14  }
0x12d: {  	[hbm4b:s26+s1] =	stream.linear.scatter [tilespmem:s15], [sflag:$0x2], $0x4000, $0x38;
	[tilespmem:$0x1F000] =	vst v63  }
0x12e: {  	s14 =	sadd.s32 $0x1800, s14;
	s26 =	smov.u32 s13;
	s13 =	sadd.s32 $0xFFFFFC00, s13  }
0x12f: {  	[hbm4b:s14+s1] =	stream.linear.scatter [tilespmem:s26], [sflag:$0x2], $0x4000, $0x38;
	[tilespmem:$0x1F000] =	vst v63  }
0x130: {  	_ =	swait.ge [sflag:s24], $0x10000  }
0x131: {  	[sflag:s24] =	ssyncset.done $0x0  }
0x132: {  	[sflag:s24] =	ssyncadd.s32 $0xFFFF0000  }
0x133: {  	_ =	swait.ge [sflag:s24], $0x10000  }
0x134: {  	[sflag:s24] =	ssyncset.done $0x0  }
0x135: {  	[sflag:s24] =	ssyncadd.s32 $0xFFFF0000  }
0x136: {  	_ =	swait.ge [sflag:s24], $0x10000  }
0x137: {  	[sflag:s24] =	ssyncset.done $0x0  }
0x138: {  	[sflag:s24] =	ssyncadd.s32 $0xFFFF0000  }
0x139: {  	_ =	swait.ge [sflag:s24], $0x10000  }
0x13a: {  	[sflag:s24] =	ssyncset.done $0x0  }
0x13b: {  	[sflag:s24] =	ssyncadd.s32 $0xFFFF0000  }
0x13c: {  	_ =	swait.ge [sflag:s24], $0x10000  }
0x13d: {  	[sflag:s24] =	ssyncset.done $0x0  }
0x13e: {  	[sflag:s24] =	ssyncadd.s32 $0xFFFF0000  }
0x13f: {  	_ =	swait.ge [sflag:s24], $0x10000  }
0x140: {  	[sflag:s24] =	ssyncset.done $0x0  }
0x141: {  	[sflag:s24] =	ssyncadd.s32 $0xFFFF0000  }
0x142: {  	_ =	swait.ge [sflag:s24], $0x10000  }
0x143: {  	[sflag:s24] =	ssyncset.done $0x0  }
0x144: {  	[sflag:s24] =	ssyncadd.s32 $0xFFFF0000  }
0x145: {  	_ =	swait.ge [sflag:s24], $0x10000  }
0x146: {  	[sflag:s24] =	ssyncset.done $0x0  }
0x147: {  	[sflag:s24] =	ssyncadd.s32 $0xFFFF0000  }
0x148: {  	_ =	swait.ge [sflag:s24], $0x10000  }
0x149: {  	[sflag:s24] =	ssyncset.done $0x0  }
0x14a: {  	[sflag:s24] =	ssyncadd.s32 $0xFFFF0000  }
0x14b: {  	_ =	swait.ge [sflag:s24], $0x10000  }
0x14c: {  	[sflag:s24] =	ssyncset.done $0x0  }
0x14d: {  	[sflag:s24] =	ssyncadd.s32 $0xFFFF0000  }
0x14e: {  	_ =	swait.ge [sflag:s24], $0x10000  }
0x14f: {  	[sflag:s24] =	ssyncset.done $0x0  }
0x150: {  	[sflag:s24] =	ssyncadd.s32 $0xFFFF0000  }
0x151: {  	_ =	swait.ge [sflag:s24], $0x10000  }
0x152: {  	[sflag:s24] =	ssyncset.done $0x0  }
0x153: {  	[sflag:s24] =	ssyncadd.s32 $0xFFFF0000  }
0x154: {  	_ =	swait.ge [sflag:s24], $0x10000  }
0x155: {  	[sflag:s24] =	ssyncset.done $0x0  }
0x156: {  	[sflag:s24] =	ssyncadd.s32 $0xFFFF0000  }
0x157: {  	_ =	swait.ge [sflag:s24], $0x10000  }
0x158: {  	[sflag:s24] =	ssyncset.done $0x0  }
0x159: {  	[sflag:s24] =	ssyncadd.s32 $0xFFFF0000  }
0x15a: {  	_ =	swait.ge [sflag:s24], $0x10000  }
0x15b: {  	[sflag:s24] =	ssyncset.done $0x0  }
0x15c: {  	[sflag:s24] =	ssyncadd.s32 $0xFFFF0000  }
0x15d: {  	_ =	swait.ge [sflag:s24], $0x10000  }
0x15e: {  	[sflag:s24] =	ssyncset.done $0x0  }
0x15f: {  	s13 =	simm.s32 $0x3800;
	s14 =	rddreg [dreg:$0xf];
	[sflag:s24] =	ssyncadd.s32 $0xFFFF0000  }
0x160: {  	[tilespmem:s13], [sflag:$0x1] =	stream.strided.gather [hbm4b:s14+s10], $0x400, s11, s10, $0x38;
	[tilespmem:$0x1F000] =	vst v63  }
0x161: {  	s15 =	simm.s32 $0xB400;
	s26 =	sadd.s32 $0x1000, s14  }
0x162: {  	[tilespmem:s15], [sflag:$0x1] =	stream.strided.gather [hbm4b:s26+s10], $0x400, s11, s10, $0x38;
	[tilespmem:$0x1F000] =	vst v63  }
0x163: {  	s15 =	sadd.s32 $0x2000, s14;
	s26 =	simm.s32 $0x13000  }
0x164: {  	[tilespmem:s26], [sflag:$0x1] =	stream.strided.gather [hbm4b:s15+s10], $0x400, s11, s10, $0x38;
	[tilespmem:$0x1F000] =	vst v63  }
0x165: {  	s14 =	sadd.s32 $0x3000, s14  }
0x166: {  	[tilespmem:s16], [sflag:$0x1] =	stream.strided.gather [hbm4b:s14+s10], $0x400, s11, s10, $0x38;
	[tilespmem:$0x1F000] =	vst v63  }
0x167: {  	s14 =	rddreg [dreg:$0x11]  }
0x168: {  	[tilespmem:s17], [sflag:$0x1] =	stream.strided.gather [hbm4b:s14+s10], $0x400, s11, s10, $0x38;
	[tilespmem:$0x1F000] =	vst v63  }
0x169: {  	s15 =	sadd.s32 $0x1000, s14  }
0x16a: {  	[tilespmem:s18], [sflag:$0x1] =	stream.strided.gather [hbm4b:s15+s10], $0x400, s11, s10, $0x38;
	[tilespmem:$0x1F000] =	vst v63  }
0x16b: {  	s26 =	sadd.s32 $0x2000, s14  }
0x16c: {  	[tilespmem:s19], [sflag:$0x1] =	stream.strided.gather [hbm4b:s26+s10], $0x400, s11, s10, $0x38;
	[tilespmem:$0x1F000] =	vst v63  }
0x16d: {  	s14 =	sadd.s32 $0x3000, s14;
	s26 =	simm.s32 $0x1B000  }
0x16e: {  	[tilespmem:s26], [sflag:$0x1] =	stream.strided.gather [hbm4b:s14+s10], $0x400, s11, s10, $0x38;
	[tilespmem:$0x1F000] =	vst v63  }
0x16f: {  	s14 =	rddreg [dreg:$0x13]  }
0x170: {  	[tilespmem:s20], [sflag:$0x1] =	stream.strided.gather [hbm4b:s14+s10], $0x400, s11, s10, $0x38;
	[tilespmem:$0x1F000] =	vst v63  }
0x171: {  	s15 =	sadd.s32 $0x1000, s14  }
0x172: {  	[tilespmem:s21], [sflag:$0x1] =	stream.strided.gather [hbm4b:s15+s10], $0x400, s11, s10, $0x38;
	[tilespmem:$0x1F000] =	vst v63  }
0x173: {  	s15 =	sadd.s32 $0x2000, s14  }
0x174: {  	[tilespmem:s22], [sflag:$0x1] =	stream.strided.gather [hbm4b:s15+s10], $0x400, s11, s10, $0x38;
	[tilespmem:$0x1F000] =	vst v63  }
0x175: {  	s14 =	sadd.s32 $0x3000, s14  }
0x176: {  	[tilespmem:s23], [sflag:$0x1] =	stream.strided.gather [hbm4b:s14+s10], $0x400, s11, s10, $0x38;
	[tilespmem:$0x1F000] =	vst v63  }
0x177: {  	_ =	swait.ge [sflag:s12], $0x1000  }
0x178: {  	[sflag:s12] =	ssyncset.done $0x0  }
0x179: {  	[sflag:s12] =	ssyncadd.s32 $0xFFFFF000  }
0x17a: {  	_ =	swait.ge [sflag:s12], $0x1000  }
0x17b: {  	[sflag:s12] =	ssyncset.done $0x0  }
0x17c: {  	[sflag:s12] =	ssyncadd.s32 $0xFFFFF000  }
0x17d: {  	_ =	swait.ge [sflag:s12], $0x1000  }
0x17e: {  	[sflag:s12] =	ssyncset.done $0x0  }
0x17f: {  	s13 =	sadd.s32 $0x0, s28;
	s15 =	simm.s32 $0x3C00;
	[sflag:s12] =	ssyncadd.s32 $0xFFFFF000  }
0x180: {  	[hbm4b:s13+s1] =	stream.linear.scatter [tilespmem:s15], [sflag:$0x2], $0x4000, $0x38;
	[tilespmem:$0x1F000] =	vst v63  }
0x181: {  	s14 =	simm.s32 $0xB800;
	s15 =	sadd.s32 $0x800, s13  }
0x182: {  	[hbm4b:s15+s1] =	stream.linear.scatter [tilespmem:s14], [sflag:$0x2], $0x4000, $0x38;
	[tilespmem:$0x1F000] =	vst v63  }
0x183: {  	s14 =	simm.s32 $0x13400;
	s15 =	sadd.s32 $0x1000, s13  }
0x184: {  	[hbm4b:s15+s1] =	stream.linear.scatter [tilespmem:s14], [sflag:$0x2], $0x4000, $0x38;
	[tilespmem:$0x1F000] =	vst v63  }
0x185: {  	s29 =	simm.s32 $0x200000;
	s14 =	sadd.s32 $0x1800, s13;
	s13 =	simm.s32 $0x1AC00  }
.LBB2_10:
0x186: {  	[hbm4b:s14+s1] =	stream.linear.scatter [tilespmem:s26], [sflag:$0x2], $0x4000, $0x38;
	[tilespmem:$0x1F000] =	vst v63  }
0x187: {  	s14 =	sadd.s32 s29, s28;
	s15 =	sadd.s32 $0xFFFE8C00, s13;
	p0 =	sne.s32 s29, $0x1E00000  }
0x188: {  	[hbm4b:s14+s1] =	stream.linear.scatter [tilespmem:s15], [sflag:$0x2], $0x4000, $0x38;
	[tilespmem:$0x1F000] =	vst v63  }
.Ltmp4:
0x189: {  	s26 =	sadd.s32 $0x800, s14;
	s15 =	sadd.s32 $0xFFFF0800, s13;
	(pc) =	sbr.rel @p0 .LBB2_10-.Ltmp4, $4  }
0x18a: {  	[hbm4b:s26+s1] =	stream.linear.scatter [tilespmem:s15], [sflag:$0x2], $0x4000, $0x38;
	[tilespmem:$0x1F000] =	vst v63  }
0x18b: {  	s29 =	sadd.s32 $0x200000, s29;
	s15 =	sadd.s32 $0xFFFF8400, s13;
	s26 =	sadd.s32 $0x1000, s14  }
0x18c: {  	[hbm4b:s26+s1] =	stream.linear.scatter [tilespmem:s15], [sflag:$0x2], $0x4000, $0x38;
	[tilespmem:$0x1F000] =	vst v63  }
0x18d: {  	s14 =	sadd.s32 $0x1800, s14;
	s26 =	smov.u32 s13;
	s13 =	sadd.s32 $0xFFFFFC00, s13  }
0x18e: {  	[hbm4b:s14+s1] =	stream.linear.scatter [tilespmem:s26], [sflag:$0x2], $0x4000, $0x38;
	[tilespmem:$0x1F000] =	vst v63  }
0x18f: {  	_ =	swait.ge [sflag:s24], $0x10000  }
0x190: {  	[sflag:s24] =	ssyncset.done $0x0  }
0x191: {  	[sflag:s24] =	ssyncadd.s32 $0xFFFF0000  }
0x192: {  	_ =	swait.ge [sflag:s24], $0x10000  }
0x193: {  	[sflag:s24] =	ssyncset.done $0x0  }
0x194: {  	[sflag:s24] =	ssyncadd.s32 $0xFFFF0000  }
0x195: {  	_ =	swait.ge [sflag:s24], $0x10000  }
0x196: {  	[sflag:s24] =	ssyncset.done $0x0  }
0x197: {  	[sflag:s24] =	ssyncadd.s32 $0xFFFF0000  }
0x198: {  	_ =	swait.ge [sflag:s24], $0x10000  }
0x199: {  	[sflag:s24] =	ssyncset.done $0x0  }
0x19a: {  	[sflag:s24] =	ssyncadd.s32 $0xFFFF0000  }
0x19b: {  	_ =	swait.ge [sflag:s24], $0x10000  }
0x19c: {  	[sflag:s24] =	ssyncset.done $0x0  }
0x19d: {  	[sflag:s24] =	ssyncadd.s32 $0xFFFF0000  }
0x19e: {  	_ =	swait.ge [sflag:s24], $0x10000  }
0x19f: {  	[sflag:s24] =	ssyncset.done $0x0  }
0x1a0: {  	[sflag:s24] =	ssyncadd.s32 $0xFFFF0000  }
0x1a1: {  	_ =	swait.ge [sflag:s24], $0x10000  }
0x1a2: {  	[sflag:s24] =	ssyncset.done $0x0  }
0x1a3: {  	[sflag:s24] =	ssyncadd.s32 $0xFFFF0000  }
0x1a4: {  	_ =	swait.ge [sflag:s24], $0x10000  }
0x1a5: {  	[sflag:s24] =	ssyncset.done $0x0  }
0x1a6: {  	[sflag:s24] =	ssyncadd.s32 $0xFFFF0000  }
0x1a7: {  	_ =	swait.ge [sflag:s24], $0x10000  }
0x1a8: {  	[sflag:s24] =	ssyncset.done $0x0  }
0x1a9: {  	[sflag:s24] =	ssyncadd.s32 $0xFFFF0000  }
0x1aa: {  	_ =	swait.ge [sflag:s24], $0x10000  }
0x1ab: {  	[sflag:s24] =	ssyncset.done $0x0  }
0x1ac: {  	[sflag:s24] =	ssyncadd.s32 $0xFFFF0000  }
0x1ad: {  	_ =	swait.ge [sflag:s24], $0x10000  }
0x1ae: {  	[sflag:s24] =	ssyncset.done $0x0  }
0x1af: {  	[sflag:s24] =	ssyncadd.s32 $0xFFFF0000  }
0x1b0: {  	_ =	swait.ge [sflag:s24], $0x10000  }
0x1b1: {  	[sflag:s24] =	ssyncset.done $0x0  }
0x1b2: {  	[sflag:s24] =	ssyncadd.s32 $0xFFFF0000  }
0x1b3: {  	_ =	swait.ge [sflag:s24], $0x10000  }
0x1b4: {  	[sflag:s24] =	ssyncset.done $0x0  }
0x1b5: {  	[sflag:s24] =	ssyncadd.s32 $0xFFFF0000  }
0x1b6: {  	_ =	swait.ge [sflag:s24], $0x10000  }
0x1b7: {  	[sflag:s24] =	ssyncset.done $0x0  }
0x1b8: {  	[sflag:s24] =	ssyncadd.s32 $0xFFFF0000  }
0x1b9: {  	_ =	swait.ge [sflag:s24], $0x10000  }
0x1ba: {  	[sflag:s24] =	ssyncset.done $0x0  }
0x1bb: {  	[sflag:s24] =	ssyncadd.s32 $0xFFFF0000  }
0x1bc: {  	_ =	swait.ge [sflag:s24], $0x10000  }
0x1bd: {  	[sflag:s24] =	ssyncset.done $0x0  }
0x1be: {  	s13 =	simm.s32 $0x3800;
	s14 =	rddreg [dreg:$0x15];
	[sflag:s24] =	ssyncadd.s32 $0xFFFF0000  }
0x1bf: {  	[tilespmem:s13], [sflag:$0x1] =	stream.strided.gather [hbm4b:s14+s10], $0x400, s11, s10, $0x38;
	[tilespmem:$0x1F000] =	vst v63  }
0x1c0: {  	s15 =	simm.s32 $0xB400;
	s26 =	sadd.s32 $0x1000, s14  }
0x1c1: {  	[tilespmem:s15], [sflag:$0x1] =	stream.strided.gather [hbm4b:s26+s10], $0x400, s11, s10, $0x38;
	[tilespmem:$0x1F000] =	vst v63  }
0x1c2: {  	s15 =	sadd.s32 $0x2000, s14;
	s26 =	simm.s32 $0x13000  }
0x1c3: {  	[tilespmem:s26], [sflag:$0x1] =	stream.strided.gather [hbm4b:s15+s10], $0x400, s11, s10, $0x38;
	[tilespmem:$0x1F000] =	vst v63  }
0x1c4: {  	s14 =	sadd.s32 $0x3000, s14  }
0x1c5: {  	[tilespmem:s16], [sflag:$0x1] =	stream.strided.gather [hbm4b:s14+s10], $0x400, s11, s10, $0x38;
	[tilespmem:$0x1F000] =	vst v63  }
0x1c6: {  	s14 =	rddreg [dreg:$0x17]  }
0x1c7: {  	[tilespmem:s17], [sflag:$0x1] =	stream.strided.gather [hbm4b:s14+s10], $0x400, s11, s10, $0x38;
	[tilespmem:$0x1F000] =	vst v63  }
0x1c8: {  	s15 =	sadd.s32 $0x1000, s14  }
0x1c9: {  	[tilespmem:s18], [sflag:$0x1] =	stream.strided.gather [hbm4b:s15+s10], $0x400, s11, s10, $0x38;
	[tilespmem:$0x1F000] =	vst v63  }
0x1ca: {  	s26 =	sadd.s32 $0x2000, s14  }
0x1cb: {  	[tilespmem:s19], [sflag:$0x1] =	stream.strided.gather [hbm4b:s26+s10], $0x400, s11, s10, $0x38;
	[tilespmem:$0x1F000] =	vst v63  }
0x1cc: {  	s14 =	sadd.s32 $0x3000, s14;
	s26 =	simm.s32 $0x1B000  }
0x1cd: {  	[tilespmem:s26], [sflag:$0x1] =	stream.strided.gather [hbm4b:s14+s10], $0x400, s11, s10, $0x38;
	[tilespmem:$0x1F000] =	vst v63  }
0x1ce: {  	s14 =	rddreg [dreg:$0x1a]  }
0x1cf: {  	[tilespmem:s20], [sflag:$0x1] =	stream.strided.gather [hbm4b:s14+s10], $0x400, s11, s10, $0x38;
	[tilespmem:$0x1F000] =	vst v63  }
0x1d0: {  	s15 =	sadd.s32 $0x1000, s14  }
0x1d1: {  	[tilespmem:s21], [sflag:$0x1] =	stream.strided.gather [hbm4b:s15+s10], $0x400, s11, s10, $0x38;
	[tilespmem:$0x1F000] =	vst v63  }
0x1d2: {  	s15 =	sadd.s32 $0x2000, s14  }
0x1d3: {  	[tilespmem:s22], [sflag:$0x1] =	stream.strided.gather [hbm4b:s15+s10], $0x400, s11, s10, $0x38;
	[tilespmem:$0x1F000] =	vst v63  }
0x1d4: {  	s14 =	sadd.s32 $0x3000, s14  }
0x1d5: {  	[tilespmem:s23], [sflag:$0x1] =	stream.strided.gather [hbm4b:s14+s10], $0x400, s11, s10, $0x38;
	[tilespmem:$0x1F000] =	vst v63  }
0x1d6: {  	_ =	swait.ge [sflag:s12], $0x1000  }
0x1d7: {  	[sflag:s12] =	ssyncset.done $0x0  }
0x1d8: {  	[sflag:s12] =	ssyncadd.s32 $0xFFFFF000  }
0x1d9: {  	_ =	swait.ge [sflag:s12], $0x1000  }
0x1da: {  	[sflag:s12] =	ssyncset.done $0x0  }
0x1db: {  	[sflag:s12] =	ssyncadd.s32 $0xFFFFF000  }
0x1dc: {  	_ =	swait.ge [sflag:s12], $0x1000  }
0x1dd: {  	[sflag:s12] =	ssyncset.done $0x0  }
0x1de: {  	s13 =	sadd.s32 $0x0, s2;
	s15 =	simm.s32 $0x3C00;
	[sflag:s12] =	ssyncadd.s32 $0xFFFFF000  }
0x1df: {  	[hbm4b:s13+s1] =	stream.linear.scatter [tilespmem:s15], [sflag:$0x2], $0x4000, $0x38;
	[tilespmem:$0x1F000] =	vst v63  }
0x1e0: {  	s14 =	simm.s32 $0xB800;
	s15 =	sadd.s32 $0x800, s13  }
0x1e1: {  	[hbm4b:s15+s1] =	stream.linear.scatter [tilespmem:s14], [sflag:$0x2], $0x4000, $0x38;
	[tilespmem:$0x1F000] =	vst v63  }
0x1e2: {  	s14 =	simm.s32 $0x13400;
	s15 =	sadd.s32 $0x1000, s13  }
0x1e3: {  	[hbm4b:s15+s1] =	stream.linear.scatter [tilespmem:s14], [sflag:$0x2], $0x4000, $0x38;
	[tilespmem:$0x1F000] =	vst v63  }
0x1e4: {  	s29 =	simm.s32 $0x200000;
	s14 =	sadd.s32 $0x1800, s13;
	s13 =	simm.s32 $0x1AC00  }
.LBB2_12:
0x1e5: {  	[hbm4b:s14+s1] =	stream.linear.scatter [tilespmem:s26], [sflag:$0x2], $0x4000, $0x38;
	[tilespmem:$0x1F000] =	vst v63  }
0x1e6: {  	s14 =	sadd.s32 s29, s2;
	s15 =	sadd.s32 $0xFFFE8C00, s13;
	p0 =	sne.s32 s29, $0x1E00000  }
0x1e7: {  	[hbm4b:s14+s1] =	stream.linear.scatter [tilespmem:s15], [sflag:$0x2], $0x4000, $0x38;
	[tilespmem:$0x1F000] =	vst v63  }
.Ltmp5:
0x1e8: {  	s26 =	sadd.s32 $0x800, s14;
	s15 =	sadd.s32 $0xFFFF0800, s13;
	(pc) =	sbr.rel @p0 .LBB2_12-.Ltmp5, $4  }
0x1e9: {  	[hbm4b:s26+s1] =	stream.linear.scatter [tilespmem:s15], [sflag:$0x2], $0x4000, $0x38;
	[tilespmem:$0x1F000] =	vst v63  }
0x1ea: {  	s29 =	sadd.s32 $0x200000, s29;
	s15 =	sadd.s32 $0xFFFF8400, s13;
	s26 =	sadd.s32 $0x1000, s14  }
0x1eb: {  	[hbm4b:s26+s1] =	stream.linear.scatter [tilespmem:s15], [sflag:$0x2], $0x4000, $0x38;
	[tilespmem:$0x1F000] =	vst v63  }
0x1ec: {  	s14 =	sadd.s32 $0x1800, s14;
	s26 =	smov.u32 s13;
	s13 =	sadd.s32 $0xFFFFFC00, s13  }
0x1ed: {  	[hbm4b:s14+s1] =	stream.linear.scatter [tilespmem:s26], [sflag:$0x2], $0x4000, $0x38;
	[tilespmem:$0x1F000] =	vst v63  }
0x1ee: {  	_ =	swait.ge [sflag:s24], $0x10000  }
0x1ef: {  	[sflag:s24] =	ssyncset.done $0x0  }
0x1f0: {  	[sflag:s24] =	ssyncadd.s32 $0xFFFF0000  }
0x1f1: {  	_ =	swait.ge [sflag:s24], $0x10000  }
0x1f2: {  	[sflag:s24] =	ssyncset.done $0x0  }
0x1f3: {  	[sflag:s24] =	ssyncadd.s32 $0xFFFF0000  }
0x1f4: {  	_ =	swait.ge [sflag:s24], $0x10000  }
0x1f5: {  	[sflag:s24] =	ssyncset.done $0x0  }
0x1f6: {  	[sflag:s24] =	ssyncadd.s32 $0xFFFF0000  }
0x1f7: {  	_ =	swait.ge [sflag:s24], $0x10000  }
0x1f8: {  	[sflag:s24] =	ssyncset.done $0x0  }
0x1f9: {  	[sflag:s24] =	ssyncadd.s32 $0xFFFF0000  }
0x1fa: {  	_ =	swait.ge [sflag:s24], $0x10000  }
0x1fb: {  	[sflag:s24] =	ssyncset.done $0x0  }
0x1fc: {  	[sflag:s24] =	ssyncadd.s32 $0xFFFF0000  }
0x1fd: {  	_ =	swait.ge [sflag:s24], $0x10000  }
0x1fe: {  	[sflag:s24] =	ssyncset.done $0x0  }
0x1ff: {  	[sflag:s24] =	ssyncadd.s32 $0xFFFF0000  }
0x200: {  	_ =	swait.ge [sflag:s24], $0x10000  }
0x201: {  	[sflag:s24] =	ssyncset.done $0x0  }
0x202: {  	[sflag:s24] =	ssyncadd.s32 $0xFFFF0000  }
0x203: {  	_ =	swait.ge [sflag:s24], $0x10000  }
0x204: {  	[sflag:s24] =	ssyncset.done $0x0  }
0x205: {  	[sflag:s24] =	ssyncadd.s32 $0xFFFF0000  }
0x206: {  	_ =	swait.ge [sflag:s24], $0x10000  }
0x207: {  	[sflag:s24] =	ssyncset.done $0x0  }
0x208: {  	[sflag:s24] =	ssyncadd.s32 $0xFFFF0000  }
0x209: {  	_ =	swait.ge [sflag:s24], $0x10000  }
0x20a: {  	[sflag:s24] =	ssyncset.done $0x0  }
0x20b: {  	[sflag:s24] =	ssyncadd.s32 $0xFFFF0000  }
0x20c: {  	_ =	swait.ge [sflag:s24], $0x10000  }
0x20d: {  	[sflag:s24] =	ssyncset.done $0x0  }
0x20e: {  	[sflag:s24] =	ssyncadd.s32 $0xFFFF0000  }
0x20f: {  	_ =	swait.ge [sflag:s24], $0x10000  }
0x210: {  	[sflag:s24] =	ssyncset.done $0x0  }
0x211: {  	[sflag:s24] =	ssyncadd.s32 $0xFFFF0000  }
0x212: {  	_ =	swait.ge [sflag:s24], $0x10000  }
0x213: {  	[sflag:s24] =	ssyncset.done $0x0  }
0x214: {  	[sflag:s24] =	ssyncadd.s32 $0xFFFF0000  }
0x215: {  	_ =	swait.ge [sflag:s24], $0x10000  }
0x216: {  	[sflag:s24] =	ssyncset.done $0x0  }
0x217: {  	[sflag:s24] =	ssyncadd.s32 $0xFFFF0000  }
0x218: {  	_ =	swait.ge [sflag:s24], $0x10000  }
0x219: {  	[sflag:s24] =	ssyncset.done $0x0  }
0x21a: {  	[sflag:s24] =	ssyncadd.s32 $0xFFFF0000  }
0x21b: {  	_ =	swait.ge [sflag:s24], $0x10000  }
0x21c: {  	[sflag:s24] =	ssyncset.done $0x0  }
0x21d: {  	s13 =	simm.s32 $0x0;
	s14 =	sadd.s32 $0x0, s3;
	[sflag:s24] =	ssyncadd.s32 $0xFFFF0000  }
0x21e: {  	[tilespmem:s13], [sflag:$0x1] =	stream.strided.gather [hbm4b:s14+s10], $0x400, s11, s10, $0x38;
	[tilespmem:$0x1F000] =	vst v63  }
0x21f: {  	s15 =	simm.s32 $0x7C00;
	s26 =	sadd.s32 $0x1000, s14  }
0x220: {  	[tilespmem:s15], [sflag:$0x1] =	stream.strided.gather [hbm4b:s26+s10], $0x400, s11, s10, $0x38;
	[tilespmem:$0x1F000] =	vst v63  }
0x221: {  	s29 =	simm.s32 $0x17400;
	s15 =	sadd.s32 $0x2000, s14;
	s26 =	simm.s32 $0xF800  }
0x222: {  	[tilespmem:s26], [sflag:$0x1] =	stream.strided.gather [hbm4b:s15+s10], $0x400, s11, s10, $0x38;
	[tilespmem:$0x1F000] =	vst v63  }
0x223: {  	s13 =	simm.s32 $0x400;
	s14 =	sadd.s32 $0x3000, s14;
	s26 =	simm.s32 $0xE  }
.LBB2_14:
0x224: {  	[tilespmem:s29], [sflag:$0x1] =	stream.strided.gather [hbm4b:s14+s10], $0x400, s11, s10, $0x38;
	[tilespmem:$0x1F000] =	vst v63  }
0x225: {  	s14 =	sadd.s32 s26, s3;
	p0 =	sne.s32 s26, $0xB6;
	s26 =	sadd.s32 $0xE, s26  }
0x226: {  	[tilespmem:s13], [sflag:$0x1] =	stream.strided.gather [hbm4b:s14+s10], $0x400, s11, s10, $0x38;
	[tilespmem:$0x1F000] =	vst v63  }
.Ltmp6:
0x227: {  	s29 =	sadd.s32 $0x7C00, s13;
	s15 =	sadd.s32 $0x1000, s14;
	(pc) =	sbr.rel @p0 .LBB2_14-.Ltmp6, $4  }
0x228: {  	[tilespmem:s29], [sflag:$0x1] =	stream.strided.gather [hbm4b:s15+s10], $0x400, s11, s10, $0x38;
	[tilespmem:$0x1F000] =	vst v63  }
0x229: {  	s15 =	sadd.s32 $0x2000, s14;
	s29 =	sadd.s32 $0xF800, s13  }
0x22a: {  	[tilespmem:s29], [sflag:$0x1] =	stream.strided.gather [hbm4b:s15+s10], $0x400, s11, s10, $0x38;
	[tilespmem:$0x1F000] =	vst v63  }
0x22b: {  	s14 =	sadd.s32 $0x3000, s14;
	s29 =	sadd.s32 $0x17400, s13;
	s13 =	sadd.s32 $0x400, s13  }
0x22c: {  	[tilespmem:s29], [sflag:$0x1] =	stream.strided.gather [hbm4b:s14+s10], $0x400, s11, s10, $0x38;
	[tilespmem:$0x1F000] =	vst v63  }
0x22d: {  	s13 =	simm.s32 $0x4400;
	s14 =	sadd.s32 $0x0, s31  }
0x22e: {  	[tilespmem:s13], [sflag:$0x1] =	stream.strided.gather [hbm4b:s14+s10], $0x400, s11, s10, $0x38;
	[tilespmem:$0x1F000] =	vst v63  }
0x22f: {  	s15 =	simm.s32 $0xC000;
	s26 =	sadd.s32 $0x1000, s14  }
0x230: {  	[tilespmem:s15], [sflag:$0x1] =	stream.strided.gather [hbm4b:s26+s10], $0x400, s11, s10, $0x38;
	[tilespmem:$0x1F000] =	vst v63  }
0x231: {  	s29 =	simm.s32 $0x1B800;
	s15 =	sadd.s32 $0x2000, s14;
	s26 =	simm.s32 $0x13C00  }
0x232: {  	[tilespmem:s26], [sflag:$0x1] =	stream.strided.gather [hbm4b:s15+s10], $0x400, s11, s10, $0x38;
	[tilespmem:$0x1F000] =	vst v63  }
0x233: {  	s13 =	simm.s32 $0x1BC00;
	s14 =	sadd.s32 $0x3000, s14;
	s26 =	simm.s32 $0xE  }
.LBB2_16:
0x234: {  	[tilespmem:s29], [sflag:$0x1] =	stream.strided.gather [hbm4b:s14+s10], $0x400, s11, s10, $0x38;
	[tilespmem:$0x1F000] =	vst v63  }
0x235: {  	s14 =	sadd.s32 $0xFFFE8C00, s13;
	s15 =	sadd.s32 s26, s31;
	p0 =	sne.s32 s26, $0xB6  }
0x236: {  	[tilespmem:s14], [sflag:$0x1] =	stream.strided.gather [hbm4b:s15+s10], $0x400, s11, s10, $0x38;
	[tilespmem:$0x1F000] =	vst v63  }
.Ltmp7:
0x237: {  	s29 =	sadd.s32 $0xFFFF0800, s13;
	s14 =	sadd.s32 $0x1000, s15;
	(pc) =	sbr.rel @p0 .LBB2_16-.Ltmp7, $4  }
0x238: {  	[tilespmem:s29], [sflag:$0x1] =	stream.strided.gather [hbm4b:s14+s10], $0x400, s11, s10, $0x38;
	[tilespmem:$0x1F000] =	vst v63  }
0x239: {  	s26 =	sadd.s32 $0xE, s26;
	s14 =	sadd.s32 $0x2000, s15;
	s29 =	sadd.s32 $0xFFFF8400, s13  }
0x23a: {  	[tilespmem:s29], [sflag:$0x1] =	stream.strided.gather [hbm4b:s14+s10], $0x400, s11, s10, $0x38;
	[tilespmem:$0x1F000] =	vst v63  }
0x23b: {  	s14 =	sadd.s32 $0x3000, s15;
	s29 =	smov.u32 s13;
	s13 =	sadd.s32 $0x400, s13  }
0x23c: {  	[tilespmem:s29], [sflag:$0x1] =	stream.strided.gather [hbm4b:s14+s10], $0x400, s11, s10, $0x38;
	[tilespmem:$0x1F000] =	vst v63  }
0x23d: {  	_ =	swait.ge [sflag:s12], $0x1000  }
0x23e: {  	[sflag:s12] =	ssyncset.done $0x0  }
0x23f: {  	[sflag:s12] =	ssyncadd.s32 $0xFFFFF000  }
0x240: {  	_ =	swait.ge [sflag:s12], $0x1000  }
0x241: {  	[sflag:s12] =	ssyncset.done $0x0  }
0x242: {  	[sflag:s12] =	ssyncadd.s32 $0xFFFFF000  }
0x243: {  	_ =	swait.ge [sflag:s12], $0x1000  }
0x244: {  	[sflag:s12] =	ssyncset.done $0x0  }
0x245: {  	[sflag:s12] =	ssyncadd.s32 $0xFFFFF000  }
0x246: {  	_ =	swait.ge [sflag:s12], $0x1000  }
0x247: {  	[sflag:s12] =	ssyncset.done $0x0  }
0x248: {  	[sflag:s12] =	ssyncadd.s32 $0xFFFFF000  }
0x249: {  	_ =	swait.ge [sflag:s12], $0x1000  }
0x24a: {  	[sflag:s12] =	ssyncset.done $0x0  }
0x24b: {  	[sflag:s12] =	ssyncadd.s32 $0xFFFFF000  }
0x24c: {  	_ =	swait.ge [sflag:s12], $0x1000  }
0x24d: {  	[sflag:s12] =	ssyncset.done $0x0  }
0x24e: {  	[sflag:s12] =	ssyncadd.s32 $0xFFFFF000  }
0x24f: {  	_ =	swait.ge [sflag:s12], $0x1000  }
0x250: {  	[sflag:s12] =	ssyncset.done $0x0  }
0x251: {  	[sflag:s12] =	ssyncadd.s32 $0xFFFFF000  }
0x252: {  	_ =	swait.ge [sflag:s12], $0x1000  }
0x253: {  	[sflag:s12] =	ssyncset.done $0x0  }
0x254: {  	[sflag:s12] =	ssyncadd.s32 $0xFFFFF000  }
0x255: {  	_ =	swait.ge [sflag:s12], $0x1000  }
0x256: {  	[sflag:s12] =	ssyncset.done $0x0  }
0x257: {  	[sflag:s12] =	ssyncadd.s32 $0xFFFFF000  }
0x258: {  	_ =	swait.ge [sflag:s12], $0x1000  }
0x259: {  	[sflag:s12] =	ssyncset.done $0x0  }
0x25a: {  	[sflag:s12] =	ssyncadd.s32 $0xFFFFF000  }
0x25b: {  	_ =	swait.ge [sflag:s12], $0x1000  }
0x25c: {  	[sflag:s12] =	ssyncset.done $0x0  }
0x25d: {  	[sflag:s12] =	ssyncadd.s32 $0xFFFFF000  }
0x25e: {  	_ =	swait.ge [sflag:s12], $0x1000  }
0x25f: {  	[sflag:s12] =	ssyncset.done $0x0  }
0x260: {  	[sflag:s12] =	ssyncadd.s32 $0xFFFFF000  }
0x261: {  	_ =	swait.ge [sflag:s12], $0x1000  }
0x262: {  	[sflag:s12] =	ssyncset.done $0x0  }
0x263: {  	[sflag:s12] =	ssyncadd.s32 $0xFFFFF000  }
0x264: {  	_ =	swait.ge [sflag:s12], $0x1000  }
0x265: {  	[sflag:s12] =	ssyncset.done $0x0  }
0x266: {  	[sflag:s12] =	ssyncadd.s32 $0xFFFFF000  }
0x267: {  	_ =	swait.ge [sflag:s12], $0x1000  }
0x268: {  	[sflag:s12] =	ssyncset.done $0x0  }
0x269: {  	[sflag:s12] =	ssyncadd.s32 $0xFFFFF000  }
0x26a: {  	_ =	swait.ge [sflag:s12], $0x1000  }
0x26b: {  	[sflag:s12] =	ssyncset.done $0x0  }
0x26c: {  	[sflag:s12] =	ssyncadd.s32 $0xFFFFF000  }
0x26d: {  	_ =	swait.ge [sflag:s12], $0x1000  }
0x26e: {  	[sflag:s12] =	ssyncset.done $0x0  }
0x26f: {  	[sflag:s12] =	ssyncadd.s32 $0xFFFFF000  }
0x270: {  	_ =	swait.ge [sflag:s12], $0x1000  }
0x271: {  	[sflag:s12] =	ssyncset.done $0x0  }
0x272: {  	[sflag:s12] =	ssyncadd.s32 $0xFFFFF000  }
0x273: {  	_ =	swait.ge [sflag:s12], $0x1000  }
0x274: {  	[sflag:s12] =	ssyncset.done $0x0  }
0x275: {  	[sflag:s12] =	ssyncadd.s32 $0xFFFFF000  }
0x276: {  	_ =	swait.ge [sflag:s12], $0x1000  }
0x277: {  	[sflag:s12] =	ssyncset.done $0x0  }
0x278: {  	[sflag:s12] =	ssyncadd.s32 $0xFFFFF000  }
0x279: {  	_ =	swait.ge [sflag:s12], $0x1000  }
0x27a: {  	[sflag:s12] =	ssyncset.done $0x0  }
0x27b: {  	[sflag:s12] =	ssyncadd.s32 $0xFFFFF000  }
0x27c: {  	_ =	swait.ge [sflag:s12], $0x1000  }
0x27d: {  	[sflag:s12] =	ssyncset.done $0x0  }
0x27e: {  	[sflag:s12] =	ssyncadd.s32 $0xFFFFF000  }
0x27f: {  	_ =	swait.ge [sflag:s12], $0x1000  }
0x280: {  	[sflag:s12] =	ssyncset.done $0x0  }
0x281: {  	[sflag:s12] =	ssyncadd.s32 $0xFFFFF000  }
0x282: {  	_ =	swait.ge [sflag:s12], $0x1000  }
0x283: {  	[sflag:s12] =	ssyncset.done $0x0  }
0x284: {  	[sflag:s12] =	ssyncadd.s32 $0xFFFFF000  }
0x285: {  	_ =	swait.ge [sflag:s12], $0x1000  }
0x286: {  	[sflag:s12] =	ssyncset.done $0x0  }
0x287: {  	[sflag:s12] =	ssyncadd.s32 $0xFFFFF000  }
0x288: {  	_ =	swait.ge [sflag:s12], $0x1000  }
0x289: {  	[sflag:s12] =	ssyncset.done $0x0  }
0x28a: {  	[sflag:s12] =	ssyncadd.s32 $0xFFFFF000  }
0x28b: {  	_ =	swait.ge [sflag:s12], $0x1000  }
0x28c: {  	[sflag:s12] =	ssyncset.done $0x0  }
0x28d: {  	[sflag:s12] =	ssyncadd.s32 $0xFFFFF000  }
0x28e: {  	_ =	swait.ge [sflag:s12], $0x1000  }
0x28f: {  	[sflag:s12] =	ssyncset.done $0x0  }
0x290: {  	s13 =	simm.s32 $0x3800;
	s14 =	rddreg [dreg:$0x9];
	[sflag:s12] =	ssyncadd.s32 $0xFFFFF000  }
0x291: {  	[tilespmem:s13], [sflag:$0x1] =	stream.strided.gather [hbm4b:s14+s10], $0x400, s11, s10, $0x38;
	[tilespmem:$0x1F000] =	vst v63  }
0x292: {  	s15 =	simm.s32 $0xB400;
	s26 =	sadd.s32 $0x1000, s14  }
0x293: {  	[tilespmem:s15], [sflag:$0x1] =	stream.strided.gather [hbm4b:s26+s10], $0x400, s11, s10, $0x38;
	[tilespmem:$0x1F000] =	vst v63  }
0x294: {  	s15 =	sadd.s32 $0x2000, s14;
	s26 =	simm.s32 $0x13000  }
0x295: {  	[tilespmem:s26], [sflag:$0x1] =	stream.strided.gather [hbm4b:s15+s10], $0x400, s11, s10, $0x38;
	[tilespmem:$0x1F000] =	vst v63  }
0x296: {  	s14 =	sadd.s32 $0x3000, s14  }
0x297: {  	[tilespmem:s16], [sflag:$0x1] =	stream.strided.gather [hbm4b:s14+s10], $0x400, s11, s10, $0x38;
	[tilespmem:$0x1F000] =	vst v63  }
0x298: {  	s14 =	rddreg [dreg:$0xa]  }
0x299: {  	[tilespmem:s17], [sflag:$0x1] =	stream.strided.gather [hbm4b:s14+s10], $0x400, s11, s10, $0x38;
	[tilespmem:$0x1F000] =	vst v63  }
0x29a: {  	s15 =	sadd.s32 $0x1000, s14  }
0x29b: {  	[tilespmem:s18], [sflag:$0x1] =	stream.strided.gather [hbm4b:s15+s10], $0x400, s11, s10, $0x38;
	[tilespmem:$0x1F000] =	vst v63  }
0x29c: {  	s26 =	sadd.s32 $0x2000, s14  }
0x29d: {  	[tilespmem:s19], [sflag:$0x1] =	stream.strided.gather [hbm4b:s26+s10], $0x400, s11, s10, $0x38;
	[tilespmem:$0x1F000] =	vst v63  }
0x29e: {  	s14 =	sadd.s32 $0x3000, s14;
	s26 =	simm.s32 $0x1B000  }
0x29f: {  	[tilespmem:s26], [sflag:$0x1] =	stream.strided.gather [hbm4b:s14+s10], $0x400, s11, s10, $0x38;
	[tilespmem:$0x1F000] =	vst v63  }
0x2a0: {  	s14 =	rddreg [dreg:$0xb]  }
0x2a1: {  	[tilespmem:s20], [sflag:$0x1] =	stream.strided.gather [hbm4b:s14+s10], $0x400, s11, s10, $0x38;
	[tilespmem:$0x1F000] =	vst v63  }
0x2a2: {  	s15 =	sadd.s32 $0x1000, s14  }
0x2a3: {  	[tilespmem:s21], [sflag:$0x1] =	stream.strided.gather [hbm4b:s15+s10], $0x400, s11, s10, $0x38;
	[tilespmem:$0x1F000] =	vst v63  }
0x2a4: {  	s15 =	sadd.s32 $0x2000, s14  }
0x2a5: {  	[tilespmem:s22], [sflag:$0x1] =	stream.strided.gather [hbm4b:s15+s10], $0x400, s11, s10, $0x38;
	[tilespmem:$0x1F000] =	vst v63  }
0x2a6: {  	s14 =	sadd.s32 $0x3000, s14  }
0x2a7: {  	[tilespmem:s23], [sflag:$0x1] =	stream.strided.gather [hbm4b:s14+s10], $0x400, s11, s10, $0x38;
	[tilespmem:$0x1F000] =	vst v63  }
0x2a8: {  	_ =	swait.ge [sflag:s12], $0x1000  }
0x2a9: {  	[sflag:s12] =	ssyncset.done $0x0  }
0x2aa: {  	[sflag:s12] =	ssyncadd.s32 $0xFFFFF000  }
0x2ab: {  	_ =	swait.ge [sflag:s12], $0x1000  }
0x2ac: {  	[sflag:s12] =	ssyncset.done $0x0  }
0x2ad: {  	[sflag:s12] =	ssyncadd.s32 $0xFFFFF000  }
0x2ae: {  	_ =	swait.ge [sflag:s12], $0x1000  }
0x2af: {  	[sflag:s12] =	ssyncset.done $0x0  }
0x2b0: {  	s13 =	sadd.s32 $0x0, s4;
	s15 =	simm.s32 $0x3C00;
	[sflag:s12] =	ssyncadd.s32 $0xFFFFF000  }
0x2b1: {  	[hbm4b:s13+s1] =	stream.linear.scatter [tilespmem:s15], [sflag:$0x2], $0x4000, $0x38;
	[tilespmem:$0x1F000] =	vst v63  }
0x2b2: {  	s14 =	simm.s32 $0xB800;
	s15 =	sadd.s32 $0x800, s13  }
0x2b3: {  	[hbm4b:s15+s1] =	stream.linear.scatter [tilespmem:s14], [sflag:$0x2], $0x4000, $0x38;
	[tilespmem:$0x1F000] =	vst v63  }
0x2b4: {  	s14 =	simm.s32 $0x13400;
	s15 =	sadd.s32 $0x1000, s13  }
0x2b5: {  	[hbm4b:s15+s1] =	stream.linear.scatter [tilespmem:s14], [sflag:$0x2], $0x4000, $0x38;
	[tilespmem:$0x1F000] =	vst v63  }
0x2b6: {  	s29 =	simm.s32 $0x200000;
	s14 =	sadd.s32 $0x1800, s13;
	s13 =	simm.s32 $0x1AC00  }
.LBB2_18:
0x2b7: {  	[hbm4b:s14+s1] =	stream.linear.scatter [tilespmem:s26], [sflag:$0x2], $0x4000, $0x38;
	[tilespmem:$0x1F000] =	vst v63  }
0x2b8: {  	s14 =	sadd.s32 s29, s4;
	s15 =	sadd.s32 $0xFFFE8C00, s13;
	p0 =	sne.s32 s29, $0x1E00000  }
0x2b9: {  	[hbm4b:s14+s1] =	stream.linear.scatter [tilespmem:s15], [sflag:$0x2], $0x4000, $0x38;
	[tilespmem:$0x1F000] =	vst v63  }
.Ltmp8:
0x2ba: {  	s26 =	sadd.s32 $0x800, s14;
	s15 =	sadd.s32 $0xFFFF0800, s13;
	(pc) =	sbr.rel @p0 .LBB2_18-.Ltmp8, $4  }
0x2bb: {  	[hbm4b:s26+s1] =	stream.linear.scatter [tilespmem:s15], [sflag:$0x2], $0x4000, $0x38;
	[tilespmem:$0x1F000] =	vst v63  }
0x2bc: {  	s29 =	sadd.s32 $0x200000, s29;
	s15 =	sadd.s32 $0xFFFF8400, s13;
	s26 =	sadd.s32 $0x1000, s14  }
0x2bd: {  	[hbm4b:s26+s1] =	stream.linear.scatter [tilespmem:s15], [sflag:$0x2], $0x4000, $0x38;
	[tilespmem:$0x1F000] =	vst v63  }
0x2be: {  	s14 =	sadd.s32 $0x1800, s14;
	s26 =	smov.u32 s13;
	s13 =	sadd.s32 $0xFFFFFC00, s13  }
0x2bf: {  	[hbm4b:s14+s1] =	stream.linear.scatter [tilespmem:s26], [sflag:$0x2], $0x4000, $0x38;
	[tilespmem:$0x1F000] =	vst v63  }
0x2c0: {  	_ =	swait.ge [sflag:s24], $0x10000  }
0x2c1: {  	[sflag:s24] =	ssyncset.done $0x0  }
0x2c2: {  	[sflag:s24] =	ssyncadd.s32 $0xFFFF0000  }
0x2c3: {  	_ =	swait.ge [sflag:s24], $0x10000  }
0x2c4: {  	[sflag:s24] =	ssyncset.done $0x0  }
0x2c5: {  	[sflag:s24] =	ssyncadd.s32 $0xFFFF0000  }
0x2c6: {  	_ =	swait.ge [sflag:s24], $0x10000  }
0x2c7: {  	[sflag:s24] =	ssyncset.done $0x0  }
0x2c8: {  	[sflag:s24] =	ssyncadd.s32 $0xFFFF0000  }
0x2c9: {  	_ =	swait.ge [sflag:s24], $0x10000  }
0x2ca: {  	[sflag:s24] =	ssyncset.done $0x0  }
0x2cb: {  	[sflag:s24] =	ssyncadd.s32 $0xFFFF0000  }
0x2cc: {  	_ =	swait.ge [sflag:s24], $0x10000  }
0x2cd: {  	[sflag:s24] =	ssyncset.done $0x0  }
0x2ce: {  	[sflag:s24] =	ssyncadd.s32 $0xFFFF0000  }
0x2cf: {  	_ =	swait.ge [sflag:s24], $0x10000  }
0x2d0: {  	[sflag:s24] =	ssyncset.done $0x0  }
0x2d1: {  	[sflag:s24] =	ssyncadd.s32 $0xFFFF0000  }
0x2d2: {  	_ =	swait.ge [sflag:s24], $0x10000  }
0x2d3: {  	[sflag:s24] =	ssyncset.done $0x0  }
0x2d4: {  	[sflag:s24] =	ssyncadd.s32 $0xFFFF0000  }
0x2d5: {  	_ =	swait.ge [sflag:s24], $0x10000  }
0x2d6: {  	[sflag:s24] =	ssyncset.done $0x0  }
0x2d7: {  	[sflag:s24] =	ssyncadd.s32 $0xFFFF0000  }
0x2d8: {  	_ =	swait.ge [sflag:s24], $0x10000  }
0x2d9: {  	[sflag:s24] =	ssyncset.done $0x0  }
0x2da: {  	[sflag:s24] =	ssyncadd.s32 $0xFFFF0000  }
0x2db: {  	_ =	swait.ge [sflag:s24], $0x10000  }
0x2dc: {  	[sflag:s24] =	ssyncset.done $0x0  }
0x2dd: {  	[sflag:s24] =	ssyncadd.s32 $0xFFFF0000  }
0x2de: {  	_ =	swait.ge [sflag:s24], $0x10000  }
0x2df: {  	[sflag:s24] =	ssyncset.done $0x0  }
0x2e0: {  	[sflag:s24] =	ssyncadd.s32 $0xFFFF0000  }
0x2e1: {  	_ =	swait.ge [sflag:s24], $0x10000  }
0x2e2: {  	[sflag:s24] =	ssyncset.done $0x0  }
0x2e3: {  	[sflag:s24] =	ssyncadd.s32 $0xFFFF0000  }
0x2e4: {  	_ =	swait.ge [sflag:s24], $0x10000  }
0x2e5: {  	[sflag:s24] =	ssyncset.done $0x0  }
0x2e6: {  	[sflag:s24] =	ssyncadd.s32 $0xFFFF0000  }
0x2e7: {  	_ =	swait.ge [sflag:s24], $0x10000  }
0x2e8: {  	[sflag:s24] =	ssyncset.done $0x0  }
0x2e9: {  	[sflag:s24] =	ssyncadd.s32 $0xFFFF0000  }
0x2ea: {  	_ =	swait.ge [sflag:s24], $0x10000  }
0x2eb: {  	[sflag:s24] =	ssyncset.done $0x0  }
0x2ec: {  	[sflag:s24] =	ssyncadd.s32 $0xFFFF0000  }
0x2ed: {  	_ =	swait.ge [sflag:s24], $0x10000  }
0x2ee: {  	[sflag:s24] =	ssyncset.done $0x0  }
0x2ef: {  	s13 =	simm.s32 $0x3800;
	s14 =	rddreg [dreg:$0xc];
	[sflag:s24] =	ssyncadd.s32 $0xFFFF0000  }
0x2f0: {  	[tilespmem:s13], [sflag:$0x1] =	stream.strided.gather [hbm4b:s14+s10], $0x400, s11, s10, $0x38;
	[tilespmem:$0x1F000] =	vst v63  }
0x2f1: {  	s15 =	simm.s32 $0xB400;
	s26 =	sadd.s32 $0x1000, s14  }
0x2f2: {  	[tilespmem:s15], [sflag:$0x1] =	stream.strided.gather [hbm4b:s26+s10], $0x400, s11, s10, $0x38;
	[tilespmem:$0x1F000] =	vst v63  }
0x2f3: {  	s15 =	sadd.s32 $0x2000, s14;
	s26 =	simm.s32 $0x13000  }
0x2f4: {  	[tilespmem:s26], [sflag:$0x1] =	stream.strided.gather [hbm4b:s15+s10], $0x400, s11, s10, $0x38;
	[tilespmem:$0x1F000] =	vst v63  }
0x2f5: {  	s14 =	sadd.s32 $0x3000, s14  }
0x2f6: {  	[tilespmem:s16], [sflag:$0x1] =	stream.strided.gather [hbm4b:s14+s10], $0x400, s11, s10, $0x38;
	[tilespmem:$0x1F000] =	vst v63  }
0x2f7: {  	s14 =	rddreg [dreg:$0xd]  }
0x2f8: {  	[tilespmem:s17], [sflag:$0x1] =	stream.strided.gather [hbm4b:s14+s10], $0x400, s11, s10, $0x38;
	[tilespmem:$0x1F000] =	vst v63  }
0x2f9: {  	s15 =	sadd.s32 $0x1000, s14  }
0x2fa: {  	[tilespmem:s18], [sflag:$0x1] =	stream.strided.gather [hbm4b:s15+s10], $0x400, s11, s10, $0x38;
	[tilespmem:$0x1F000] =	vst v63  }
0x2fb: {  	s26 =	sadd.s32 $0x2000, s14  }
0x2fc: {  	[tilespmem:s19], [sflag:$0x1] =	stream.strided.gather [hbm4b:s26+s10], $0x400, s11, s10, $0x38;
	[tilespmem:$0x1F000] =	vst v63  }
0x2fd: {  	s14 =	sadd.s32 $0x3000, s14;
	s26 =	simm.s32 $0x1B000  }
0x2fe: {  	[tilespmem:s26], [sflag:$0x1] =	stream.strided.gather [hbm4b:s14+s10], $0x400, s11, s10, $0x38;
	[tilespmem:$0x1F000] =	vst v63  }
0x2ff: {  	s14 =	rddreg [dreg:$0xe]  }
0x300: {  	[tilespmem:s20], [sflag:$0x1] =	stream.strided.gather [hbm4b:s14+s10], $0x400, s11, s10, $0x38;
	[tilespmem:$0x1F000] =	vst v63  }
0x301: {  	s15 =	sadd.s32 $0x1000, s14  }
0x302: {  	[tilespmem:s21], [sflag:$0x1] =	stream.strided.gather [hbm4b:s15+s10], $0x400, s11, s10, $0x38;
	[tilespmem:$0x1F000] =	vst v63  }
0x303: {  	s15 =	sadd.s32 $0x2000, s14  }
0x304: {  	[tilespmem:s22], [sflag:$0x1] =	stream.strided.gather [hbm4b:s15+s10], $0x400, s11, s10, $0x38;
	[tilespmem:$0x1F000] =	vst v63  }
0x305: {  	s14 =	sadd.s32 $0x3000, s14  }
0x306: {  	[tilespmem:s23], [sflag:$0x1] =	stream.strided.gather [hbm4b:s14+s10], $0x400, s11, s10, $0x38;
	[tilespmem:$0x1F000] =	vst v63  }
0x307: {  	_ =	swait.ge [sflag:s12], $0x1000  }
0x308: {  	[sflag:s12] =	ssyncset.done $0x0  }
0x309: {  	[sflag:s12] =	ssyncadd.s32 $0xFFFFF000  }
0x30a: {  	_ =	swait.ge [sflag:s12], $0x1000  }
0x30b: {  	[sflag:s12] =	ssyncset.done $0x0  }
0x30c: {  	[sflag:s12] =	ssyncadd.s32 $0xFFFFF000  }
0x30d: {  	_ =	swait.ge [sflag:s12], $0x1000  }
0x30e: {  	[sflag:s12] =	ssyncset.done $0x0  }
0x30f: {  	s13 =	sadd.s32 $0x0, s5;
	s15 =	simm.s32 $0x3C00;
	[sflag:s12] =	ssyncadd.s32 $0xFFFFF000  }
0x310: {  	[hbm4b:s13+s1] =	stream.linear.scatter [tilespmem:s15], [sflag:$0x2], $0x4000, $0x38;
	[tilespmem:$0x1F000] =	vst v63  }
0x311: {  	s14 =	simm.s32 $0xB800;
	s15 =	sadd.s32 $0x800, s13  }
0x312: {  	[hbm4b:s15+s1] =	stream.linear.scatter [tilespmem:s14], [sflag:$0x2], $0x4000, $0x38;
	[tilespmem:$0x1F000] =	vst v63  }
0x313: {  	s14 =	simm.s32 $0x13400;
	s15 =	sadd.s32 $0x1000, s13  }
0x314: {  	[hbm4b:s15+s1] =	stream.linear.scatter [tilespmem:s14], [sflag:$0x2], $0x4000, $0x38;
	[tilespmem:$0x1F000] =	vst v63  }
0x315: {  	s29 =	simm.s32 $0x200000;
	s14 =	sadd.s32 $0x1800, s13;
	s13 =	simm.s32 $0x1AC00  }
.LBB2_20:
0x316: {  	[hbm4b:s14+s1] =	stream.linear.scatter [tilespmem:s26], [sflag:$0x2], $0x4000, $0x38;
	[tilespmem:$0x1F000] =	vst v63  }
0x317: {  	s14 =	sadd.s32 s29, s5;
	s15 =	sadd.s32 $0xFFFE8C00, s13;
	p0 =	sne.s32 s29, $0x1E00000  }
0x318: {  	[hbm4b:s14+s1] =	stream.linear.scatter [tilespmem:s15], [sflag:$0x2], $0x4000, $0x38;
	[tilespmem:$0x1F000] =	vst v63  }
.Ltmp9:
0x319: {  	s26 =	sadd.s32 $0x800, s14;
	s15 =	sadd.s32 $0xFFFF0800, s13;
	(pc) =	sbr.rel @p0 .LBB2_20-.Ltmp9, $4  }
0x31a: {  	[hbm4b:s26+s1] =	stream.linear.scatter [tilespmem:s15], [sflag:$0x2], $0x4000, $0x38;
	[tilespmem:$0x1F000] =	vst v63  }
0x31b: {  	s29 =	sadd.s32 $0x200000, s29;
	s15 =	sadd.s32 $0xFFFF8400, s13;
	s26 =	sadd.s32 $0x1000, s14  }
0x31c: {  	[hbm4b:s26+s1] =	stream.linear.scatter [tilespmem:s15], [sflag:$0x2], $0x4000, $0x38;
	[tilespmem:$0x1F000] =	vst v63  }
0x31d: {  	s14 =	sadd.s32 $0x1800, s14;
	s26 =	smov.u32 s13;
	s13 =	sadd.s32 $0xFFFFFC00, s13  }
0x31e: {  	[hbm4b:s14+s1] =	stream.linear.scatter [tilespmem:s26], [sflag:$0x2], $0x4000, $0x38;
	[tilespmem:$0x1F000] =	vst v63  }
0x31f: {  	_ =	swait.ge [sflag:s24], $0x10000  }
0x320: {  	[sflag:s24] =	ssyncset.done $0x0  }
0x321: {  	[sflag:s24] =	ssyncadd.s32 $0xFFFF0000  }
0x322: {  	_ =	swait.ge [sflag:s24], $0x10000  }
0x323: {  	[sflag:s24] =	ssyncset.done $0x0  }
0x324: {  	[sflag:s24] =	ssyncadd.s32 $0xFFFF0000  }
0x325: {  	_ =	swait.ge [sflag:s24], $0x10000  }
0x326: {  	[sflag:s24] =	ssyncset.done $0x0  }
0x327: {  	[sflag:s24] =	ssyncadd.s32 $0xFFFF0000  }
0x328: {  	_ =	swait.ge [sflag:s24], $0x10000  }
0x329: {  	[sflag:s24] =	ssyncset.done $0x0  }
0x32a: {  	[sflag:s24] =	ssyncadd.s32 $0xFFFF0000  }
0x32b: {  	_ =	swait.ge [sflag:s24], $0x10000  }
0x32c: {  	[sflag:s24] =	ssyncset.done $0x0  }
0x32d: {  	[sflag:s24] =	ssyncadd.s32 $0xFFFF0000  }
0x32e: {  	_ =	swait.ge [sflag:s24], $0x10000  }
0x32f: {  	[sflag:s24] =	ssyncset.done $0x0  }
0x330: {  	[sflag:s24] =	ssyncadd.s32 $0xFFFF0000  }
0x331: {  	_ =	swait.ge [sflag:s24], $0x10000  }
0x332: {  	[sflag:s24] =	ssyncset.done $0x0  }
0x333: {  	[sflag:s24] =	ssyncadd.s32 $0xFFFF0000  }
0x334: {  	_ =	swait.ge [sflag:s24], $0x10000  }
0x335: {  	[sflag:s24] =	ssyncset.done $0x0  }
0x336: {  	[sflag:s24] =	ssyncadd.s32 $0xFFFF0000  }
0x337: {  	_ =	swait.ge [sflag:s24], $0x10000  }
0x338: {  	[sflag:s24] =	ssyncset.done $0x0  }
0x339: {  	[sflag:s24] =	ssyncadd.s32 $0xFFFF0000  }
0x33a: {  	_ =	swait.ge [sflag:s24], $0x10000  }
0x33b: {  	[sflag:s24] =	ssyncset.done $0x0  }
0x33c: {  	[sflag:s24] =	ssyncadd.s32 $0xFFFF0000  }
0x33d: {  	_ =	swait.ge [sflag:s24], $0x10000  }
0x33e: {  	[sflag:s24] =	ssyncset.done $0x0  }
0x33f: {  	[sflag:s24] =	ssyncadd.s32 $0xFFFF0000  }
0x340: {  	_ =	swait.ge [sflag:s24], $0x10000  }
0x341: {  	[sflag:s24] =	ssyncset.done $0x0  }
0x342: {  	[sflag:s24] =	ssyncadd.s32 $0xFFFF0000  }
0x343: {  	_ =	swait.ge [sflag:s24], $0x10000  }
0x344: {  	[sflag:s24] =	ssyncset.done $0x0  }
0x345: {  	[sflag:s24] =	ssyncadd.s32 $0xFFFF0000  }
0x346: {  	_ =	swait.ge [sflag:s24], $0x10000  }
0x347: {  	[sflag:s24] =	ssyncset.done $0x0  }
0x348: {  	[sflag:s24] =	ssyncadd.s32 $0xFFFF0000  }
0x349: {  	_ =	swait.ge [sflag:s24], $0x10000  }
0x34a: {  	[sflag:s24] =	ssyncset.done $0x0  }
0x34b: {  	[sflag:s24] =	ssyncadd.s32 $0xFFFF0000  }
0x34c: {  	_ =	swait.ge [sflag:s24], $0x10000  }
0x34d: {  	[sflag:s24] =	ssyncset.done $0x0  }
0x34e: {  	s13 =	simm.s32 $0x3800;
	s14 =	rddreg [dreg:$0x10];
	[sflag:s24] =	ssyncadd.s32 $0xFFFF0000  }
0x34f: {  	[tilespmem:s13], [sflag:$0x1] =	stream.strided.gather [hbm4b:s14+s10], $0x400, s11, s10, $0x38;
	[tilespmem:$0x1F000] =	vst v63  }
0x350: {  	s15 =	simm.s32 $0xB400;
	s26 =	sadd.s32 $0x1000, s14  }
0x351: {  	[tilespmem:s15], [sflag:$0x1] =	stream.strided.gather [hbm4b:s26+s10], $0x400, s11, s10, $0x38;
	[tilespmem:$0x1F000] =	vst v63  }
0x352: {  	s15 =	sadd.s32 $0x2000, s14;
	s26 =	simm.s32 $0x13000  }
0x353: {  	[tilespmem:s26], [sflag:$0x1] =	stream.strided.gather [hbm4b:s15+s10], $0x400, s11, s10, $0x38;
	[tilespmem:$0x1F000] =	vst v63  }
0x354: {  	s14 =	sadd.s32 $0x3000, s14  }
0x355: {  	[tilespmem:s16], [sflag:$0x1] =	stream.strided.gather [hbm4b:s14+s10], $0x400, s11, s10, $0x38;
	[tilespmem:$0x1F000] =	vst v63  }
0x356: {  	s14 =	rddreg [dreg:$0x12]  }
0x357: {  	[tilespmem:s17], [sflag:$0x1] =	stream.strided.gather [hbm4b:s14+s10], $0x400, s11, s10, $0x38;
	[tilespmem:$0x1F000] =	vst v63  }
0x358: {  	s15 =	sadd.s32 $0x1000, s14  }
0x359: {  	[tilespmem:s18], [sflag:$0x1] =	stream.strided.gather [hbm4b:s15+s10], $0x400, s11, s10, $0x38;
	[tilespmem:$0x1F000] =	vst v63  }
0x35a: {  	s26 =	sadd.s32 $0x2000, s14  }
0x35b: {  	[tilespmem:s19], [sflag:$0x1] =	stream.strided.gather [hbm4b:s26+s10], $0x400, s11, s10, $0x38;
	[tilespmem:$0x1F000] =	vst v63  }
0x35c: {  	s14 =	sadd.s32 $0x3000, s14;
	s26 =	simm.s32 $0x1B000  }
0x35d: {  	[tilespmem:s26], [sflag:$0x1] =	stream.strided.gather [hbm4b:s14+s10], $0x400, s11, s10, $0x38;
	[tilespmem:$0x1F000] =	vst v63  }
0x35e: {  	s14 =	rddreg [dreg:$0x14]  }
0x35f: {  	[tilespmem:s20], [sflag:$0x1] =	stream.strided.gather [hbm4b:s14+s10], $0x400, s11, s10, $0x38;
	[tilespmem:$0x1F000] =	vst v63  }
0x360: {  	s15 =	sadd.s32 $0x1000, s14  }
0x361: {  	[tilespmem:s21], [sflag:$0x1] =	stream.strided.gather [hbm4b:s15+s10], $0x400, s11, s10, $0x38;
	[tilespmem:$0x1F000] =	vst v63  }
0x362: {  	s15 =	sadd.s32 $0x2000, s14  }
0x363: {  	[tilespmem:s22], [sflag:$0x1] =	stream.strided.gather [hbm4b:s15+s10], $0x400, s11, s10, $0x38;
	[tilespmem:$0x1F000] =	vst v63  }
0x364: {  	s14 =	sadd.s32 $0x3000, s14  }
0x365: {  	[tilespmem:s23], [sflag:$0x1] =	stream.strided.gather [hbm4b:s14+s10], $0x400, s11, s10, $0x38;
	[tilespmem:$0x1F000] =	vst v63  }
0x366: {  	_ =	swait.ge [sflag:s12], $0x1000  }
0x367: {  	[sflag:s12] =	ssyncset.done $0x0  }
0x368: {  	[sflag:s12] =	ssyncadd.s32 $0xFFFFF000  }
0x369: {  	_ =	swait.ge [sflag:s12], $0x1000  }
0x36a: {  	[sflag:s12] =	ssyncset.done $0x0  }
0x36b: {  	[sflag:s12] =	ssyncadd.s32 $0xFFFFF000  }
0x36c: {  	_ =	swait.ge [sflag:s12], $0x1000  }
0x36d: {  	[sflag:s12] =	ssyncset.done $0x0  }
0x36e: {  	s13 =	sadd.s32 $0x0, s6;
	s15 =	simm.s32 $0x3C00;
	[sflag:s12] =	ssyncadd.s32 $0xFFFFF000  }
0x36f: {  	[hbm4b:s13+s1] =	stream.linear.scatter [tilespmem:s15], [sflag:$0x2], $0x4000, $0x38;
	[tilespmem:$0x1F000] =	vst v63  }
0x370: {  	s14 =	simm.s32 $0xB800;
	s15 =	sadd.s32 $0x800, s13  }
0x371: {  	[hbm4b:s15+s1] =	stream.linear.scatter [tilespmem:s14], [sflag:$0x2], $0x4000, $0x38;
	[tilespmem:$0x1F000] =	vst v63  }
0x372: {  	s14 =	simm.s32 $0x13400;
	s15 =	sadd.s32 $0x1000, s13  }
0x373: {  	[hbm4b:s15+s1] =	stream.linear.scatter [tilespmem:s14], [sflag:$0x2], $0x4000, $0x38;
	[tilespmem:$0x1F000] =	vst v63  }
0x374: {  	s29 =	simm.s32 $0x200000;
	s14 =	sadd.s32 $0x1800, s13;
	s13 =	simm.s32 $0x1AC00  }
.LBB2_22:
0x375: {  	[hbm4b:s14+s1] =	stream.linear.scatter [tilespmem:s26], [sflag:$0x2], $0x4000, $0x38;
	[tilespmem:$0x1F000] =	vst v63  }
0x376: {  	s14 =	sadd.s32 s29, s6;
	s15 =	sadd.s32 $0xFFFE8C00, s13;
	p0 =	sne.s32 s29, $0x1E00000  }
0x377: {  	[hbm4b:s14+s1] =	stream.linear.scatter [tilespmem:s15], [sflag:$0x2], $0x4000, $0x38;
	[tilespmem:$0x1F000] =	vst v63  }
.Ltmp10:
0x378: {  	s26 =	sadd.s32 $0x800, s14;
	s15 =	sadd.s32 $0xFFFF0800, s13;
	(pc) =	sbr.rel @p0 .LBB2_22-.Ltmp10, $4  }
0x379: {  	[hbm4b:s26+s1] =	stream.linear.scatter [tilespmem:s15], [sflag:$0x2], $0x4000, $0x38;
	[tilespmem:$0x1F000] =	vst v63  }
0x37a: {  	s29 =	sadd.s32 $0x200000, s29;
	s15 =	sadd.s32 $0xFFFF8400, s13;
	s26 =	sadd.s32 $0x1000, s14  }
0x37b: {  	[hbm4b:s26+s1] =	stream.linear.scatter [tilespmem:s15], [sflag:$0x2], $0x4000, $0x38;
	[tilespmem:$0x1F000] =	vst v63  }
0x37c: {  	s14 =	sadd.s32 $0x1800, s14;
	s26 =	smov.u32 s13;
	s13 =	sadd.s32 $0xFFFFFC00, s13  }
0x37d: {  	[hbm4b:s14+s1] =	stream.linear.scatter [tilespmem:s26], [sflag:$0x2], $0x4000, $0x38;
	[tilespmem:$0x1F000] =	vst v63  }
0x37e: {  	_ =	swait.ge [sflag:s24], $0x10000  }
0x37f: {  	[sflag:s24] =	ssyncset.done $0x0  }
0x380: {  	[sflag:s24] =	ssyncadd.s32 $0xFFFF0000  }
0x381: {  	_ =	swait.ge [sflag:s24], $0x10000  }
0x382: {  	[sflag:s24] =	ssyncset.done $0x0  }
0x383: {  	[sflag:s24] =	ssyncadd.s32 $0xFFFF0000  }
0x384: {  	_ =	swait.ge [sflag:s24], $0x10000  }
0x385: {  	[sflag:s24] =	ssyncset.done $0x0  }
0x386: {  	[sflag:s24] =	ssyncadd.s32 $0xFFFF0000  }
0x387: {  	_ =	swait.ge [sflag:s24], $0x10000  }
0x388: {  	[sflag:s24] =	ssyncset.done $0x0  }
0x389: {  	[sflag:s24] =	ssyncadd.s32 $0xFFFF0000  }
0x38a: {  	_ =	swait.ge [sflag:s24], $0x10000  }
0x38b: {  	[sflag:s24] =	ssyncset.done $0x0  }
0x38c: {  	[sflag:s24] =	ssyncadd.s32 $0xFFFF0000  }
0x38d: {  	_ =	swait.ge [sflag:s24], $0x10000  }
0x38e: {  	[sflag:s24] =	ssyncset.done $0x0  }
0x38f: {  	[sflag:s24] =	ssyncadd.s32 $0xFFFF0000  }
0x390: {  	_ =	swait.ge [sflag:s24], $0x10000  }
0x391: {  	[sflag:s24] =	ssyncset.done $0x0  }
0x392: {  	[sflag:s24] =	ssyncadd.s32 $0xFFFF0000  }
0x393: {  	_ =	swait.ge [sflag:s24], $0x10000  }
0x394: {  	[sflag:s24] =	ssyncset.done $0x0  }
0x395: {  	[sflag:s24] =	ssyncadd.s32 $0xFFFF0000  }
0x396: {  	_ =	swait.ge [sflag:s24], $0x10000  }
0x397: {  	[sflag:s24] =	ssyncset.done $0x0  }
0x398: {  	[sflag:s24] =	ssyncadd.s32 $0xFFFF0000  }
0x399: {  	_ =	swait.ge [sflag:s24], $0x10000  }
0x39a: {  	[sflag:s24] =	ssyncset.done $0x0  }
0x39b: {  	[sflag:s24] =	ssyncadd.s32 $0xFFFF0000  }
0x39c: {  	_ =	swait.ge [sflag:s24], $0x10000  }
0x39d: {  	[sflag:s24] =	ssyncset.done $0x0  }
0x39e: {  	[sflag:s24] =	ssyncadd.s32 $0xFFFF0000  }
0x39f: {  	_ =	swait.ge [sflag:s24], $0x10000  }
0x3a0: {  	[sflag:s24] =	ssyncset.done $0x0  }
0x3a1: {  	[sflag:s24] =	ssyncadd.s32 $0xFFFF0000  }
0x3a2: {  	_ =	swait.ge [sflag:s24], $0x10000  }
0x3a3: {  	[sflag:s24] =	ssyncset.done $0x0  }
0x3a4: {  	[sflag:s24] =	ssyncadd.s32 $0xFFFF0000  }
0x3a5: {  	_ =	swait.ge [sflag:s24], $0x10000  }
0x3a6: {  	[sflag:s24] =	ssyncset.done $0x0  }
0x3a7: {  	[sflag:s24] =	ssyncadd.s32 $0xFFFF0000  }
0x3a8: {  	_ =	swait.ge [sflag:s24], $0x10000  }
0x3a9: {  	[sflag:s24] =	ssyncset.done $0x0  }
0x3aa: {  	[sflag:s24] =	ssyncadd.s32 $0xFFFF0000  }
0x3ab: {  	_ =	swait.ge [sflag:s24], $0x10000  }
0x3ac: {  	[sflag:s24] =	ssyncset.done $0x0  }
0x3ad: {  	s13 =	simm.s32 $0x3800;
	s14 =	rddreg [dreg:$0x16];
	[sflag:s24] =	ssyncadd.s32 $0xFFFF0000  }
0x3ae: {  	[tilespmem:s13], [sflag:$0x1] =	stream.strided.gather [hbm4b:s14+s10], $0x400, s11, s10, $0x38;
	[tilespmem:$0x1F000] =	vst v63  }
0x3af: {  	s15 =	simm.s32 $0xB400;
	s26 =	sadd.s32 $0x1000, s14  }
0x3b0: {  	[tilespmem:s15], [sflag:$0x1] =	stream.strided.gather [hbm4b:s26+s10], $0x400, s11, s10, $0x38;
	[tilespmem:$0x1F000] =	vst v63  }
0x3b1: {  	s15 =	sadd.s32 $0x2000, s14;
	s26 =	simm.s32 $0x13000  }
0x3b2: {  	[tilespmem:s26], [sflag:$0x1] =	stream.strided.gather [hbm4b:s15+s10], $0x400, s11, s10, $0x38;
	[tilespmem:$0x1F000] =	vst v63  }
0x3b3: {  	s14 =	sadd.s32 $0x3000, s14  }
0x3b4: {  	[tilespmem:s16], [sflag:$0x1] =	stream.strided.gather [hbm4b:s14+s10], $0x400, s11, s10, $0x38;
	[tilespmem:$0x1F000] =	vst v63  }
0x3b5: {  	s14 =	rddreg [dreg:$0x18]  }
0x3b6: {  	[tilespmem:s17], [sflag:$0x1] =	stream.strided.gather [hbm4b:s14+s10], $0x400, s11, s10, $0x38;
	[tilespmem:$0x1F000] =	vst v63  }
0x3b7: {  	s15 =	sadd.s32 $0x1000, s14  }
0x3b8: {  	[tilespmem:s18], [sflag:$0x1] =	stream.strided.gather [hbm4b:s15+s10], $0x400, s11, s10, $0x38;
	[tilespmem:$0x1F000] =	vst v63  }
0x3b9: {  	s26 =	sadd.s32 $0x2000, s14  }
0x3ba: {  	[tilespmem:s19], [sflag:$0x1] =	stream.strided.gather [hbm4b:s26+s10], $0x400, s11, s10, $0x38;
	[tilespmem:$0x1F000] =	vst v63  }
0x3bb: {  	s14 =	sadd.s32 $0x3000, s14;
	s26 =	simm.s32 $0x1B000  }
0x3bc: {  	[tilespmem:s26], [sflag:$0x1] =	stream.strided.gather [hbm4b:s14+s10], $0x400, s11, s10, $0x38;
	[tilespmem:$0x1F000] =	vst v63  }
0x3bd: {  	s14 =	rddreg [dreg:$0x19]  }
0x3be: {  	[tilespmem:s20], [sflag:$0x1] =	stream.strided.gather [hbm4b:s14+s10], $0x400, s11, s10, $0x38;
	[tilespmem:$0x1F000] =	vst v63  }
0x3bf: {  	s15 =	sadd.s32 $0x1000, s14  }
0x3c0: {  	[tilespmem:s21], [sflag:$0x1] =	stream.strided.gather [hbm4b:s15+s10], $0x400, s11, s10, $0x38;
	[tilespmem:$0x1F000] =	vst v63  }
0x3c1: {  	s15 =	sadd.s32 $0x2000, s14  }
0x3c2: {  	[tilespmem:s22], [sflag:$0x1] =	stream.strided.gather [hbm4b:s15+s10], $0x400, s11, s10, $0x38;
	[tilespmem:$0x1F000] =	vst v63  }
0x3c3: {  	s14 =	sadd.s32 $0x3000, s14  }
0x3c4: {  	[tilespmem:s23], [sflag:$0x1] =	stream.strided.gather [hbm4b:s14+s10], $0x400, s11, s10, $0x38;
	[tilespmem:$0x1F000] =	vst v63  }
0x3c5: {  	_ =	swait.ge [sflag:s12], $0x1000  }
0x3c6: {  	[sflag:s12] =	ssyncset.done $0x0  }
0x3c7: {  	[sflag:s12] =	ssyncadd.s32 $0xFFFFF000  }
0x3c8: {  	_ =	swait.ge [sflag:s12], $0x1000  }
0x3c9: {  	[sflag:s12] =	ssyncset.done $0x0  }
0x3ca: {  	[sflag:s12] =	ssyncadd.s32 $0xFFFFF000  }
0x3cb: {  	_ =	swait.ge [sflag:s12], $0x1000  }
0x3cc: {  	[sflag:s12] =	ssyncset.done $0x0  }
0x3cd: {  	s13 =	sadd.s32 $0x0, s7;
	s15 =	simm.s32 $0x3C00;
	[sflag:s12] =	ssyncadd.s32 $0xFFFFF000  }
0x3ce: {  	[hbm4b:s13+s1] =	stream.linear.scatter [tilespmem:s15], [sflag:$0x2], $0x4000, $0x38;
	[tilespmem:$0x1F000] =	vst v63  }
0x3cf: {  	s14 =	simm.s32 $0xB800;
	s15 =	sadd.s32 $0x800, s13  }
0x3d0: {  	[hbm4b:s15+s1] =	stream.linear.scatter [tilespmem:s14], [sflag:$0x2], $0x4000, $0x38;
	[tilespmem:$0x1F000] =	vst v63  }
0x3d1: {  	s14 =	simm.s32 $0x13400;
	s15 =	sadd.s32 $0x1000, s13  }
0x3d2: {  	[hbm4b:s15+s1] =	stream.linear.scatter [tilespmem:s14], [sflag:$0x2], $0x4000, $0x38;
	[tilespmem:$0x1F000] =	vst v63  }
0x3d3: {  	s29 =	simm.s32 $0x200000;
	s14 =	sadd.s32 $0x1800, s13;
	s13 =	simm.s32 $0x1AC00  }
.LBB2_24:
0x3d4: {  	[hbm4b:s14+s1] =	stream.linear.scatter [tilespmem:s26], [sflag:$0x2], $0x4000, $0x38;
	[tilespmem:$0x1F000] =	vst v63  }
0x3d5: {  	s14 =	sadd.s32 s29, s7;
	s15 =	sadd.s32 $0xFFFE8C00, s13;
	p0 =	sne.s32 s29, $0x1E00000  }
0x3d6: {  	[hbm4b:s14+s1] =	stream.linear.scatter [tilespmem:s15], [sflag:$0x2], $0x4000, $0x38;
	[tilespmem:$0x1F000] =	vst v63  }
.Ltmp11:
0x3d7: {  	s26 =	sadd.s32 $0x800, s14;
	s15 =	sadd.s32 $0xFFFF0800, s13;
	(pc) =	sbr.rel @p0 .LBB2_24-.Ltmp11, $4  }
0x3d8: {  	[hbm4b:s26+s1] =	stream.linear.scatter [tilespmem:s15], [sflag:$0x2], $0x4000, $0x38;
	[tilespmem:$0x1F000] =	vst v63  }
0x3d9: {  	s29 =	sadd.s32 $0x200000, s29;
	s15 =	sadd.s32 $0xFFFF8400, s13;
	s26 =	sadd.s32 $0x1000, s14  }
0x3da: {  	[hbm4b:s26+s1] =	stream.linear.scatter [tilespmem:s15], [sflag:$0x2], $0x4000, $0x38;
	[tilespmem:$0x1F000] =	vst v63  }
0x3db: {  	s14 =	sadd.s32 $0x1800, s14;
	s26 =	smov.u32 s13;
	s13 =	sadd.s32 $0xFFFFFC00, s13  }
0x3dc: {  	[hbm4b:s14+s1] =	stream.linear.scatter [tilespmem:s26], [sflag:$0x2], $0x4000, $0x38;
	[tilespmem:$0x1F000] =	vst v63  }
0x3dd: {  	_ =	swait.ge [sflag:s24], $0x10000  }
0x3de: {  	[sflag:s24] =	ssyncset.done $0x0  }
0x3df: {  	[sflag:s24] =	ssyncadd.s32 $0xFFFF0000  }
0x3e0: {  	_ =	swait.ge [sflag:s24], $0x10000  }
0x3e1: {  	[sflag:s24] =	ssyncset.done $0x0  }
0x3e2: {  	[sflag:s24] =	ssyncadd.s32 $0xFFFF0000  }
0x3e3: {  	_ =	swait.ge [sflag:s24], $0x10000  }
0x3e4: {  	[sflag:s24] =	ssyncset.done $0x0  }
0x3e5: {  	[sflag:s24] =	ssyncadd.s32 $0xFFFF0000  }
0x3e6: {  	_ =	swait.ge [sflag:s24], $0x10000  }
0x3e7: {  	[sflag:s24] =	ssyncset.done $0x0  }
0x3e8: {  	[sflag:s24] =	ssyncadd.s32 $0xFFFF0000  }
0x3e9: {  	_ =	swait.ge [sflag:s24], $0x10000  }
0x3ea: {  	[sflag:s24] =	ssyncset.done $0x0  }
0x3eb: {  	[sflag:s24] =	ssyncadd.s32 $0xFFFF0000  }
0x3ec: {  	_ =	swait.ge [sflag:s24], $0x10000  }
0x3ed: {  	[sflag:s24] =	ssyncset.done $0x0  }
0x3ee: {  	[sflag:s24] =	ssyncadd.s32 $0xFFFF0000  }
0x3ef: {  	_ =	swait.ge [sflag:s24], $0x10000  }
0x3f0: {  	[sflag:s24] =	ssyncset.done $0x0  }
0x3f1: {  	[sflag:s24] =	ssyncadd.s32 $0xFFFF0000  }
0x3f2: {  	_ =	swait.ge [sflag:s24], $0x10000  }
0x3f3: {  	[sflag:s24] =	ssyncset.done $0x0  }
0x3f4: {  	[sflag:s24] =	ssyncadd.s32 $0xFFFF0000  }
0x3f5: {  	_ =	swait.ge [sflag:s24], $0x10000  }
0x3f6: {  	[sflag:s24] =	ssyncset.done $0x0  }
0x3f7: {  	[sflag:s24] =	ssyncadd.s32 $0xFFFF0000  }
0x3f8: {  	_ =	swait.ge [sflag:s24], $0x10000  }
0x3f9: {  	[sflag:s24] =	ssyncset.done $0x0  }
0x3fa: {  	[sflag:s24] =	ssyncadd.s32 $0xFFFF0000  }
0x3fb: {  	_ =	swait.ge [sflag:s24], $0x10000  }
0x3fc: {  	[sflag:s24] =	ssyncset.done $0x0  }
0x3fd: {  	[sflag:s24] =	ssyncadd.s32 $0xFFFF0000  }
0x3fe: {  	_ =	swait.ge [sflag:s24], $0x10000  }
0x3ff: {  	[sflag:s24] =	ssyncset.done $0x0  }
0x400: {  	[sflag:s24] =	ssyncadd.s32 $0xFFFF0000  }
0x401: {  	_ =	swait.ge [sflag:s24], $0x10000  }
0x402: {  	[sflag:s24] =	ssyncset.done $0x0  }
0x403: {  	[sflag:s24] =	ssyncadd.s32 $0xFFFF0000  }
0x404: {  	_ =	swait.ge [sflag:s24], $0x10000  }
0x405: {  	[sflag:s24] =	ssyncset.done $0x0  }
0x406: {  	[sflag:s24] =	ssyncadd.s32 $0xFFFF0000  }
0x407: {  	_ =	swait.ge [sflag:s24], $0x10000  }
0x408: {  	[sflag:s24] =	ssyncset.done $0x0  }
0x409: {  	[sflag:s24] =	ssyncadd.s32 $0xFFFF0000  }
0x40a: {  	_ =	swait.ge [sflag:s24], $0x10000  }
0x40b: {  	s25 =	sadd.s32 $0x1, s25;
	s13 =	rddreg [dreg:$0x1b]  }
0x40c: {  	p0 =	sne.s32 s25, s13  }
.Ltmp12:
0x40d: {  	_ = 	snop;
	(pc) =	sbr.rel @p0 .LBB2_1-.Ltmp12, $3  }
0x40e: {  	_ =	sdelay $0x1  }
0x40f: {  	[sflag:s24] =	ssyncset.done $0x0  }
0x410: {  	[sflag:s24] =	ssyncadd.s32 $0xFFFF0000  }
0x411: {  	_ =	sfence.sel $0x180000  }
0x412: {  	[bflag:$0x0] =	sbarrier.arrive $0xFFFF  }
0x413: {  	_ =	strace $0x90000047  }
0x414: {  	s0 =	stileid.u32;
	[bflag:$0x2] =	sbarrier.arrive $0xFFFF  }
0x415: {  	p0 =	sne.s32 s0, $0x0;
	s0 =	rddreg [dreg:$0x2]  }
0x416: {  	s0 =	sadd.s32 @!p0 $0x100000, s0  }
0x417: {  	[sflag:s0] =	ssyncadd.tile.s32 @!p0 $0x1;
	_ =	shalt  }
.Lfunc_end2:
_tile_overlayer_lowered:
.L_overlay_start_2:
0x418: {  	(tag) =	ssettag $0x2  }
0x419: {  	s0 =	rddreg [dreg:$0x0];
	s2 =	stileid.u32  }
0x41a: {  	s1 =	rddreg [dreg:$0x1];
	p0 =	sne.s32 s2, $0x0  }
0x41b: {  	s3 =	rddreg [dreg:$0x2];
	[bflag:$0x3] =	sbarrier.arrive $0xFFFF;
	s2 =	simm.s32 @!p0 $0x1C03  }
0x41c: {  	[timem:s3], [sflag:s2] =	dma.local @!p0 [hbm:s0], s1  }
0x41d: {  	s0 =	simm.s32 @!p0 $0x3  }
0x41e: {  	_ =	swait.ge @!p0 [sflag:s0], s1  }
0x41f: {  	s1 =	ssub.s32 @!p0 $0x0, s1;
	[sflag:s0] =	ssyncset.done @!p0 $0x0  }
0x420: {  	[sflag:s0] =	ssyncadd.s32 @!p0 s1  }
0x421: {  	[bflag:$0x3] =	sbarrier.arrive $0xFFFF  }
0x422: {  	_ =	shalt  }

</sc_bundles>
